<compile_context>
chip_gen: v7x
topology: tpu7x:2x2x1
jax: 0.10.2.dev20260603
libtpu: 0.0.44.dev20260713+nightly
codegen_flags: <defaults>
</compile_context>

<pallas_src>
import functools

import jax
import jax.numpy as jnp
from jax import lax
from jax.experimental import pallas as pl
from jax.experimental.pallas import tpu as pltpu
from jax.experimental.pallas import tpu_sc as plsc

N = 16384
D = 32
W = D // 2
C = 1000
CP = 1024
NS = 16
R = N // NS
CHUNK = 128
NCHUNK = R // CHUNK
L = 16
OSL = CP // NS


def _lanes_f32(val):
    return jnp.full((L,), val, dtype=jnp.float32)


def _sc_body(emb_hbm, embp_hbm, tgt_hbm, out_hbm,
             emb_v, embp_v, tgt_v, myrows_v, mypk_v, sumsp_l, cnts_l,
             ones_v, zrow_v, zcnt_v, part_v,
             sums_sh, cnts_sh, sumsp_sh, sem_e, sem_p, sem_t, sem_s):
    wid = lax.axis_index("s")
    base = wid * R
    zero16 = _lanes_f32(0.0)
    lane = lax.broadcasted_iota(jnp.int32, (L,), 0)

    cp_emb = pltpu.async_copy(emb_hbm.at[pl.ds(base, R), :], emb_v, sem_e)
    cp_pk = pltpu.async_copy(embp_hbm.at[pl.ds(base, R), :], embp_v, sem_p)
    cp_tgt = pltpu.async_copy(tgt_hbm.at[wid], tgt_v, sem_t)

    for i in range(OSL):
        zrow_v[i, pl.ds(0, L)] = zero16
        zrow_v[i, pl.ds(L, L)] = zero16
    for i in range(OSL // L):
        zcnt_v[pl.ds(i * L, L)] = zero16
    for i in range(CHUNK // L):
        ones_v[pl.ds(i * L, L)] = _lanes_f32(1.0)
    pltpu.sync_copy(zrow_v, sums_sh.at[pl.ds(wid * OSL, OSL), :])
    pltpu.sync_copy(zcnt_v, cnts_sh.at[pl.ds(wid * OSL, OSL)])
    cp_emb.wait()
    cp_tgt.wait()
    plsc.subcore_barrier()

    adds = []
    for j in range(NCHUNK):
        idx = tgt_v.at[j]
        adds.append(pltpu.async_copy(emb_v.at[pl.ds(j * CHUNK, CHUNK), :],
                                     sums_sh.at[idx], sem_s, add=True))
        adds.append(pltpu.async_copy(ones_v, cnts_sh.at[idx], sem_s,
                                     add=True))
    for a in adds:
        a.wait()
    plsc.subcore_barrier()

    pltpu.sync_copy(sums_sh.at[pl.ds(wid * OSL, OSL), :], myrows_v)
    for grp in range(OSL // L):
        rloc = grp * L + lane
        for w in range(W):
            wa = jnp.full((L,), 2 * w, dtype=jnp.int32)
            wb = jnp.full((L,), 2 * w + 1, dtype=jnp.int32)
            ga = plsc.load_gather(myrows_v, [rloc, wa])
            gb = plsc.load_gather(myrows_v, [rloc, wb])
            pk = plsc.pack(ga, gb, format=plsc.PackFormat.INTERLEAVED)
            wi = plsc.bitcast(pk, jnp.int32)
            wv = jnp.full((L,), w, dtype=jnp.int32)
            plsc.store_scatter(mypk_v, [rloc, wv], wi)
    pltpu.sync_copy(mypk_v, sumsp_sh.at[pl.ds(wid * OSL, OSL), :])
    plsc.subcore_barrier()

    pltpu.sync_copy(sumsp_sh, sumsp_l)
    pltpu.sync_copy(cnts_sh, cnts_l)
    cp_pk.wait()

    WSUB = 4

    def group_body(g, acc):
        rv = g * L + lane
        tv = plsc.load_gather(tgt_v, [lax.shift_right_logical(rv, 7),
                                      rv & (CHUNK - 1)])
        cv = plsc.load_gather(cnts_l, [tv])
        invc = 1.0 / jnp.maximum(cv, 1.0)

        def dim_body(j, sqs):
            sq0, sq1 = sqs
            w0 = j * WSUB
            for kk in range(WSUB):
                wv = jnp.full((L,), 0, dtype=jnp.int32) + (w0 + kk)
                ew = plsc.load_gather(embp_v, [rv, wv])
                sw = plsc.load_gather(sumsp_l, [tv, wv])
                ea, eb = plsc.unpack(plsc.bitcast(ew, jnp.bfloat16),
                                     format=plsc.PackFormat.INTERLEAVED)
                sa, sb = plsc.unpack(plsc.bitcast(sw, jnp.bfloat16),
                                     format=plsc.PackFormat.INTERLEAVED)
                d0 = ea - invc * sa
                d1 = eb - invc * sb
                sq0 = sq0 + d0 * d0
                sq1 = sq1 + d1 * d1
            return (sq0, sq1)

        sq0, sq1 = lax.fori_loop(0, W // WSUB, dim_body,
                                 (_lanes_f32(0.0), _lanes_f32(0.0)))
        sq = sq0 + sq1
        i = plsc.bitcast(sq, jnp.int32)
        i = 0x5F3759DF - lax.shift_right_logical(i, 1)
        y = plsc.bitcast(i, jnp.float32)
        for _ in range(3):
            y = y * (1.5 - 0.5 * sq * y * y)
        norm = jnp.where(sq > 0.0, sq * y, 0.0)
        return acc + norm * invc

    part = lax.fori_loop(0, R // L, group_body, _lanes_f32(0.0))
    part_v[...] = part
    pltpu.sync_copy(part_v, out_hbm.at[pl.ds(wid * L, L)])


@jax.jit
def _center_loss_sc(embeddeds, embp, tgt3d):
    mesh = plsc.VectorSubcoreMesh(core_axis_name="c", subcore_axis_name="s",
                                  num_cores=1, num_subcores=NS)
    f = pl.kernel(
        _sc_body,
        out_type=jax.ShapeDtypeStruct((NS * L,), jnp.float32),
        mesh=mesh,
        compiler_params=pltpu.CompilerParams(use_tc_tiling_on_sc=False,
                                             needs_layout_passes=False),
        scratch_types=[
            pltpu.VMEM((R, D), jnp.float32),
            pltpu.VMEM((R, W), jnp.int32),
            pltpu.VMEM((NCHUNK, CHUNK), jnp.int32),
            pltpu.VMEM((OSL, D), jnp.float32),
            pltpu.VMEM((OSL, W), jnp.int32),
            pltpu.VMEM((CP, W), jnp.int32),
            pltpu.VMEM((CP,), jnp.float32),
            pltpu.VMEM((CHUNK,), jnp.float32),
            pltpu.VMEM((OSL, D), jnp.float32),
            pltpu.VMEM((OSL,), jnp.float32),
            pltpu.VMEM((L,), jnp.float32),
            pltpu.VMEM_SHARED((CP, D), jnp.float32),
            pltpu.VMEM_SHARED((CP,), jnp.float32),
            pltpu.VMEM_SHARED((CP, W), jnp.int32),
            pltpu.SemaphoreType.DMA,
            pltpu.SemaphoreType.DMA,
            pltpu.SemaphoreType.DMA,
            pltpu.SemaphoreType.DMA,
        ],
    )
    return f(embeddeds, embp, tgt3d)


def kernel(embeddeds, target):
    tgt3d = target.astype(jnp.int32).reshape(NS, NCHUNK, CHUNK)
    ebf = embeddeds.astype(jnp.bfloat16).reshape(N, W, 2)
    embp = lax.bitcast_convert_type(ebf, jnp.int32)
    out = _center_loss_sc(embeddeds, embp, tgt3d)
    return jnp.sum(out)

# --- scband reference (transcript-rebuilt; emitter-appended) ---
"""Pipeline reference for scband-center-loss-27075473834528 (READ-ONLY COPY).

The authoritative reference and input builder live on the scoring server;
editing this copy changes nothing except your own understanding.
"""

import jax, jax.numpy as jnp
import numpy as np

N_CLASSES = 1000

def setup_inputs(seed: int = 0) -> dict:
    key = jax.random.key(seed)
    k1, k2 = jax.random.split(key)
    embeddeds = jax.random.normal(k1, (16384, 32), dtype=jnp.float32)
    target = jax.random.randint(k2, (16384,), 0, N_CLASSES, dtype=jnp.int64)
    return {"embeddeds": embeddeds, "target": target}

def _safe_norm(diffs):
    sq = jnp.sum(diffs * diffs, axis=1)
    # norm with subgradient 0 at 0 (matches torch.norm backward at 0)
    return jnp.where(sq > 0, jnp.sqrt(jnp.where(sq > 0, sq, 1.0)), 0.0)

def reference(embeddeds, target):
    target = target.astype(jnp.int32)
    ones = jnp.ones((embeddeds.shape[0],), dtype=embeddeds.dtype)
    counts = jax.ops.segment_sum(ones, target, num_segments=N_CLASSES)
    sums = jax.ops.segment_sum(embeddeds, target, num_segments=N_CLASSES)
    safe_counts = jnp.maximum(counts, 1.0)
    means = sums / safe_counts[:, None]
    # per-sample distance to its class mean (mean_center=True branch)
    diffs = embeddeds - jnp.take(means, target, axis=0)
    norms = _safe_norm(diffs)
    per_class_sum = jax.ops.segment_sum(norms, target, num_segments=N_CLASSES)
    per_class_mean = per_class_sum / safe_counts
    # classes with no samples contribute 0 (the `continue` branch)
    loss = jnp.sum(jnp.where(counts > 0, per_class_mean, 0.0))
    return loss

if __name__ == "__main__":
    import jax
    _d = setup_inputs()
    print(jax.jit(kernel)(*tuple(_d.values())))

</pallas_src>

<mosaic_0001>
#map = affine_map<(d0, d1) -> (0, 0)>
#map1 = affine_map<(d0, d1) -> (0, 0, 0)>
#map2 = affine_map<(d0, d1) -> (0)>
module attributes {stable_mosaic.version = 14 : i64} {
  func.func @_sc_body(%arg0: i32, %arg1: i32, %arg2: memref<16384x32xf32, #tpu.memory_space<hbm>>, %arg3: memref<16384x16xi32, #tpu.memory_space<hbm>>, %arg4: memref<16x8x128xi32, #tpu.memory_space<hbm>>, %arg5: memref<256xf32, #tpu.memory_space<hbm>>, %arg6: memref<1024x32xf32, #tpu.memory_space<vmem>>, %arg7: memref<1024x16xi32, #tpu.memory_space<vmem>>, %arg8: memref<8x128xi32, #tpu.memory_space<vmem>>, %arg9: memref<64x32xf32, #tpu.memory_space<vmem>>, %arg10: memref<64x16xi32, #tpu.memory_space<vmem>>, %arg11: memref<1024x16xi32, #tpu.memory_space<vmem>>, %arg12: memref<1024xf32, #tpu.memory_space<vmem>>, %arg13: memref<128xf32, #tpu.memory_space<vmem>>, %arg14: memref<64x32xf32, #tpu.memory_space<vmem>>, %arg15: memref<64xf32, #tpu.memory_space<vmem>>, %arg16: memref<16xf32, #tpu.memory_space<vmem>>, %arg17: memref<1024x32xf32, #tpu.memory_space<vmem_shared>>, %arg18: memref<1024xf32, #tpu.memory_space<vmem_shared>>, %arg19: memref<1024x16xi32, #tpu.memory_space<vmem_shared>>, %arg20: memref<!tpu.dma_semaphore, #tpu.memory_space<semaphore_mem>>, %arg21: memref<!tpu.dma_semaphore, #tpu.memory_space<semaphore_mem>>, %arg22: memref<!tpu.dma_semaphore, #tpu.memory_space<semaphore_mem>>, %arg23: memref<!tpu.dma_semaphore, #tpu.memory_space<semaphore_mem>>) attributes {dimension_semantics = [#tpu.dimension_semantics<core_parallel>, #tpu.dimension_semantics<subcore_parallel>], iteration_bounds = array<i64: 1, 16>, scalar_prefetch = 0 : i64, scratch_operands = 18 : i64, tpu.core_type = #tpu.core_type<sc_vector_subcore>, window_params = [{transform_indices = #map}, {transform_indices = #map}, {transform_indices = #map1}, {transform_indices = #map2}]} {
    %mul3A = arith.constant 1024 : i32
    %mul3A_0 = arith.muli %arg1, %mul3A : i32
    %broadcast_in_dim3A = arith.constant 0.000000e+00 : f32
    %broadcast_in_dim3A_1 = vector.broadcast %broadcast_in_dim3A : f32 to vector<16xf32>
    %iota3A = tpu.iota {dimensions = array<i32: 0>} : vector<16xi32>
    %dma_start3A = arith.constant 0 : i32
    %dma_start3A_2 = tpu.memref_slice %arg2[%mul3A_0, %dma_start3A] : memref<16384x32xf32, #tpu.memory_space<hbm>> -> memref<1024x32xf32, #tpu.memory_space<hbm>>
    %dma_start3A_3 = arith.constant 0 : i32
    %dma_start3A_4 = tpu.memref_slice %arg2[%mul3A_0, %dma_start3A_3] : memref<16384x32xf32, #tpu.memory_space<hbm>> -> memref<1024x32xf32, #tpu.memory_space<hbm>>
    tpu.enqueue_dma source(%dma_start3A_4 : memref<1024x32xf32, #tpu.memory_space<hbm>>) target(%arg6 : memref<1024x32xf32, #tpu.memory_space<vmem>>) target_semaphore(%arg20 : memref<!tpu.dma_semaphore, #tpu.memory_space<semaphore_mem>>)
    %dma_start3A_5 = arith.constant 0 : i32
    %dma_start3A_6 = tpu.memref_slice %arg3[%mul3A_0, %dma_start3A_5] : memref<16384x16xi32, #tpu.memory_space<hbm>> -> memref<1024x16xi32, #tpu.memory_space<hbm>>
    %dma_start3A_7 = arith.constant 0 : i32
    %dma_start3A_8 = tpu.memref_slice %arg3[%mul3A_0, %dma_start3A_7] : memref<16384x16xi32, #tpu.memory_space<hbm>> -> memref<1024x16xi32, #tpu.memory_space<hbm>>
    tpu.enqueue_dma source(%dma_start3A_8 : memref<1024x16xi32, #tpu.memory_space<hbm>>) target(%arg7 : memref<1024x16xi32, #tpu.memory_space<vmem>>) target_semaphore(%arg21 : memref<!tpu.dma_semaphore, #tpu.memory_space<semaphore_mem>>)
    %dma_start3A_9 = arith.constant 0 : i32
    %dma_start3A_10 = arith.constant 0 : i32
    %dma_start3A_11 = tpu.memref_slice %arg4[%arg1, %dma_start3A_9, %dma_start3A_10] : memref<16x8x128xi32, #tpu.memory_space<hbm>> -> memref<1x8x128xi32, #tpu.memory_space<hbm>>
    %dma_start3A_12 = tpu.memref_squeeze %dma_start3A_11 : memref<1x8x128xi32, #tpu.memory_space<hbm>> -> memref<8x128xi32, #tpu.memory_space<hbm>>
    %dma_start3A_13 = arith.constant 0 : i32
    %dma_start3A_14 = arith.constant 0 : i32
    %dma_start3A_15 = tpu.memref_slice %arg4[%arg1, %dma_start3A_13, %dma_start3A_14] : memref<16x8x128xi32, #tpu.memory_space<hbm>> -> memref<1x8x128xi32, #tpu.memory_space<hbm>>
    %dma_start3A_16 = tpu.memref_squeeze %dma_start3A_15 : memref<1x8x128xi32, #tpu.memory_space<hbm>> -> memref<8x128xi32, #tpu.memory_space<hbm>>
    tpu.enqueue_dma source(%dma_start3A_16 : memref<8x128xi32, #tpu.memory_space<hbm>>) target(%arg8 : memref<8x128xi32, #tpu.memory_space<vmem>>) target_semaphore(%arg22 : memref<!tpu.dma_semaphore, #tpu.memory_space<semaphore_mem>>)
    %swap3A = arith.constant 0 : i32
    %swap3A_17 = arith.index_cast %swap3A : i32 to index
    %swap3A_18 = arith.constant 0 : index
    %swap3A_19 = tpu.vector_load %arg14[%swap3A_17, %swap3A_18] {strides = array<i32>} : memref<64x32xf32, #tpu.memory_space<vmem>>, vector<16xf32>,
    tpu.vector_store %arg14[%swap3A_17, %swap3A_18], %broadcast_in_dim3A_1 {strides = array<i32>} : memref<64x32xf32, #tpu.memory_space<vmem>>, vector<16xf32>,
    %swap3A_20 = arith.constant 0 : i32
    %swap3A_21 = arith.index_cast %swap3A_20 : i32 to index
    %swap3A_22 = arith.constant 16 : index
    %swap3A_23 = tpu.vector_load %arg14[%swap3A_21, %swap3A_22] {strides = array<i32>} : memref<64x32xf32, #tpu.memory_space<vmem>>, vector<16xf32>,
    tpu.vector_store %arg14[%swap3A_21, %swap3A_22], %broadcast_in_dim3A_1 {strides = array<i32>} : memref<64x32xf32, #tpu.memory_space<vmem>>, vector<16xf32>,
    %swap3A_24 = arith.constant 1 : i32
    %swap3A_25 = arith.index_cast %swap3A_24 : i32 to index
    %swap3A_26 = arith.constant 0 : index
    %swap3A_27 = tpu.vector_load %arg14[%swap3A_25, %swap3A_26] {strides = array<i32>} : memref<64x32xf32, #tpu.memory_space<vmem>>, vector<16xf32>,
    tpu.vector_store %arg14[%swap3A_25, %swap3A_26], %broadcast_in_dim3A_1 {strides = array<i32>} : memref<64x32xf32, #tpu.memory_space<vmem>>, vector<16xf32>,
    %swap3A_28 = arith.constant 1 : i32
    %swap3A_29 = arith.index_cast %swap3A_28 : i32 to index
    %swap3A_30 = arith.constant 16 : index
    %swap3A_31 = tpu.vector_load %arg14[%swap3A_29, %swap3A_30] {strides = array<i32>} : memref<64x32xf32, #tpu.memory_space<vmem>>, vector<16xf32>,
    tpu.vector_store %arg14[%swap3A_29, %swap3A_30], %broadcast_in_dim3A_1 {strides = array<i32>} : memref<64x32xf32, #tpu.memory_space<vmem>>, vector<16xf32>,
    %swap3A_32 = arith.constant 2 : i32
    %swap3A_33 = arith.index_cast %swap3A_32 : i32 to index
    %swap3A_34 = arith.constant 0 : index
    %swap3A_35 = tpu.vector_load %arg14[%swap3A_33, %swap3A_34] {strides = array<i32>} : memref<64x32xf32, #tpu.memory_space<vmem>>, vector<16xf32>,
    tpu.vector_store %arg14[%swap3A_33, %swap3A_34], %broadcast_in_dim3A_1 {strides = array<i32>} : memref<64x32xf32, #tpu.memory_space<vmem>>, vector<16xf32>,
    %swap3A_36 = arith.constant 2 : i32
    %swap3A_37 = arith.index_cast %swap3A_36 : i32 to index
    %swap3A_38 = arith.constant 16 : index
    %swap3A_39 = tpu.vector_load %arg14[%swap3A_37, %swap3A_38] {strides = array<i32>} : memref<64x32xf32, #tpu.memory_space<vmem>>, vector<16xf32>,
    tpu.vector_store %arg14[%swap3A_37, %swap3A_38], %broadcast_in_dim3A_1 {strides = array<i32>} : memref<64x32xf32, #tpu.memory_space<vmem>>, vector<16xf32>,
    %swap3A_40 = arith.constant 3 : i32
    %swap3A_41 = arith.index_cast %swap3A_40 : i32 to index
    %swap3A_42 = arith.constant 0 : index
    %swap3A_43 = tpu.vector_load %arg14[%swap3A_41, %swap3A_42] {strides = array<i32>} : memref<64x32xf32, #tpu.memory_space<vmem>>, vector<16xf32>,
    tpu.vector_store %arg14[%swap3A_41, %swap3A_42], %broadcast_in_dim3A_1 {strides = array<i32>} : memref<64x32xf32, #tpu.memory_space<vmem>>, vector<16xf32>,
    %swap3A_44 = arith.constant 3 : i32
    %swap3A_45 = arith.index_cast %swap3A_44 : i32 to index
    %swap3A_46 = arith.constant 16 : index
    %swap3A_47 = tpu.vector_load %arg14[%swap3A_45, %swap3A_46] {strides = array<i32>} : memref<64x32xf32, #tpu.memory_space<vmem>>, vector<16xf32>,
    tpu.vector_store %arg14[%swap3A_45, %swap3A_46], %broadcast_in_dim3A_1 {strides = array<i32>} : memref<64x32xf32, #tpu.memory_space<vmem>>, vector<16xf32>,
    %swap3A_48 = arith.constant 4 : i32
    %swap3A_49 = arith.index_cast %swap3A_48 : i32 to index
    %swap3A_50 = arith.constant 0 : index
    %swap3A_51 = tpu.vector_load %arg14[%swap3A_49, %swap3A_50] {strides = array<i32>} : memref<64x32xf32, #tpu.memory_space<vmem>>, vector<16xf32>,
    tpu.vector_store %arg14[%swap3A_49, %swap3A_50], %broadcast_in_dim3A_1 {strides = array<i32>} : memref<64x32xf32, #tpu.memory_space<vmem>>, vector<16xf32>,
    %swap3A_52 = arith.constant 4 : i32
    %swap3A_53 = arith.index_cast %swap3A_52 : i32 to index
    %swap3A_54 = arith.constant 16 : index
    %swap3A_55 = tpu.vector_load %arg14[%swap3A_53, %swap3A_54] {strides = array<i32>} : memref<64x32xf32, #tpu.memory_space<vmem>>, vector<16xf32>,
    tpu.vector_store %arg14[%swap3A_53, %swap3A_54], %broadcast_in_dim3A_1 {strides = array<i32>} : memref<64x32xf32, #tpu.memory_space<vmem>>, vector<16xf32>,
    %swap3A_56 = arith.constant 5 : i32
    %swap3A_57 = arith.index_cast %swap3A_56 : i32 to index
    %swap3A_58 = arith.constant 0 : index
    %swap3A_59 = tpu.vector_load %arg14[%swap3A_57, %swap3A_58] {strides = array<i32>} : memref<64x32xf32, #tpu.memory_space<vmem>>, vector<16xf32>,
    tpu.vector_store %arg14[%swap3A_57, %swap3A_58], %broadcast_in_dim3A_1 {strides = array<i32>} : memref<64x32xf32, #tpu.memory_space<vmem>>, vector<16xf32>,
    %swap3A_60 = arith.constant 5 : i32
    %swap3A_61 = arith.index_cast %swap3A_60 : i32 to index
    %swap3A_62 = arith.constant 16 : index
    %swap3A_63 = tpu.vector_load %arg14[%swap3A_61, %swap3A_62] {strides = array<i32>} : memref<64x32xf32, #tpu.memory_space<vmem>>, vector<16xf32>,
    tpu.vector_store %arg14[%swap3A_61, %swap3A_62], %broadcast_in_dim3A_1 {strides = array<i32>} : memref<64x32xf32, #tpu.memory_space<vmem>>, vector<16xf32>,
    %swap3A_64 = arith.constant 6 : i32
    %swap3A_65 = arith.index_cast %swap3A_64 : i32 to index
    %swap3A_66 = arith.constant 0 : index
    %swap3A_67 = tpu.vector_load %arg14[%swap3A_65, %swap3A_66] {strides = array<i32>} : memref<64x32xf32, #tpu.memory_space<vmem>>, vector<16xf32>,
    tpu.vector_store %arg14[%swap3A_65, %swap3A_66], %broadcast_in_dim3A_1 {strides = array<i32>} : memref<64x32xf32, #tpu.memory_space<vmem>>, vector<16xf32>,
    %swap3A_68 = arith.constant 6 : i32
    %swap3A_69 = arith.index_cast %swap3A_68 : i32 to index
    %swap3A_70 = arith.constant 16 : index
    %swap3A_71 = tpu.vector_load %arg14[%swap3A_69, %swap3A_70] {strides = array<i32>} : memref<64x32xf32, #tpu.memory_space<vmem>>, vector<16xf32>,
    tpu.vector_store %arg14[%swap3A_69, %swap3A_70], %broadcast_in_dim3A_1 {strides = array<i32>} : memref<64x32xf32, #tpu.memory_space<vmem>>, vector<16xf32>,
    %swap3A_72 = arith.constant 7 : i32
    %swap3A_73 = arith.index_cast %swap3A_72 : i32 to index
    %swap3A_74 = arith.constant 0 : index
    %swap3A_75 = tpu.vector_load %arg14[%swap3A_73, %swap3A_74] {strides = array<i32>} : memref<64x32xf32, #tpu.memory_space<vmem>>, vector<16xf32>,
    tpu.vector_store %arg14[%swap3A_73, %swap3A_74], %broadcast_in_dim3A_1 {strides = array<i32>} : memref<64x32xf32, #tpu.memory_space<vmem>>, vector<16xf32>,
    %swap3A_76 = arith.constant 7 : i32
    %swap3A_77 = arith.index_cast %swap3A_76 : i32 to index
    %swap3A_78 = arith.constant 16 : index
    %swap3A_79 = tpu.vector_load %arg14[%swap3A_77, %swap3A_78] {strides = array<i32>} : memref<64x32xf32, #tpu.memory_space<vmem>>, vector<16xf32>,
    tpu.vector_store %arg14[%swap3A_77, %swap3A_78], %broadcast_in_dim3A_1 {strides = array<i32>} : memref<64x32xf32, #tpu.memory_space<vmem>>, vector<16xf32>,
    %swap3A_80 = arith.constant 8 : i32
    %swap3A_81 = arith.index_cast %swap3A_80 : i32 to index
    %swap3A_82 = arith.constant 0 : index
    %swap3A_83 = tpu.vector_load %arg14[%swap3A_81, %swap3A_82] {strides = array<i32>} : memref<64x32xf32, #tpu.memory_space<vmem>>, vector<16xf32>,
    tpu.vector_store %arg14[%swap3A_81, %swap3A_82], %broadcast_in_dim3A_1 {strides = array<i32>} : memref<64x32xf32, #tpu.memory_space<vmem>>, vector<16xf32>,
    %swap3A_84 = arith.constant 8 : i32
    %swap3A_85 = arith.index_cast %swap3A_84 : i32 to index
    %swap3A_86 = arith.constant 16 : index
    %swap3A_87 = tpu.vector_load %arg14[%swap3A_85, %swap3A_86] {strides = array<i32>} : memref<64x32xf32, #tpu.memory_space<vmem>>, vector<16xf32>,
    tpu.vector_store %arg14[%swap3A_85, %swap3A_86], %broadcast_in_dim3A_1 {strides = array<i32>} : memref<64x32xf32, #tpu.memory_space<vmem>>, vector<16xf32>,
    %swap3A_88 = arith.constant 9 : i32
    %swap3A_89 = arith.index_cast %swap3A_88 : i32 to index
    %swap3A_90 = arith.constant 0 : index
    %swap3A_91 = tpu.vector_load %arg14[%swap3A_89, %swap3A_90] {strides = array<i32>} : memref<64x32xf32, #tpu.memory_space<vmem>>, vector<16xf32>,
    tpu.vector_store %arg14[%swap3A_89, %swap3A_90], %broadcast_in_dim3A_1 {strides = array<i32>} : memref<64x32xf32, #tpu.memory_space<vmem>>, vector<16xf32>,
    %swap3A_92 = arith.constant 9 : i32
    %swap3A_93 = arith.index_cast %swap3A_92 : i32 to index
    %swap3A_94 = arith.constant 16 : index
    %swap3A_95 = tpu.vector_load %arg14[%swap3A_93, %swap3A_94] {strides = array<i32>} : memref<64x32xf32, #tpu.memory_space<vmem>>, vector<16xf32>,
    tpu.vector_store %arg14[%swap3A_93, %swap3A_94], %broadcast_in_dim3A_1 {strides = array<i32>} : memref<64x32xf32, #tpu.memory_space<vmem>>, vector<16xf32>,
    %swap3A_96 = arith.constant 10 : i32
    %swap3A_97 = arith.index_cast %swap3A_96 : i32 to index
    %swap3A_98 = arith.constant 0 : index
    %swap3A_99 = tpu.vector_load %arg14[%swap3A_97, %swap3A_98] {strides = array<i32>} : memref<64x32xf32, #tpu.memory_space<vmem>>, vector<16xf32>,
    tpu.vector_store %arg14[%swap3A_97, %swap3A_98], %broadcast_in_dim3A_1 {strides = array<i32>} : memref<64x32xf32, #tpu.memory_space<vmem>>, vector<16xf32>,
    %swap3A_100 = arith.constant 10 : i32
    %swap3A_101 = arith.index_cast %swap3A_100 : i32 to index
    %swap3A_102 = arith.constant 16 : index
    %swap3A_103 = tpu.vector_load %arg14[%swap3A_101, %swap3A_102] {strides = array<i32>} : memref<64x32xf32, #tpu.memory_space<vmem>>, vector<16xf32>,
    tpu.vector_store %arg14[%swap3A_101, %swap3A_102], %broadcast_in_dim3A_1 {strides = array<i32>} : memref<64x32xf32, #tpu.memory_space<vmem>>, vector<16xf32>,
    %swap3A_104 = arith.constant 11 : i32
    %swap3A_105 = arith.index_cast %swap3A_104 : i32 to index
    %swap3A_106 = arith.constant 0 : index
    %swap3A_107 = tpu.vector_load %arg14[%swap3A_105, %swap3A_106] {strides = array<i32>} : memref<64x32xf32, #tpu.memory_space<vmem>>, vector<16xf32>,
    tpu.vector_store %arg14[%swap3A_105, %swap3A_106], %broadcast_in_dim3A_1 {strides = array<i32>} : memref<64x32xf32, #tpu.memory_space<vmem>>, vector<16xf32>,
    %swap3A_108 = arith.constant 11 : i32
    %swap3A_109 = arith.index_cast %swap3A_108 : i32 to index
    %swap3A_110 = arith.constant 16 : index
    %swap3A_111 = tpu.vector_load %arg14[%swap3A_109, %swap3A_110] {strides = array<i32>} : memref<64x32xf32, #tpu.memory_space<vmem>>, vector<16xf32>,
    tpu.vector_store %arg14[%swap3A_109, %swap3A_110], %broadcast_in_dim3A_1 {strides = array<i32>} : memref<64x32xf32, #tpu.memory_space<vmem>>, vector<16xf32>,
    %swap3A_112 = arith.constant 12 : i32
    %swap3A_113 = arith.index_cast %swap3A_112 : i32 to index
    %swap3A_114 = arith.constant 0 : index
    %swap3A_115 = tpu.vector_load %arg14[%swap3A_113, %swap3A_114] {strides = array<i32>} : memref<64x32xf32, #tpu.memory_space<vmem>>, vector<16xf32>,
    tpu.vector_store %arg14[%swap3A_113, %swap3A_114], %broadcast_in_dim3A_1 {strides = array<i32>} : memref<64x32xf32, #tpu.memory_space<vmem>>, vector<16xf32>,
    %swap3A_116 = arith.constant 12 : i32
    %swap3A_117 = arith.index_cast %swap3A_116 : i32 to index
    %swap3A_118 = arith.constant 16 : index
    %swap3A_119 = tpu.vector_load %arg14[%swap3A_117, %swap3A_118] {strides = array<i32>} : memref<64x32xf32, #tpu.memory_space<vmem>>, vector<16xf32>,
    tpu.vector_store %arg14[%swap3A_117, %swap3A_118], %broadcast_in_dim3A_1 {strides = array<i32>} : memref<64x32xf32, #tpu.memory_space<vmem>>, vector<16xf32>,
    %swap3A_120 = arith.constant 13 : i32
    %swap3A_121 = arith.index_cast %swap3A_120 : i32 to index
    %swap3A_122 = arith.constant 0 : index
    %swap3A_123 = tpu.vector_load %arg14[%swap3A_121, %swap3A_122] {strides = array<i32>} : memref<64x32xf32, #tpu.memory_space<vmem>>, vector<16xf32>,
    tpu.vector_store %arg14[%swap3A_121, %swap3A_122], %broadcast_in_dim3A_1 {strides = array<i32>} : memref<64x32xf32, #tpu.memory_space<vmem>>, vector<16xf32>,
    %swap3A_124 = arith.constant 13 : i32
    %swap3A_125 = arith.index_cast %swap3A_124 : i32 to index
    %swap3A_126 = arith.constant 16 : index
    %swap3A_127 = tpu.vector_load %arg14[%swap3A_125, %swap3A_126] {strides = array<i32>} : memref<64x32xf32, #tpu.memory_space<vmem>>, vector<16xf32>,
    tpu.vector_store %arg14[%swap3A_125, %swap3A_126], %broadcast_in_dim3A_1 {strides = array<i32>} : memref<64x32xf32, #tpu.memory_space<vmem>>, vector<16xf32>,
    %swap3A_128 = arith.constant 14 : i32
    %swap3A_129 = arith.index_cast %swap3A_128 : i32 to index
    %swap3A_130 = arith.constant 0 : index
    %swap3A_131 = tpu.vector_load %arg14[%swap3A_129, %swap3A_130] {strides = array<i32>} : memref<64x32xf32, #tpu.memory_space<vmem>>, vector<16xf32>,
    tpu.vector_store %arg14[%swap3A_129, %swap3A_130], %broadcast_in_dim3A_1 {strides = array<i32>} : memref<64x32xf32, #tpu.memory_space<vmem>>, vector<16xf32>,
    %swap3A_132 = arith.constant 14 : i32
    %swap3A_133 = arith.index_cast %swap3A_132 : i32 to index
    %swap3A_134 = arith.constant 16 : index
    %swap3A_135 = tpu.vector_load %arg14[%swap3A_133, %swap3A_134] {strides = array<i32>} : memref<64x32xf32, #tpu.memory_space<vmem>>, vector<16xf32>,
    tpu.vector_store %arg14[%swap3A_133, %swap3A_134], %broadcast_in_dim3A_1 {strides = array<i32>} : memref<64x32xf32, #tpu.memory_space<vmem>>, vector<16xf32>,
    %swap3A_136 = arith.constant 15 : i32
    %swap3A_137 = arith.index_cast %swap3A_136 : i32 to index
    %swap3A_138 = arith.constant 0 : index
    %swap3A_139 = tpu.vector_load %arg14[%swap3A_137, %swap3A_138] {strides = array<i32>} : memref<64x32xf32, #tpu.memory_space<vmem>>, vector<16xf32>,
    tpu.vector_store %arg14[%swap3A_137, %swap3A_138], %broadcast_in_dim3A_1 {strides = array<i32>} : memref<64x32xf32, #tpu.memory_space<vmem>>, vector<16xf32>,
    %swap3A_140 = arith.constant 15 : i32
    %swap3A_141 = arith.index_cast %swap3A_140 : i32 to index
    %swap3A_142 = arith.constant 16 : index
    %swap3A_143 = tpu.vector_load %arg14[%swap3A_141, %swap3A_142] {strides = array<i32>} : memref<64x32xf32, #tpu.memory_space<vmem>>, vector<16xf32>,
    tpu.vector_store %arg14[%swap3A_141, %swap3A_142], %broadcast_in_dim3A_1 {strides = array<i32>} : memref<64x32xf32, #tpu.memory_space<vmem>>, vector<16xf32>,
    %swap3A_144 = arith.constant 16 : i32
    %swap3A_145 = arith.index_cast %swap3A_144 : i32 to index
    %swap3A_146 = arith.constant 0 : index
    %swap3A_147 = tpu.vector_load %arg14[%swap3A_145, %swap3A_146] {strides = array<i32>} : memref<64x32xf32, #tpu.memory_space<vmem>>, vector<16xf32>,
    tpu.vector_store %arg14[%swap3A_145, %swap3A_146], %broadcast_in_dim3A_1 {strides = array<i32>} : memref<64x32xf32, #tpu.memory_space<vmem>>, vector<16xf32>,
    %swap3A_148 = arith.constant 16 : i32
    %swap3A_149 = arith.index_cast %swap3A_148 : i32 to index
    %swap3A_150 = arith.constant 16 : index
    %swap3A_151 = tpu.vector_load %arg14[%swap3A_149, %swap3A_150] {strides = array<i32>} : memref<64x32xf32, #tpu.memory_space<vmem>>, vector<16xf32>,
    tpu.vector_store %arg14[%swap3A_149, %swap3A_150], %broadcast_in_dim3A_1 {strides = array<i32>} : memref<64x32xf32, #tpu.memory_space<vmem>>, vector<16xf32>,
    %swap3A_152 = arith.constant 17 : i32
    %swap3A_153 = arith.index_cast %swap3A_152 : i32 to index
    %swap3A_154 = arith.constant 0 : index
    %swap3A_155 = tpu.vector_load %arg14[%swap3A_153, %swap3A_154] {strides = array<i32>} : memref<64x32xf32, #tpu.memory_space<vmem>>, vector<16xf32>,
    tpu.vector_store %arg14[%swap3A_153, %swap3A_154], %broadcast_in_dim3A_1 {strides = array<i32>} : memref<64x32xf32, #tpu.memory_space<vmem>>, vector<16xf32>,
    %swap3A_156 = arith.constant 17 : i32
    %swap3A_157 = arith.index_cast %swap3A_156 : i32 to index
    %swap3A_158 = arith.constant 16 : index
    %swap3A_159 = tpu.vector_load %arg14[%swap3A_157, %swap3A_158] {strides = array<i32>} : memref<64x32xf32, #tpu.memory_space<vmem>>, vector<16xf32>,
    tpu.vector_store %arg14[%swap3A_157, %swap3A_158], %broadcast_in_dim3A_1 {strides = array<i32>} : memref<64x32xf32, #tpu.memory_space<vmem>>, vector<16xf32>,
    %swap3A_160 = arith.constant 18 : i32
    %swap3A_161 = arith.index_cast %swap3A_160 : i32 to index
    %swap3A_162 = arith.constant 0 : index
    %swap3A_163 = tpu.vector_load %arg14[%swap3A_161, %swap3A_162] {strides = array<i32>} : memref<64x32xf32, #tpu.memory_space<vmem>>, vector<16xf32>,
    tpu.vector_store %arg14[%swap3A_161, %swap3A_162], %broadcast_in_dim3A_1 {strides = array<i32>} : memref<64x32xf32, #tpu.memory_space<vmem>>, vector<16xf32>,
    %swap3A_164 = arith.constant 18 : i32
    %swap3A_165 = arith.index_cast %swap3A_164 : i32 to index
    %swap3A_166 = arith.constant 16 : index
    %swap3A_167 = tpu.vector_load %arg14[%swap3A_165, %swap3A_166] {strides = array<i32>} : memref<64x32xf32, #tpu.memory_space<vmem>>, vector<16xf32>,
    tpu.vector_store %arg14[%swap3A_165, %swap3A_166], %broadcast_in_dim3A_1 {strides = array<i32>} : memref<64x32xf32, #tpu.memory_space<vmem>>, vector<16xf32>,
    %swap3A_168 = arith.constant 19 : i32
    %swap3A_169 = arith.index_cast %swap3A_168 : i32 to index
    %swap3A_170 = arith.constant 0 : index
    %swap3A_171 = tpu.vector_load %arg14[%swap3A_169, %swap3A_170] {strides = array<i32>} : memref<64x32xf32, #tpu.memory_space<vmem>>, vector<16xf32>,
    tpu.vector_store %arg14[%swap3A_169, %swap3A_170], %broadcast_in_dim3A_1 {strides = array<i32>} : memref<64x32xf32, #tpu.memory_space<vmem>>, vector<16xf32>,
    %swap3A_172 = arith.constant 19 : i32
    %swap3A_173 = arith.index_cast %swap3A_172 : i32 to index
    %swap3A_174 = arith.constant 16 : index
    %swap3A_175 = tpu.vector_load %arg14[%swap3A_173, %swap3A_174] {strides = array<i32>} : memref<64x32xf32, #tpu.memory_space<vmem>>, vector<16xf32>,
    tpu.vector_store %arg14[%swap3A_173, %swap3A_174], %broadcast_in_dim3A_1 {strides = array<i32>} : memref<64x32xf32, #tpu.memory_space<vmem>>, vector<16xf32>,
    %swap3A_176 = arith.constant 20 : i32
    %swap3A_177 = arith.index_cast %swap3A_176 : i32 to index
    %swap3A_178 = arith.constant 0 : index
    %swap3A_179 = tpu.vector_load %arg14[%swap3A_177, %swap3A_178] {strides = array<i32>} : memref<64x32xf32, #tpu.memory_space<vmem>>, vector<16xf32>,
    tpu.vector_store %arg14[%swap3A_177, %swap3A_178], %broadcast_in_dim3A_1 {strides = array<i32>} : memref<64x32xf32, #tpu.memory_space<vmem>>, vector<16xf32>,
    %swap3A_180 = arith.constant 20 : i32
    %swap3A_181 = arith.index_cast %swap3A_180 : i32 to index
    %swap3A_182 = arith.constant 16 : index
    %swap3A_183 = tpu.vector_load %arg14[%swap3A_181, %swap3A_182] {strides = array<i32>} : memref<64x32xf32, #tpu.memory_space<vmem>>, vector<16xf32>,
    tpu.vector_store %arg14[%swap3A_181, %swap3A_182], %broadcast_in_dim3A_1 {strides = array<i32>} : memref<64x32xf32, #tpu.memory_space<vmem>>, vector<16xf32>,
    %swap3A_184 = arith.constant 21 : i32
    %swap3A_185 = arith.index_cast %swap3A_184 : i32 to index
    %swap3A_186 = arith.constant 0 : index
    %swap3A_187 = tpu.vector_load %arg14[%swap3A_185, %swap3A_186] {strides = array<i32>} : memref<64x32xf32, #tpu.memory_space<vmem>>, vector<16xf32>,
    tpu.vector_store %arg14[%swap3A_185, %swap3A_186], %broadcast_in_dim3A_1 {strides = array<i32>} : memref<64x32xf32, #tpu.memory_space<vmem>>, vector<16xf32>,
    %swap3A_188 = arith.constant 21 : i32
    %swap3A_189 = arith.index_cast %swap3A_188 : i32 to index
    %swap3A_190 = arith.constant 16 : index
    %swap3A_191 = tpu.vector_load %arg14[%swap3A_189, %swap3A_190] {strides = array<i32>} : memref<64x32xf32, #tpu.memory_space<vmem>>, vector<16xf32>,
    tpu.vector_store %arg14[%swap3A_189, %swap3A_190], %broadcast_in_dim3A_1 {strides = array<i32>} : memref<64x32xf32, #tpu.memory_space<vmem>>, vector<16xf32>,
    %swap3A_192 = arith.constant 22 : i32
    %swap3A_193 = arith.index_cast %swap3A_192 : i32 to index
    %swap3A_194 = arith.constant 0 : index
    %swap3A_195 = tpu.vector_load %arg14[%swap3A_193, %swap3A_194] {strides = array<i32>} : memref<64x32xf32, #tpu.memory_space<vmem>>, vector<16xf32>,
    tpu.vector_store %arg14[%swap3A_193, %swap3A_194], %broadcast_in_dim3A_1 {strides = array<i32>} : memref<64x32xf32, #tpu.memory_space<vmem>>, vector<16xf32>,
    %swap3A_196 = arith.constant 22 : i32
    %swap3A_197 = arith.index_cast %swap3A_196 : i32 to index
    %swap3A_198 = arith.constant 16 : index
    %swap3A_199 = tpu.vector_load %arg14[%swap3A_197, %swap3A_198] {strides = array<i32>} : memref<64x32xf32, #tpu.memory_space<vmem>>, vector<16xf32>,
    tpu.vector_store %arg14[%swap3A_197, %swap3A_198], %broadcast_in_dim3A_1 {strides = array<i32>} : memref<64x32xf32, #tpu.memory_space<vmem>>, vector<16xf32>,
    %swap3A_200 = arith.constant 23 : i32
    %swap3A_201 = arith.index_cast %swap3A_200 : i32 to index
    %swap3A_202 = arith.constant 0 : index
    %swap3A_203 = tpu.vector_load %arg14[%swap3A_201, %swap3A_202] {strides = array<i32>} : memref<64x32xf32, #tpu.memory_space<vmem>>, vector<16xf32>,
    tpu.vector_store %arg14[%swap3A_201, %swap3A_202], %broadcast_in_dim3A_1 {strides = array<i32>} : memref<64x32xf32, #tpu.memory_space<vmem>>, vector<16xf32>,
    %swap3A_204 = arith.constant 23 : i32
    %swap3A_205 = arith.index_cast %swap3A_204 : i32 to index
    %swap3A_206 = arith.constant 16 : index
    %swap3A_207 = tpu.vector_load %arg14[%swap3A_205, %swap3A_206] {strides = array<i32>} : memref<64x32xf32, #tpu.memory_space<vmem>>, vector<16xf32>,
    tpu.vector_store %arg14[%swap3A_205, %swap3A_206], %broadcast_in_dim3A_1 {strides = array<i32>} : memref<64x32xf32, #tpu.memory_space<vmem>>, vector<16xf32>,
    %swap3A_208 = arith.constant 24 : i32
    %swap3A_209 = arith.index_cast %swap3A_208 : i32 to index
    %swap3A_210 = arith.constant 0 : index
    %swap3A_211 = tpu.vector_load %arg14[%swap3A_209, %swap3A_210] {strides = array<i32>} : memref<64x32xf32, #tpu.memory_space<vmem>>, vector<16xf32>,
    tpu.vector_store %arg14[%swap3A_209, %swap3A_210], %broadcast_in_dim3A_1 {strides = array<i32>} : memref<64x32xf32, #tpu.memory_space<vmem>>, vector<16xf32>,
    %swap3A_212 = arith.constant 24 : i32
    %swap3A_213 = arith.index_cast %swap3A_212 : i32 to index
    %swap3A_214 = arith.constant 16 : index
    %swap3A_215 = tpu.vector_load %arg14[%swap3A_213, %swap3A_214] {strides = array<i32>} : memref<64x32xf32, #tpu.memory_space<vmem>>, vector<16xf32>,
    tpu.vector_store %arg14[%swap3A_213, %swap3A_214], %broadcast_in_dim3A_1 {strides = array<i32>} : memref<64x32xf32, #tpu.memory_space<vmem>>, vector<16xf32>,
    %swap3A_216 = arith.constant 25 : i32
    %swap3A_217 = arith.index_cast %swap3A_216 : i32 to index
    %swap3A_218 = arith.constant 0 : index
    %swap3A_219 = tpu.vector_load %arg14[%swap3A_217, %swap3A_218] {strides = array<i32>} : memref<64x32xf32, #tpu.memory_space<vmem>>, vector<16xf32>,
    tpu.vector_store %arg14[%swap3A_217, %swap3A_218], %broadcast_in_dim3A_1 {strides = array<i32>} : memref<64x32xf32, #tpu.memory_space<vmem>>, vector<16xf32>,
    %swap3A_220 = arith.constant 25 : i32
    %swap3A_221 = arith.index_cast %swap3A_220 : i32 to index
    %swap3A_222 = arith.constant 16 : index
    %swap3A_223 = tpu.vector_load %arg14[%swap3A_221, %swap3A_222] {strides = array<i32>} : memref<64x32xf32, #tpu.memory_space<vmem>>, vector<16xf32>,
    tpu.vector_store %arg14[%swap3A_221, %swap3A_222], %broadcast_in_dim3A_1 {strides = array<i32>} : memref<64x32xf32, #tpu.memory_space<vmem>>, vector<16xf32>,
    %swap3A_224 = arith.constant 26 : i32
    %swap3A_225 = arith.index_cast %swap3A_224 : i32 to index
    %swap3A_226 = arith.constant 0 : index
    %swap3A_227 = tpu.vector_load %arg14[%swap3A_225, %swap3A_226] {strides = array<i32>} : memref<64x32xf32, #tpu.memory_space<vmem>>, vector<16xf32>,
    tpu.vector_store %arg14[%swap3A_225, %swap3A_226], %broadcast_in_dim3A_1 {strides = array<i32>} : memref<64x32xf32, #tpu.memory_space<vmem>>, vector<16xf32>,
    %swap3A_228 = arith.constant 26 : i32
    %swap3A_229 = arith.index_cast %swap3A_228 : i32 to index
    %swap3A_230 = arith.constant 16 : index
    %swap3A_231 = tpu.vector_load %arg14[%swap3A_229, %swap3A_230] {strides = array<i32>} : memref<64x32xf32, #tpu.memory_space<vmem>>, vector<16xf32>,
    tpu.vector_store %arg14[%swap3A_229, %swap3A_230], %broadcast_in_dim3A_1 {strides = array<i32>} : memref<64x32xf32, #tpu.memory_space<vmem>>, vector<16xf32>,
    %swap3A_232 = arith.constant 27 : i32
    %swap3A_233 = arith.index_cast %swap3A_232 : i32 to index
    %swap3A_234 = arith.constant 0 : index
    %swap3A_235 = tpu.vector_load %arg14[%swap3A_233, %swap3A_234] {strides = array<i32>} : memref<64x32xf32, #tpu.memory_space<vmem>>, vector<16xf32>,
    tpu.vector_store %arg14[%swap3A_233, %swap3A_234], %broadcast_in_dim3A_1 {strides = array<i32>} : memref<64x32xf32, #tpu.memory_space<vmem>>, vector<16xf32>,
    %swap3A_236 = arith.constant 27 : i32
    %swap3A_237 = arith.index_cast %swap3A_236 : i32 to index
    %swap3A_238 = arith.constant 16 : index
    %swap3A_239 = tpu.vector_load %arg14[%swap3A_237, %swap3A_238] {strides = array<i32>} : memref<64x32xf32, #tpu.memory_space<vmem>>, vector<16xf32>,
    tpu.vector_store %arg14[%swap3A_237, %swap3A_238], %broadcast_in_dim3A_1 {strides = array<i32>} : memref<64x32xf32, #tpu.memory_space<vmem>>, vector<16xf32>,
    %swap3A_240 = arith.constant 28 : i32
    %swap3A_241 = arith.index_cast %swap3A_240 : i32 to index
    %swap3A_242 = arith.constant 0 : index
    %swap3A_243 = tpu.vector_load %arg14[%swap3A_241, %swap3A_242] {strides = array<i32>} : memref<64x32xf32, #tpu.memory_space<vmem>>, vector<16xf32>,
    tpu.vector_store %arg14[%swap3A_241, %swap3A_242], %broadcast_in_dim3A_1 {strides = array<i32>} : memref<64x32xf32, #tpu.memory_space<vmem>>, vector<16xf32>,
    %swap3A_244 = arith.constant 28 : i32
    %swap3A_245 = arith.index_cast %swap3A_244 : i32 to index
    %swap3A_246 = arith.constant 16 : index
    %swap3A_247 = tpu.vector_load %arg14[%swap3A_245, %swap3A_246] {strides = array<i32>} : memref<64x32xf32, #tpu.memory_space<vmem>>, vector<16xf32>,
    tpu.vector_store %arg14[%swap3A_245, %swap3A_246], %broadcast_in_dim3A_1 {strides = array<i32>} : memref<64x32xf32, #tpu.memory_space<vmem>>, vector<16xf32>,
    %swap3A_248 = arith.constant 29 : i32
    %swap3A_249 = arith.index_cast %swap3A_248 : i32 to index
    %swap3A_250 = arith.constant 0 : index
    %swap3A_251 = tpu.vector_load %arg14[%swap3A_249, %swap3A_250] {strides = array<i32>} : memref<64x32xf32, #tpu.memory_space<vmem>>, vector<16xf32>,
    tpu.vector_store %arg14[%swap3A_249, %swap3A_250], %broadcast_in_dim3A_1 {strides = array<i32>} : memref<64x32xf32, #tpu.memory_space<vmem>>, vector<16xf32>,
    %swap3A_252 = arith.constant 29 : i32
    %swap3A_253 = arith.index_cast %swap3A_252 : i32 to index
    %swap3A_254 = arith.constant 16 : index
    %swap3A_255 = tpu.vector_load %arg14[%swap3A_253, %swap3A_254] {strides = array<i32>} : memref<64x32xf32, #tpu.memory_space<vmem>>, vector<16xf32>,
    tpu.vector_store %arg14[%swap3A_253, %swap3A_254], %broadcast_in_dim3A_1 {strides = array<i32>} : memref<64x32xf32, #tpu.memory_space<vmem>>, vector<16xf32>,
    %swap3A_256 = arith.constant 30 : i32
    %swap3A_257 = arith.index_cast %swap3A_256 : i32 to index
    %swap3A_258 = arith.constant 0 : index
    %swap3A_259 = tpu.vector_load %arg14[%swap3A_257, %swap3A_258] {strides = array<i32>} : memref<64x32xf32, #tpu.memory_space<vmem>>, vector<16xf32>,
    tpu.vector_store %arg14[%swap3A_257, %swap3A_258], %broadcast_in_dim3A_1 {strides = array<i32>} : memref<64x32xf32, #tpu.memory_space<vmem>>, vector<16xf32>,
    %swap3A_260 = arith.constant 30 : i32
    %swap3A_261 = arith.index_cast %swap3A_260 : i32 to index
    %swap3A_262 = arith.constant 16 : index
    %swap3A_263 = tpu.vector_load %arg14[%swap3A_261, %swap3A_262] {strides = array<i32>} : memref<64x32xf32, #tpu.memory_space<vmem>>, vector<16xf32>,
    tpu.vector_store %arg14[%swap3A_261, %swap3A_262], %broadcast_in_dim3A_1 {strides = array<i32>} : memref<64x32xf32, #tpu.memory_space<vmem>>, vector<16xf32>,
    %swap3A_264 = arith.constant 31 : i32
    %swap3A_265 = arith.index_cast %swap3A_264 : i32 to index
    %swap3A_266 = arith.constant 0 : index
    %swap3A_267 = tpu.vector_load %arg14[%swap3A_265, %swap3A_266] {strides = array<i32>} : memref<64x32xf32, #tpu.memory_space<vmem>>, vector<16xf32>,
    tpu.vector_store %arg14[%swap3A_265, %swap3A_266], %broadcast_in_dim3A_1 {strides = array<i32>} : memref<64x32xf32, #tpu.memory_space<vmem>>, vector<16xf32>,
    %swap3A_268 = arith.constant 31 : i32
    %swap3A_269 = arith.index_cast %swap3A_268 : i32 to index
    %swap3A_270 = arith.constant 16 : index
    %swap3A_271 = tpu.vector_load %arg14[%swap3A_269, %swap3A_270] {strides = array<i32>} : memref<64x32xf32, #tpu.memory_space<vmem>>, vector<16xf32>,
    tpu.vector_store %arg14[%swap3A_269, %swap3A_270], %broadcast_in_dim3A_1 {strides = array<i32>} : memref<64x32xf32, #tpu.memory_space<vmem>>, vector<16xf32>,
    %swap3A_272 = arith.constant 32 : i32
    %swap3A_273 = arith.index_cast %swap3A_272 : i32 to index
    %swap3A_274 = arith.constant 0 : index
    %swap3A_275 = tpu.vector_load %arg14[%swap3A_273, %swap3A_274] {strides = array<i32>} : memref<64x32xf32, #tpu.memory_space<vmem>>, vector<16xf32>,
    tpu.vector_store %arg14[%swap3A_273, %swap3A_274], %broadcast_in_dim3A_1 {strides = array<i32>} : memref<64x32xf32, #tpu.memory_space<vmem>>, vector<16xf32>,
    %swap3A_276 = arith.constant 32 : i32
    %swap3A_277 = arith.index_cast %swap3A_276 : i32 to index
    %swap3A_278 = arith.constant 16 : index
    %swap3A_279 = tpu.vector_load %arg14[%swap3A_277, %swap3A_278] {strides = array<i32>} : memref<64x32xf32, #tpu.memory_space<vmem>>, vector<16xf32>,
    tpu.vector_store %arg14[%swap3A_277, %swap3A_278], %broadcast_in_dim3A_1 {strides = array<i32>} : memref<64x32xf32, #tpu.memory_space<vmem>>, vector<16xf32>,
    %swap3A_280 = arith.constant 33 : i32
    %swap3A_281 = arith.index_cast %swap3A_280 : i32 to index
    %swap3A_282 = arith.constant 0 : index
    %swap3A_283 = tpu.vector_load %arg14[%swap3A_281, %swap3A_282] {strides = array<i32>} : memref<64x32xf32, #tpu.memory_space<vmem>>, vector<16xf32>,
    tpu.vector_store %arg14[%swap3A_281, %swap3A_282], %broadcast_in_dim3A_1 {strides = array<i32>} : memref<64x32xf32, #tpu.memory_space<vmem>>, vector<16xf32>,
    %swap3A_284 = arith.constant 33 : i32
    %swap3A_285 = arith.index_cast %swap3A_284 : i32 to index
    %swap3A_286 = arith.constant 16 : index
    %swap3A_287 = tpu.vector_load %arg14[%swap3A_285, %swap3A_286] {strides = array<i32>} : memref<64x32xf32, #tpu.memory_space<vmem>>, vector<16xf32>,
    tpu.vector_store %arg14[%swap3A_285, %swap3A_286], %broadcast_in_dim3A_1 {strides = array<i32>} : memref<64x32xf32, #tpu.memory_space<vmem>>, vector<16xf32>,
    %swap3A_288 = arith.constant 34 : i32
    %swap3A_289 = arith.index_cast %swap3A_288 : i32 to index
    %swap3A_290 = arith.constant 0 : index
    %swap3A_291 = tpu.vector_load %arg14[%swap3A_289, %swap3A_290] {strides = array<i32>} : memref<64x32xf32, #tpu.memory_space<vmem>>, vector<16xf32>,
    tpu.vector_store %arg14[%swap3A_289, %swap3A_290], %broadcast_in_dim3A_1 {strides = array<i32>} : memref<64x32xf32, #tpu.memory_space<vmem>>, vector<16xf32>,
    %swap3A_292 = arith.constant 34 : i32
    %swap3A_293 = arith.index_cast %swap3A_292 : i32 to index
    %swap3A_294 = arith.constant 16 : index
    %swap3A_295 = tpu.vector_load %arg14[%swap3A_293, %swap3A_294] {strides = array<i32>} : memref<64x32xf32, #tpu.memory_space<vmem>>, vector<16xf32>,
    tpu.vector_store %arg14[%swap3A_293, %swap3A_294], %broadcast_in_dim3A_1 {strides = array<i32>} : memref<64x32xf32, #tpu.memory_space<vmem>>, vector<16xf32>,
    %swap3A_296 = arith.constant 35 : i32
    %swap3A_297 = arith.index_cast %swap3A_296 : i32 to index
    %swap3A_298 = arith.constant 0 : index
    %swap3A_299 = tpu.vector_load %arg14[%swap3A_297, %swap3A_298] {strides = array<i32>} : memref<64x32xf32, #tpu.memory_space<vmem>>, vector<16xf32>,
    tpu.vector_store %arg14[%swap3A_297, %swap3A_298], %broadcast_in_dim3A_1 {strides = array<i32>} : memref<64x32xf32, #tpu.memory_space<vmem>>, vector<16xf32>,
    %swap3A_300 = arith.constant 35 : i32
    %swap3A_301 = arith.index_cast %swap3A_300 : i32 to index
    %swap3A_302 = arith.constant 16 : index
    %swap3A_303 = tpu.vector_load %arg14[%swap3A_301, %swap3A_302] {strides = array<i32>} : memref<64x32xf32, #tpu.memory_space<vmem>>, vector<16xf32>,
    tpu.vector_store %arg14[%swap3A_301, %swap3A_302], %broadcast_in_dim3A_1 {strides = array<i32>} : memref<64x32xf32, #tpu.memory_space<vmem>>, vector<16xf32>,
    %swap3A_304 = arith.constant 36 : i32
    %swap3A_305 = arith.index_cast %swap3A_304 : i32 to index
    %swap3A_306 = arith.constant 0 : index
    %swap3A_307 = tpu.vector_load %arg14[%swap3A_305, %swap3A_306] {strides = array<i32>} : memref<64x32xf32, #tpu.memory_space<vmem>>, vector<16xf32>,
    tpu.vector_store %arg14[%swap3A_305, %swap3A_306], %broadcast_in_dim3A_1 {strides = array<i32>} : memref<64x32xf32, #tpu.memory_space<vmem>>, vector<16xf32>,
    %swap3A_308 = arith.constant 36 : i32
    %swap3A_309 = arith.index_cast %swap3A_308 : i32 to index
    %swap3A_310 = arith.constant 16 : index
    %swap3A_311 = tpu.vector_load %arg14[%swap3A_309, %swap3A_310] {strides = array<i32>} : memref<64x32xf32, #tpu.memory_space<vmem>>, vector<16xf32>,
    tpu.vector_store %arg14[%swap3A_309, %swap3A_310], %broadcast_in_dim3A_1 {strides = array<i32>} : memref<64x32xf32, #tpu.memory_space<vmem>>, vector<16xf32>,
    %swap3A_312 = arith.constant 37 : i32
    %swap3A_313 = arith.index_cast %swap3A_312 : i32 to index
    %swap3A_314 = arith.constant 0 : index
    %swap3A_315 = tpu.vector_load %arg14[%swap3A_313, %swap3A_314] {strides = array<i32>} : memref<64x32xf32, #tpu.memory_space<vmem>>, vector<16xf32>,
    tpu.vector_store %arg14[%swap3A_313, %swap3A_314], %broadcast_in_dim3A_1 {strides = array<i32>} : memref<64x32xf32, #tpu.memory_space<vmem>>, vector<16xf32>,
    %swap3A_316 = arith.constant 37 : i32
    %swap3A_317 = arith.index_cast %swap3A_316 : i32 to index
    %swap3A_318 = arith.constant 16 : index
    %swap3A_319 = tpu.vector_load %arg14[%swap3A_317, %swap3A_318] {strides = array<i32>} : memref<64x32xf32, #tpu.memory_space<vmem>>, vector<16xf32>,
    tpu.vector_store %arg14[%swap3A_317, %swap3A_318], %broadcast_in_dim3A_1 {strides = array<i32>} : memref<64x32xf32, #tpu.memory_space<vmem>>, vector<16xf32>,
    %swap3A_320 = arith.constant 38 : i32
    %swap3A_321 = arith.index_cast %swap3A_320 : i32 to index
    %swap3A_322 = arith.constant 0 : index
    %swap3A_323 = tpu.vector_load %arg14[%swap3A_321, %swap3A_322] {strides = array<i32>} : memref<64x32xf32, #tpu.memory_space<vmem>>, vector<16xf32>,
    tpu.vector_store %arg14[%swap3A_321, %swap3A_322], %broadcast_in_dim3A_1 {strides = array<i32>} : memref<64x32xf32, #tpu.memory_space<vmem>>, vector<16xf32>,
    %swap3A_324 = arith.constant 38 : i32
    %swap3A_325 = arith.index_cast %swap3A_324 : i32 to index
    %swap3A_326 = arith.constant 16 : index
    %swap3A_327 = tpu.vector_load %arg14[%swap3A_325, %swap3A_326] {strides = array<i32>} : memref<64x32xf32, #tpu.memory_space<vmem>>, vector<16xf32>,
    tpu.vector_store %arg14[%swap3A_325, %swap3A_326], %broadcast_in_dim3A_1 {strides = array<i32>} : memref<64x32xf32, #tpu.memory_space<vmem>>, vector<16xf32>,
    %swap3A_328 = arith.constant 39 : i32
    %swap3A_329 = arith.index_cast %swap3A_328 : i32 to index
    %swap3A_330 = arith.constant 0 : index
    %swap3A_331 = tpu.vector_load %arg14[%swap3A_329, %swap3A_330] {strides = array<i32>} : memref<64x32xf32, #tpu.memory_space<vmem>>, vector<16xf32>,
    tpu.vector_store %arg14[%swap3A_329, %swap3A_330], %broadcast_in_dim3A_1 {strides = array<i32>} : memref<64x32xf32, #tpu.memory_space<vmem>>, vector<16xf32>,
    %swap3A_332 = arith.constant 39 : i32
    %swap3A_333 = arith.index_cast %swap3A_332 : i32 to index
    %swap3A_334 = arith.constant 16 : index
    %swap3A_335 = tpu.vector_load %arg14[%swap3A_333, %swap3A_334] {strides = array<i32>} : memref<64x32xf32, #tpu.memory_space<vmem>>, vector<16xf32>,
    tpu.vector_store %arg14[%swap3A_333, %swap3A_334], %broadcast_in_dim3A_1 {strides = array<i32>} : memref<64x32xf32, #tpu.memory_space<vmem>>, vector<16xf32>,
    %swap3A_336 = arith.constant 40 : i32
    %swap3A_337 = arith.index_cast %swap3A_336 : i32 to index
    %swap3A_338 = arith.constant 0 : index
    %swap3A_339 = tpu.vector_load %arg14[%swap3A_337, %swap3A_338] {strides = array<i32>} : memref<64x32xf32, #tpu.memory_space<vmem>>, vector<16xf32>,
    tpu.vector_store %arg14[%swap3A_337, %swap3A_338], %broadcast_in_dim3A_1 {strides = array<i32>} : memref<64x32xf32, #tpu.memory_space<vmem>>, vector<16xf32>,
    %swap3A_340 = arith.constant 40 : i32
    %swap3A_341 = arith.index_cast %swap3A_340 : i32 to index
    %swap3A_342 = arith.constant 16 : index
    %swap3A_343 = tpu.vector_load %arg14[%swap3A_341, %swap3A_342] {strides = array<i32>} : memref<64x32xf32, #tpu.memory_space<vmem>>, vector<16xf32>,
    tpu.vector_store %arg14[%swap3A_341, %swap3A_342], %broadcast_in_dim3A_1 {strides = array<i32>} : memref<64x32xf32, #tpu.memory_space<vmem>>, vector<16xf32>,
    %swap3A_344 = arith.constant 41 : i32
    %swap3A_345 = arith.index_cast %swap3A_344 : i32 to index
    %swap3A_346 = arith.constant 0 : index
    %swap3A_347 = tpu.vector_load %arg14[%swap3A_345, %swap3A_346] {strides = array<i32>} : memref<64x32xf32, #tpu.memory_space<vmem>>, vector<16xf32>,
    tpu.vector_store %arg14[%swap3A_345, %swap3A_346], %broadcast_in_dim3A_1 {strides = array<i32>} : memref<64x32xf32, #tpu.memory_space<vmem>>, vector<16xf32>,
    %swap3A_348 = arith.constant 41 : i32
    %swap3A_349 = arith.index_cast %swap3A_348 : i32 to index
    %swap3A_350 = arith.constant 16 : index
    %swap3A_351 = tpu.vector_load %arg14[%swap3A_349, %swap3A_350] {strides = array<i32>} : memref<64x32xf32, #tpu.memory_space<vmem>>, vector<16xf32>,
    tpu.vector_store %arg14[%swap3A_349, %swap3A_350], %broadcast_in_dim3A_1 {strides = array<i32>} : memref<64x32xf32, #tpu.memory_space<vmem>>, vector<16xf32>,
    %swap3A_352 = arith.constant 42 : i32
    %swap3A_353 = arith.index_cast %swap3A_352 : i32 to index
    %swap3A_354 = arith.constant 0 : index
    %swap3A_355 = tpu.vector_load %arg14[%swap3A_353, %swap3A_354] {strides = array<i32>} : memref<64x32xf32, #tpu.memory_space<vmem>>, vector<16xf32>,
    tpu.vector_store %arg14[%swap3A_353, %swap3A_354], %broadcast_in_dim3A_1 {strides = array<i32>} : memref<64x32xf32, #tpu.memory_space<vmem>>, vector<16xf32>,
    %swap3A_356 = arith.constant 42 : i32
    %swap3A_357 = arith.index_cast %swap3A_356 : i32 to index
    %swap3A_358 = arith.constant 16 : index
    %swap3A_359 = tpu.vector_load %arg14[%swap3A_357, %swap3A_358] {strides = array<i32>} : memref<64x32xf32, #tpu.memory_space<vmem>>, vector<16xf32>,
    tpu.vector_store %arg14[%swap3A_357, %swap3A_358], %broadcast_in_dim3A_1 {strides = array<i32>} : memref<64x32xf32, #tpu.memory_space<vmem>>, vector<16xf32>,
    %swap3A_360 = arith.constant 43 : i32
    %swap3A_361 = arith.index_cast %swap3A_360 : i32 to index
    %swap3A_362 = arith.constant 0 : index
    %swap3A_363 = tpu.vector_load %arg14[%swap3A_361, %swap3A_362] {strides = array<i32>} : memref<64x32xf32, #tpu.memory_space<vmem>>, vector<16xf32>,
    tpu.vector_store %arg14[%swap3A_361, %swap3A_362], %broadcast_in_dim3A_1 {strides = array<i32>} : memref<64x32xf32, #tpu.memory_space<vmem>>, vector<16xf32>,
    %swap3A_364 = arith.constant 43 : i32
    %swap3A_365 = arith.index_cast %swap3A_364 : i32 to index
    %swap3A_366 = arith.constant 16 : index
    %swap3A_367 = tpu.vector_load %arg14[%swap3A_365, %swap3A_366] {strides = array<i32>} : memref<64x32xf32, #tpu.memory_space<vmem>>, vector<16xf32>,
    tpu.vector_store %arg14[%swap3A_365, %swap3A_366], %broadcast_in_dim3A_1 {strides = array<i32>} : memref<64x32xf32, #tpu.memory_space<vmem>>, vector<16xf32>,
    %swap3A_368 = arith.constant 44 : i32
    %swap3A_369 = arith.index_cast %swap3A_368 : i32 to index
    %swap3A_370 = arith.constant 0 : index
    %swap3A_371 = tpu.vector_load %arg14[%swap3A_369, %swap3A_370] {strides = array<i32>} : memref<64x32xf32, #tpu.memory_space<vmem>>, vector<16xf32>,
    tpu.vector_store %arg14[%swap3A_369, %swap3A_370], %broadcast_in_dim3A_1 {strides = array<i32>} : memref<64x32xf32, #tpu.memory_space<vmem>>, vector<16xf32>,
    %swap3A_372 = arith.constant 44 : i32
    %swap3A_373 = arith.index_cast %swap3A_372 : i32 to index
    %swap3A_374 = arith.constant 16 : index
    %swap3A_375 = tpu.vector_load %arg14[%swap3A_373, %swap3A_374] {strides = array<i32>} : memref<64x32xf32, #tpu.memory_space<vmem>>, vector<16xf32>,
    tpu.vector_store %arg14[%swap3A_373, %swap3A_374], %broadcast_in_dim3A_1 {strides = array<i32>} : memref<64x32xf32, #tpu.memory_space<vmem>>, vector<16xf32>,
    %swap3A_376 = arith.constant 45 : i32
    %swap3A_377 = arith.index_cast %swap3A_376 : i32 to index
    %swap3A_378 = arith.constant 0 : index
    %swap3A_379 = tpu.vector_load %arg14[%swap3A_377, %swap3A_378] {strides = array<i32>} : memref<64x32xf32, #tpu.memory_space<vmem>>, vector<16xf32>,
    tpu.vector_store %arg14[%swap3A_377, %swap3A_378], %broadcast_in_dim3A_1 {strides = array<i32>} : memref<64x32xf32, #tpu.memory_space<vmem>>, vector<16xf32>,
    %swap3A_380 = arith.constant 45 : i32
    %swap3A_381 = arith.index_cast %swap3A_380 : i32 to index
    %swap3A_382 = arith.constant 16 : index
    %swap3A_383 = tpu.vector_load %arg14[%swap3A_381, %swap3A_382] {strides = array<i32>} : memref<64x32xf32, #tpu.memory_space<vmem>>, vector<16xf32>,
    tpu.vector_store %arg14[%swap3A_381, %swap3A_382], %broadcast_in_dim3A_1 {strides = array<i32>} : memref<64x32xf32, #tpu.memory_space<vmem>>, vector<16xf32>,
    %swap3A_384 = arith.constant 46 : i32
    %swap3A_385 = arith.index_cast %swap3A_384 : i32 to index
    %swap3A_386 = arith.constant 0 : index
    %swap3A_387 = tpu.vector_load %arg14[%swap3A_385, %swap3A_386] {strides = array<i32>} : memref<64x32xf32, #tpu.memory_space<vmem>>, vector<16xf32>,
    tpu.vector_store %arg14[%swap3A_385, %swap3A_386], %broadcast_in_dim3A_1 {strides = array<i32>} : memref<64x32xf32, #tpu.memory_space<vmem>>, vector<16xf32>,
    %swap3A_388 = arith.constant 46 : i32
    %swap3A_389 = arith.index_cast %swap3A_388 : i32 to index
    %swap3A_390 = arith.constant 16 : index
    %swap3A_391 = tpu.vector_load %arg14[%swap3A_389, %swap3A_390] {strides = array<i32>} : memref<64x32xf32, #tpu.memory_space<vmem>>, vector<16xf32>,
    tpu.vector_store %arg14[%swap3A_389, %swap3A_390], %broadcast_in_dim3A_1 {strides = array<i32>} : memref<64x32xf32, #tpu.memory_space<vmem>>, vector<16xf32>,
    %swap3A_392 = arith.constant 47 : i32
    %swap3A_393 = arith.index_cast %swap3A_392 : i32 to index
    %swap3A_394 = arith.constant 0 : index
    %swap3A_395 = tpu.vector_load %arg14[%swap3A_393, %swap3A_394] {strides = array<i32>} : memref<64x32xf32, #tpu.memory_space<vmem>>, vector<16xf32>,
    tpu.vector_store %arg14[%swap3A_393, %swap3A_394], %broadcast_in_dim3A_1 {strides = array<i32>} : memref<64x32xf32, #tpu.memory_space<vmem>>, vector<16xf32>,
    %swap3A_396 = arith.constant 47 : i32
    %swap3A_397 = arith.index_cast %swap3A_396 : i32 to index
    %swap3A_398 = arith.constant 16 : index
    %swap3A_399 = tpu.vector_load %arg14[%swap3A_397, %swap3A_398] {strides = array<i32>} : memref<64x32xf32, #tpu.memory_space<vmem>>, vector<16xf32>,
    tpu.vector_store %arg14[%swap3A_397, %swap3A_398], %broadcast_in_dim3A_1 {strides = array<i32>} : memref<64x32xf32, #tpu.memory_space<vmem>>, vector<16xf32>,
    %swap3A_400 = arith.constant 48 : i32
    %swap3A_401 = arith.index_cast %swap3A_400 : i32 to index
    %swap3A_402 = arith.constant 0 : index
    %swap3A_403 = tpu.vector_load %arg14[%swap3A_401, %swap3A_402] {strides = array<i32>} : memref<64x32xf32, #tpu.memory_space<vmem>>, vector<16xf32>,
    tpu.vector_store %arg14[%swap3A_401, %swap3A_402], %broadcast_in_dim3A_1 {strides = array<i32>} : memref<64x32xf32, #tpu.memory_space<vmem>>, vector<16xf32>,
    %swap3A_404 = arith.constant 48 : i32
    %swap3A_405 = arith.index_cast %swap3A_404 : i32 to index
    %swap3A_406 = arith.constant 16 : index
    %swap3A_407 = tpu.vector_load %arg14[%swap3A_405, %swap3A_406] {strides = array<i32>} : memref<64x32xf32, #tpu.memory_space<vmem>>, vector<16xf32>,
    tpu.vector_store %arg14[%swap3A_405, %swap3A_406], %broadcast_in_dim3A_1 {strides = array<i32>} : memref<64x32xf32, #tpu.memory_space<vmem>>, vector<16xf32>,
    %swap3A_408 = arith.constant 49 : i32
    %swap3A_409 = arith.index_cast %swap3A_408 : i32 to index
    %swap3A_410 = arith.constant 0 : index
    %swap3A_411 = tpu.vector_load %arg14[%swap3A_409, %swap3A_410] {strides = array<i32>} : memref<64x32xf32, #tpu.memory_space<vmem>>, vector<16xf32>,
    tpu.vector_store %arg14[%swap3A_409, %swap3A_410], %broadcast_in_dim3A_1 {strides = array<i32>} : memref<64x32xf32, #tpu.memory_space<vmem>>, vector<16xf32>,
    %swap3A_412 = arith.constant 49 : i32
    %swap3A_413 = arith.index_cast %swap3A_412 : i32 to index
    %swap3A_414 = arith.constant 16 : index
    %swap3A_415 = tpu.vector_load %arg14[%swap3A_413, %swap3A_414] {strides = array<i32>} : memref<64x32xf32, #tpu.memory_space<vmem>>, vector<16xf32>,
    tpu.vector_store %arg14[%swap3A_413, %swap3A_414], %broadcast_in_dim3A_1 {strides = array<i32>} : memref<64x32xf32, #tpu.memory_space<vmem>>, vector<16xf32>,
    %swap3A_416 = arith.constant 50 : i32
    %swap3A_417 = arith.index_cast %swap3A_416 : i32 to index
    %swap3A_418 = arith.constant 0 : index
    %swap3A_419 = tpu.vector_load %arg14[%swap3A_417, %swap3A_418] {strides = array<i32>} : memref<64x32xf32, #tpu.memory_space<vmem>>, vector<16xf32>,
    tpu.vector_store %arg14[%swap3A_417, %swap3A_418], %broadcast_in_dim3A_1 {strides = array<i32>} : memref<64x32xf32, #tpu.memory_space<vmem>>, vector<16xf32>,
    %swap3A_420 = arith.constant 50 : i32
    %swap3A_421 = arith.index_cast %swap3A_420 : i32 to index
    %swap3A_422 = arith.constant 16 : index
    %swap3A_423 = tpu.vector_load %arg14[%swap3A_421, %swap3A_422] {strides = array<i32>} : memref<64x32xf32, #tpu.memory_space<vmem>>, vector<16xf32>,
    tpu.vector_store %arg14[%swap3A_421, %swap3A_422], %broadcast_in_dim3A_1 {strides = array<i32>} : memref<64x32xf32, #tpu.memory_space<vmem>>, vector<16xf32>,
    %swap3A_424 = arith.constant 51 : i32
    %swap3A_425 = arith.index_cast %swap3A_424 : i32 to index
    %swap3A_426 = arith.constant 0 : index
    %swap3A_427 = tpu.vector_load %arg14[%swap3A_425, %swap3A_426] {strides = array<i32>} : memref<64x32xf32, #tpu.memory_space<vmem>>, vector<16xf32>,
    tpu.vector_store %arg14[%swap3A_425, %swap3A_426], %broadcast_in_dim3A_1 {strides = array<i32>} : memref<64x32xf32, #tpu.memory_space<vmem>>, vector<16xf32>,
    %swap3A_428 = arith.constant 51 : i32
    %swap3A_429 = arith.index_cast %swap3A_428 : i32 to index
    %swap3A_430 = arith.constant 16 : index
    %swap3A_431 = tpu.vector_load %arg14[%swap3A_429, %swap3A_430] {strides = array<i32>} : memref<64x32xf32, #tpu.memory_space<vmem>>, vector<16xf32>,
    tpu.vector_store %arg14[%swap3A_429, %swap3A_430], %broadcast_in_dim3A_1 {strides = array<i32>} : memref<64x32xf32, #tpu.memory_space<vmem>>, vector<16xf32>,
    %swap3A_432 = arith.constant 52 : i32
    %swap3A_433 = arith.index_cast %swap3A_432 : i32 to index
    %swap3A_434 = arith.constant 0 : index
    %swap3A_435 = tpu.vector_load %arg14[%swap3A_433, %swap3A_434] {strides = array<i32>} : memref<64x32xf32, #tpu.memory_space<vmem>>, vector<16xf32>,
    tpu.vector_store %arg14[%swap3A_433, %swap3A_434], %broadcast_in_dim3A_1 {strides = array<i32>} : memref<64x32xf32, #tpu.memory_space<vmem>>, vector<16xf32>,
    %swap3A_436 = arith.constant 52 : i32
    %swap3A_437 = arith.index_cast %swap3A_436 : i32 to index
    %swap3A_438 = arith.constant 16 : index
    %swap3A_439 = tpu.vector_load %arg14[%swap3A_437, %swap3A_438] {strides = array<i32>} : memref<64x32xf32, #tpu.memory_space<vmem>>, vector<16xf32>,
    tpu.vector_store %arg14[%swap3A_437, %swap3A_438], %broadcast_in_dim3A_1 {strides = array<i32>} : memref<64x32xf32, #tpu.memory_space<vmem>>, vector<16xf32>,
    %swap3A_440 = arith.constant 53 : i32
    %swap3A_441 = arith.index_cast %swap3A_440 : i32 to index
    %swap3A_442 = arith.constant 0 : index
    %swap3A_443 = tpu.vector_load %arg14[%swap3A_441, %swap3A_442] {strides = array<i32>} : memref<64x32xf32, #tpu.memory_space<vmem>>, vector<16xf32>,
    tpu.vector_store %arg14[%swap3A_441, %swap3A_442], %broadcast_in_dim3A_1 {strides = array<i32>} : memref<64x32xf32, #tpu.memory_space<vmem>>, vector<16xf32>,
    %swap3A_444 = arith.constant 53 : i32
    %swap3A_445 = arith.index_cast %swap3A_444 : i32 to index
    %swap3A_446 = arith.constant 16 : index
    %swap3A_447 = tpu.vector_load %arg14[%swap3A_445, %swap3A_446] {strides = array<i32>} : memref<64x32xf32, #tpu.memory_space<vmem>>, vector<16xf32>,
    tpu.vector_store %arg14[%swap3A_445, %swap3A_446], %broadcast_in_dim3A_1 {strides = array<i32>} : memref<64x32xf32, #tpu.memory_space<vmem>>, vector<16xf32>,
    %swap3A_448 = arith.constant 54 : i32
    %swap3A_449 = arith.index_cast %swap3A_448 : i32 to index
    %swap3A_450 = arith.constant 0 : index
    %swap3A_451 = tpu.vector_load %arg14[%swap3A_449, %swap3A_450] {strides = array<i32>} : memref<64x32xf32, #tpu.memory_space<vmem>>, vector<16xf32>,
    tpu.vector_store %arg14[%swap3A_449, %swap3A_450], %broadcast_in_dim3A_1 {strides = array<i32>} : memref<64x32xf32, #tpu.memory_space<vmem>>, vector<16xf32>,
    %swap3A_452 = arith.constant 54 : i32
    %swap3A_453 = arith.index_cast %swap3A_452 : i32 to index
    %swap3A_454 = arith.constant 16 : index
    %swap3A_455 = tpu.vector_load %arg14[%swap3A_453, %swap3A_454] {strides = array<i32>} : memref<64x32xf32, #tpu.memory_space<vmem>>, vector<16xf32>,
    tpu.vector_store %arg14[%swap3A_453, %swap3A_454], %broadcast_in_dim3A_1 {strides = array<i32>} : memref<64x32xf32, #tpu.memory_space<vmem>>, vector<16xf32>,
    %swap3A_456 = arith.constant 55 : i32
    %swap3A_457 = arith.index_cast %swap3A_456 : i32 to index
    %swap3A_458 = arith.constant 0 : index
    %swap3A_459 = tpu.vector_load %arg14[%swap3A_457, %swap3A_458] {strides = array<i32>} : memref<64x32xf32, #tpu.memory_space<vmem>>, vector<16xf32>,
    tpu.vector_store %arg14[%swap3A_457, %swap3A_458], %broadcast_in_dim3A_1 {strides = array<i32>} : memref<64x32xf32, #tpu.memory_space<vmem>>, vector<16xf32>,
    %swap3A_460 = arith.constant 55 : i32
    %swap3A_461 = arith.index_cast %swap3A_460 : i32 to index
    %swap3A_462 = arith.constant 16 : index
    %swap3A_463 = tpu.vector_load %arg14[%swap3A_461, %swap3A_462] {strides = array<i32>} : memref<64x32xf32, #tpu.memory_space<vmem>>, vector<16xf32>,
    tpu.vector_store %arg14[%swap3A_461, %swap3A_462], %broadcast_in_dim3A_1 {strides = array<i32>} : memref<64x32xf32, #tpu.memory_space<vmem>>, vector<16xf32>,
    %swap3A_464 = arith.constant 56 : i32
    %swap3A_465 = arith.index_cast %swap3A_464 : i32 to index
    %swap3A_466 = arith.constant 0 : index
    %swap3A_467 = tpu.vector_load %arg14[%swap3A_465, %swap3A_466] {strides = array<i32>} : memref<64x32xf32, #tpu.memory_space<vmem>>, vector<16xf32>,
    tpu.vector_store %arg14[%swap3A_465, %swap3A_466], %broadcast_in_dim3A_1 {strides = array<i32>} : memref<64x32xf32, #tpu.memory_space<vmem>>, vector<16xf32>,
    %swap3A_468 = arith.constant 56 : i32
    %swap3A_469 = arith.index_cast %swap3A_468 : i32 to index
    %swap3A_470 = arith.constant 16 : index
    %swap3A_471 = tpu.vector_load %arg14[%swap3A_469, %swap3A_470] {strides = array<i32>} : memref<64x32xf32, #tpu.memory_space<vmem>>, vector<16xf32>,
    tpu.vector_store %arg14[%swap3A_469, %swap3A_470], %broadcast_in_dim3A_1 {strides = array<i32>} : memref<64x32xf32, #tpu.memory_space<vmem>>, vector<16xf32>,
    %swap3A_472 = arith.constant 57 : i32
    %swap3A_473 = arith.index_cast %swap3A_472 : i32 to index
    %swap3A_474 = arith.constant 0 : index
    %swap3A_475 = tpu.vector_load %arg14[%swap3A_473, %swap3A_474] {strides = array<i32>} : memref<64x32xf32, #tpu.memory_space<vmem>>, vector<16xf32>,
    tpu.vector_store %arg14[%swap3A_473, %swap3A_474], %broadcast_in_dim3A_1 {strides = array<i32>} : memref<64x32xf32, #tpu.memory_space<vmem>>, vector<16xf32>,
    %swap3A_476 = arith.constant 57 : i32
    %swap3A_477 = arith.index_cast %swap3A_476 : i32 to index
    %swap3A_478 = arith.constant 16 : index
    %swap3A_479 = tpu.vector_load %arg14[%swap3A_477, %swap3A_478] {strides = array<i32>} : memref<64x32xf32, #tpu.memory_space<vmem>>, vector<16xf32>,
    tpu.vector_store %arg14[%swap3A_477, %swap3A_478], %broadcast_in_dim3A_1 {strides = array<i32>} : memref<64x32xf32, #tpu.memory_space<vmem>>, vector<16xf32>,
    %swap3A_480 = arith.constant 58 : i32
    %swap3A_481 = arith.index_cast %swap3A_480 : i32 to index
    %swap3A_482 = arith.constant 0 : index
    %swap3A_483 = tpu.vector_load %arg14[%swap3A_481, %swap3A_482] {strides = array<i32>} : memref<64x32xf32, #tpu.memory_space<vmem>>, vector<16xf32>,
    tpu.vector_store %arg14[%swap3A_481, %swap3A_482], %broadcast_in_dim3A_1 {strides = array<i32>} : memref<64x32xf32, #tpu.memory_space<vmem>>, vector<16xf32>,
    %swap3A_484 = arith.constant 58 : i32
    %swap3A_485 = arith.index_cast %swap3A_484 : i32 to index
    %swap3A_486 = arith.constant 16 : index
    %swap3A_487 = tpu.vector_load %arg14[%swap3A_485, %swap3A_486] {strides = array<i32>} : memref<64x32xf32, #tpu.memory_space<vmem>>, vector<16xf32>,
    tpu.vector_store %arg14[%swap3A_485, %swap3A_486], %broadcast_in_dim3A_1 {strides = array<i32>} : memref<64x32xf32, #tpu.memory_space<vmem>>, vector<16xf32>,
    %swap3A_488 = arith.constant 59 : i32
    %swap3A_489 = arith.index_cast %swap3A_488 : i32 to index
    %swap3A_490 = arith.constant 0 : index
    %swap3A_491 = tpu.vector_load %arg14[%swap3A_489, %swap3A_490] {strides = array<i32>} : memref<64x32xf32, #tpu.memory_space<vmem>>, vector<16xf32>,
    tpu.vector_store %arg14[%swap3A_489, %swap3A_490], %broadcast_in_dim3A_1 {strides = array<i32>} : memref<64x32xf32, #tpu.memory_space<vmem>>, vector<16xf32>,
    %swap3A_492 = arith.constant 59 : i32
    %swap3A_493 = arith.index_cast %swap3A_492 : i32 to index
    %swap3A_494 = arith.constant 16 : index
    %swap3A_495 = tpu.vector_load %arg14[%swap3A_493, %swap3A_494] {strides = array<i32>} : memref<64x32xf32, #tpu.memory_space<vmem>>, vector<16xf32>,
    tpu.vector_store %arg14[%swap3A_493, %swap3A_494], %broadcast_in_dim3A_1 {strides = array<i32>} : memref<64x32xf32, #tpu.memory_space<vmem>>, vector<16xf32>,
    %swap3A_496 = arith.constant 60 : i32
    %swap3A_497 = arith.index_cast %swap3A_496 : i32 to index
    %swap3A_498 = arith.constant 0 : index
    %swap3A_499 = tpu.vector_load %arg14[%swap3A_497, %swap3A_498] {strides = array<i32>} : memref<64x32xf32, #tpu.memory_space<vmem>>, vector<16xf32>,
    tpu.vector_store %arg14[%swap3A_497, %swap3A_498], %broadcast_in_dim3A_1 {strides = array<i32>} : memref<64x32xf32, #tpu.memory_space<vmem>>, vector<16xf32>,
    %swap3A_500 = arith.constant 60 : i32
    %swap3A_501 = arith.index_cast %swap3A_500 : i32 to index
    %swap3A_502 = arith.constant 16 : index
    %swap3A_503 = tpu.vector_load %arg14[%swap3A_501, %swap3A_502] {strides = array<i32>} : memref<64x32xf32, #tpu.memory_space<vmem>>, vector<16xf32>,
    tpu.vector_store %arg14[%swap3A_501, %swap3A_502], %broadcast_in_dim3A_1 {strides = array<i32>} : memref<64x32xf32, #tpu.memory_space<vmem>>, vector<16xf32>,
    %swap3A_504 = arith.constant 61 : i32
    %swap3A_505 = arith.index_cast %swap3A_504 : i32 to index
    %swap3A_506 = arith.constant 0 : index
    %swap3A_507 = tpu.vector_load %arg14[%swap3A_505, %swap3A_506] {strides = array<i32>} : memref<64x32xf32, #tpu.memory_space<vmem>>, vector<16xf32>,
    tpu.vector_store %arg14[%swap3A_505, %swap3A_506], %broadcast_in_dim3A_1 {strides = array<i32>} : memref<64x32xf32, #tpu.memory_space<vmem>>, vector<16xf32>,
    %swap3A_508 = arith.constant 61 : i32
    %swap3A_509 = arith.index_cast %swap3A_508 : i32 to index
    %swap3A_510 = arith.constant 16 : index
    %swap3A_511 = tpu.vector_load %arg14[%swap3A_509, %swap3A_510] {strides = array<i32>} : memref<64x32xf32, #tpu.memory_space<vmem>>, vector<16xf32>,
    tpu.vector_store %arg14[%swap3A_509, %swap3A_510], %broadcast_in_dim3A_1 {strides = array<i32>} : memref<64x32xf32, #tpu.memory_space<vmem>>, vector<16xf32>,
    %swap3A_512 = arith.constant 62 : i32
    %swap3A_513 = arith.index_cast %swap3A_512 : i32 to index
    %swap3A_514 = arith.constant 0 : index
    %swap3A_515 = tpu.vector_load %arg14[%swap3A_513, %swap3A_514] {strides = array<i32>} : memref<64x32xf32, #tpu.memory_space<vmem>>, vector<16xf32>,
    tpu.vector_store %arg14[%swap3A_513, %swap3A_514], %broadcast_in_dim3A_1 {strides = array<i32>} : memref<64x32xf32, #tpu.memory_space<vmem>>, vector<16xf32>,
    %swap3A_516 = arith.constant 62 : i32
    %swap3A_517 = arith.index_cast %swap3A_516 : i32 to index
    %swap3A_518 = arith.constant 16 : index
    %swap3A_519 = tpu.vector_load %arg14[%swap3A_517, %swap3A_518] {strides = array<i32>} : memref<64x32xf32, #tpu.memory_space<vmem>>, vector<16xf32>,
    tpu.vector_store %arg14[%swap3A_517, %swap3A_518], %broadcast_in_dim3A_1 {strides = array<i32>} : memref<64x32xf32, #tpu.memory_space<vmem>>, vector<16xf32>,
    %swap3A_520 = arith.constant 63 : i32
    %swap3A_521 = arith.index_cast %swap3A_520 : i32 to index
    %swap3A_522 = arith.constant 0 : index
    %swap3A_523 = tpu.vector_load %arg14[%swap3A_521, %swap3A_522] {strides = array<i32>} : memref<64x32xf32, #tpu.memory_space<vmem>>, vector<16xf32>,
    tpu.vector_store %arg14[%swap3A_521, %swap3A_522], %broadcast_in_dim3A_1 {strides = array<i32>} : memref<64x32xf32, #tpu.memory_space<vmem>>, vector<16xf32>,
    %swap3A_524 = arith.constant 63 : i32
    %swap3A_525 = arith.index_cast %swap3A_524 : i32 to index
    %swap3A_526 = arith.constant 16 : index
    %swap3A_527 = tpu.vector_load %arg14[%swap3A_525, %swap3A_526] {strides = array<i32>} : memref<64x32xf32, #tpu.memory_space<vmem>>, vector<16xf32>,
    tpu.vector_store %arg14[%swap3A_525, %swap3A_526], %broadcast_in_dim3A_1 {strides = array<i32>} : memref<64x32xf32, #tpu.memory_space<vmem>>, vector<16xf32>,
    %swap3A_528 = arith.constant 0 : index
    %swap3A_529 = tpu.vector_load %arg15[%swap3A_528] {strides = array<i32>} : memref<64xf32, #tpu.memory_space<vmem>>, vector<16xf32>,
    tpu.vector_store %arg15[%swap3A_528], %broadcast_in_dim3A_1 {strides = array<i32>} : memref<64xf32, #tpu.memory_space<vmem>>, vector<16xf32>,
    %swap3A_530 = arith.constant 16 : index
    %swap3A_531 = tpu.vector_load %arg15[%swap3A_530] {strides = array<i32>} : memref<64xf32, #tpu.memory_space<vmem>>, vector<16xf32>,
    tpu.vector_store %arg15[%swap3A_530], %broadcast_in_dim3A_1 {strides = array<i32>} : memref<64xf32, #tpu.memory_space<vmem>>, vector<16xf32>,
    %swap3A_532 = arith.constant 32 : index
    %swap3A_533 = tpu.vector_load %arg15[%swap3A_532] {strides = array<i32>} : memref<64xf32, #tpu.memory_space<vmem>>, vector<16xf32>,
    tpu.vector_store %arg15[%swap3A_532], %broadcast_in_dim3A_1 {strides = array<i32>} : memref<64xf32, #tpu.memory_space<vmem>>, vector<16xf32>,
    %swap3A_534 = arith.constant 48 : index
    %swap3A_535 = tpu.vector_load %arg15[%swap3A_534] {strides = array<i32>} : memref<64xf32, #tpu.memory_space<vmem>>, vector<16xf32>,
    tpu.vector_store %arg15[%swap3A_534], %broadcast_in_dim3A_1 {strides = array<i32>} : memref<64xf32, #tpu.memory_space<vmem>>, vector<16xf32>,
    %broadcast_in_dim3A_536 = arith.constant 1.000000e+00 : f32
    %broadcast_in_dim3A_537 = vector.broadcast %broadcast_in_dim3A_536 : f32 to vector<16xf32>
    %swap3A_538 = arith.constant 0 : index
    %swap3A_539 = tpu.vector_load %arg13[%swap3A_538] {strides = array<i32>} : memref<128xf32, #tpu.memory_space<vmem>>, vector<16xf32>,
    tpu.vector_store %arg13[%swap3A_538], %broadcast_in_dim3A_537 {strides = array<i32>} : memref<128xf32, #tpu.memory_space<vmem>>, vector<16xf32>,
    %broadcast_in_dim3A_540 = arith.constant 1.000000e+00 : f32
    %broadcast_in_dim3A_541 = vector.broadcast %broadcast_in_dim3A_540 : f32 to vector<16xf32>
    %swap3A_542 = arith.constant 16 : index
    %swap3A_543 = tpu.vector_load %arg13[%swap3A_542] {strides = array<i32>} : memref<128xf32, #tpu.memory_space<vmem>>, vector<16xf32>,
    tpu.vector_store %arg13[%swap3A_542], %broadcast_in_dim3A_541 {strides = array<i32>} : memref<128xf32, #tpu.memory_space<vmem>>, vector<16xf32>,
    %broadcast_in_dim3A_544 = arith.constant 1.000000e+00 : f32
    %broadcast_in_dim3A_545 = vector.broadcast %broadcast_in_dim3A_544 : f32 to vector<16xf32>
    %swap3A_546 = arith.constant 32 : index
    %swap3A_547 = tpu.vector_load %arg13[%swap3A_546] {strides = array<i32>} : memref<128xf32, #tpu.memory_space<vmem>>, vector<16xf32>,
    tpu.vector_store %arg13[%swap3A_546], %broadcast_in_dim3A_545 {strides = array<i32>} : memref<128xf32, #tpu.memory_space<vmem>>, vector<16xf32>,
    %broadcast_in_dim3A_548 = arith.constant 1.000000e+00 : f32
    %broadcast_in_dim3A_549 = vector.broadcast %broadcast_in_dim3A_548 : f32 to vector<16xf32>
    %swap3A_550 = arith.constant 48 : index
    %swap3A_551 = tpu.vector_load %arg13[%swap3A_550] {strides = array<i32>} : memref<128xf32, #tpu.memory_space<vmem>>, vector<16xf32>,
    tpu.vector_store %arg13[%swap3A_550], %broadcast_in_dim3A_549 {strides = array<i32>} : memref<128xf32, #tpu.memory_space<vmem>>, vector<16xf32>,
    %broadcast_in_dim3A_552 = arith.constant 1.000000e+00 : f32
    %broadcast_in_dim3A_553 = vector.broadcast %broadcast_in_dim3A_552 : f32 to vector<16xf32>
    %swap3A_554 = arith.constant 64 : index
    %swap3A_555 = tpu.vector_load %arg13[%swap3A_554] {strides = array<i32>} : memref<128xf32, #tpu.memory_space<vmem>>, vector<16xf32>,
    tpu.vector_store %arg13[%swap3A_554], %broadcast_in_dim3A_553 {strides = array<i32>} : memref<128xf32, #tpu.memory_space<vmem>>, vector<16xf32>,
    %broadcast_in_dim3A_556 = arith.constant 1.000000e+00 : f32
    %broadcast_in_dim3A_557 = vector.broadcast %broadcast_in_dim3A_556 : f32 to vector<16xf32>
    %swap3A_558 = arith.constant 80 : index
    %swap3A_559 = tpu.vector_load %arg13[%swap3A_558] {strides = array<i32>} : memref<128xf32, #tpu.memory_space<vmem>>, vector<16xf32>,
    tpu.vector_store %arg13[%swap3A_558], %broadcast_in_dim3A_557 {strides = array<i32>} : memref<128xf32, #tpu.memory_space<vmem>>, vector<16xf32>,
    %broadcast_in_dim3A_560 = arith.constant 1.000000e+00 : f32
    %broadcast_in_dim3A_561 = vector.broadcast %broadcast_in_dim3A_560 : f32 to vector<16xf32>
    %swap3A_562 = arith.constant 96 : index
    %swap3A_563 = tpu.vector_load %arg13[%swap3A_562] {strides = array<i32>} : memref<128xf32, #tpu.memory_space<vmem>>, vector<16xf32>,
    tpu.vector_store %arg13[%swap3A_562], %broadcast_in_dim3A_561 {strides = array<i32>} : memref<128xf32, #tpu.memory_space<vmem>>, vector<16xf32>,
    %broadcast_in_dim3A_564 = arith.constant 1.000000e+00 : f32
    %broadcast_in_dim3A_565 = vector.broadcast %broadcast_in_dim3A_564 : f32 to vector<16xf32>
    %swap3A_566 = arith.constant 112 : index
    %swap3A_567 = tpu.vector_load %arg13[%swap3A_566] {strides = array<i32>} : memref<128xf32, #tpu.memory_space<vmem>>, vector<16xf32>,
    tpu.vector_store %arg13[%swap3A_566], %broadcast_in_dim3A_565 {strides = array<i32>} : memref<128xf32, #tpu.memory_space<vmem>>, vector<16xf32>,
    %mul3A_568 = arith.constant 64 : i32
    %mul3A_569 = arith.muli %arg1, %mul3A_568 : i32
    "tpu.region"() ({
      %run_scoped3A = tpu.sem_alloc : memref<!tpu.dma_semaphore, #tpu.memory_space<semaphore_mem>>
      %dma_start3A_1508 = arith.constant 0 : i32
      %dma_start3A_1509 = tpu.memref_slice %arg17[%mul3A_569, %dma_start3A_1508] : memref<1024x32xf32, #tpu.memory_space<vmem_shared>> -> memref<64x32xf32, #tpu.memory_space<vmem_shared>>
      %dma_start3A_1510 = arith.constant 0 : i32
      %dma_start3A_1511 = tpu.memref_slice %arg17[%mul3A_569, %dma_start3A_1510] : memref<1024x32xf32, #tpu.memory_space<vmem_shared>> -> memref<64x32xf32, #tpu.memory_space<vmem_shared>>
      tpu.enqueue_dma source(%arg14 : memref<64x32xf32, #tpu.memory_space<vmem>>) target(%dma_start3A_1511 : memref<64x32xf32, #tpu.memory_space<vmem_shared>>) target_semaphore(%run_scoped3A : memref<!tpu.dma_semaphore, #tpu.memory_space<semaphore_mem>>)
      %dma_wait3A_1512 = arith.constant 0 : i32
      %dma_wait3A_1513 = tpu.memref_slice %arg17[%mul3A_569, %dma_wait3A_1512] : memref<1024x32xf32, #tpu.memory_space<vmem_shared>> -> memref<64x32xf32, #tpu.memory_space<vmem_shared>>
      %dma_wait3A_1514 = arith.constant 0 : i32
      %dma_wait3A_1515 = tpu.memref_slice %arg17[%mul3A_569, %dma_wait3A_1514] : memref<1024x32xf32, #tpu.memory_space<vmem_shared>> -> memref<64x32xf32, #tpu.memory_space<vmem_shared>>
      tpu.wait_dma2 semaphore(%run_scoped3A : memref<!tpu.dma_semaphore, #tpu.memory_space<semaphore_mem>>) src(%arg14 : memref<64x32xf32, #tpu.memory_space<vmem>>) dst(%dma_wait3A_1515 : memref<64x32xf32, #tpu.memory_space<vmem_shared>>)
      tpu.yield
    }) : () -> ()
    %mul3A_570 = arith.constant 64 : i32
    %mul3A_571 = arith.muli %arg1, %mul3A_570 : i32
    "tpu.region"() ({
      %run_scoped3A = tpu.sem_alloc : memref<!tpu.dma_semaphore, #tpu.memory_space<semaphore_mem>>
      %dma_start3A_1508 = tpu.memref_slice %arg18[%mul3A_571] : memref<1024xf32, #tpu.memory_space<vmem_shared>> -> memref<64xf32, #tpu.memory_space<vmem_shared>>
      %dma_start3A_1509 = tpu.memref_slice %arg18[%mul3A_571] : memref<1024xf32, #tpu.memory_space<vmem_shared>> -> memref<64xf32, #tpu.memory_space<vmem_shared>>
      tpu.enqueue_dma source(%arg15 : memref<64xf32, #tpu.memory_space<vmem>>) target(%dma_start3A_1509 : memref<64xf32, #tpu.memory_space<vmem_shared>>) target_semaphore(%run_scoped3A : memref<!tpu.dma_semaphore, #tpu.memory_space<semaphore_mem>>)
      %dma_wait3A_1510 = tpu.memref_slice %arg18[%mul3A_571] : memref<1024xf32, #tpu.memory_space<vmem_shared>> -> memref<64xf32, #tpu.memory_space<vmem_shared>>
      %dma_wait3A_1511 = tpu.memref_slice %arg18[%mul3A_571] : memref<1024xf32, #tpu.memory_space<vmem_shared>> -> memref<64xf32, #tpu.memory_space<vmem_shared>>
      tpu.wait_dma2 semaphore(%run_scoped3A : memref<!tpu.dma_semaphore, #tpu.memory_space<semaphore_mem>>) src(%arg15 : memref<64xf32, #tpu.memory_space<vmem>>) dst(%dma_wait3A_1511 : memref<64xf32, #tpu.memory_space<vmem_shared>>)
      tpu.yield
    }) : () -> ()
    %dma_wait3A = arith.constant 0 : i32
    %dma_wait3A_572 = tpu.memref_slice %arg2[%mul3A_0, %dma_wait3A] : memref<16384x32xf32, #tpu.memory_space<hbm>> -> memref<1024x32xf32, #tpu.memory_space<hbm>>
    %dma_wait3A_573 = arith.constant 0 : i32
    %dma_wait3A_574 = tpu.memref_slice %arg2[%mul3A_0, %dma_wait3A_573] : memref<16384x32xf32, #tpu.memory_space<hbm>> -> memref<1024x32xf32, #tpu.memory_space<hbm>>
    tpu.wait_dma2 semaphore(%arg20 : memref<!tpu.dma_semaphore, #tpu.memory_space<semaphore_mem>>) src(%dma_wait3A_574 : memref<1024x32xf32, #tpu.memory_space<hbm>>) dst(%arg6 : memref<1024x32xf32, #tpu.memory_space<vmem>>)
    %dma_wait3A_575 = arith.constant 0 : i32
    %dma_wait3A_576 = arith.constant 0 : i32
    %dma_wait3A_577 = tpu.memref_slice %arg4[%arg1, %dma_wait3A_575, %dma_wait3A_576] : memref<16x8x128xi32, #tpu.memory_space<hbm>> -> memref<1x8x128xi32, #tpu.memory_space<hbm>>
    %dma_wait3A_578 = tpu.memref_squeeze %dma_wait3A_577 : memref<1x8x128xi32, #tpu.memory_space<hbm>> -> memref<8x128xi32, #tpu.memory_space<hbm>>
    %dma_wait3A_579 = arith.constant 0 : i32
    %dma_wait3A_580 = arith.constant 0 : i32
    %dma_wait3A_581 = tpu.memref_slice %arg4[%arg1, %dma_wait3A_579, %dma_wait3A_580] : memref<16x8x128xi32, #tpu.memory_space<hbm>> -> memref<1x8x128xi32, #tpu.memory_space<hbm>>
    %dma_wait3A_582 = tpu.memref_squeeze %dma_wait3A_581 : memref<1x8x128xi32, #tpu.memory_space<hbm>> -> memref<8x128xi32, #tpu.memory_space<hbm>>
    tpu.wait_dma2 semaphore(%arg22 : memref<!tpu.dma_semaphore, #tpu.memory_space<semaphore_mem>>) src(%dma_wait3A_582 : memref<8x128xi32, #tpu.memory_space<hbm>>) dst(%arg8 : memref<8x128xi32, #tpu.memory_space<vmem>>)
    %barrier3A = arith.constant 0 : index
    tpu.barrier barrier_id(%barrier3A)
    %dma_start3A_583 = arith.constant 0 : i32
    %dma_start3A_584 = arith.constant 0 : i32
    %dma_start3A_585 = arith.constant 0 : i32
    %dma_start3A_586 = tpu.memref_slice %arg6[%dma_start3A_584, %dma_start3A_585] : memref<1024x32xf32, #tpu.memory_space<vmem>> -> memref<128x32xf32, #tpu.memory_space<vmem>>
    %dma_start3A_587 = arith.constant 0 : i32
    %dma_start3A_588 = tpu.memref_slice %arg8[%dma_start3A_583, %dma_start3A_587] : memref<8x128xi32, #tpu.memory_space<vmem>> -> memref<1x128xi32, #tpu.memory_space<vmem>>
    %dma_start3A_589 = tpu.memref_squeeze %dma_start3A_588 : memref<1x128xi32, #tpu.memory_space<vmem>> -> memref<128xi32, #tpu.memory_space<vmem>>
    %dma_start3A_590 = arith.constant 0 : i32
    %dma_start3A_591 = arith.constant 0 : i32
    %dma_start3A_592 = tpu.memref_slice %arg17[%dma_start3A_590, %dma_start3A_591] : memref<1024x32xf32, #tpu.memory_space<vmem_shared>> -> memref<1024x32xf32, #tpu.memory_space<vmem_shared>>
    tpu.enqueue_indirect_dma source(%dma_start3A_586 : memref<128x32xf32, #tpu.memory_space<vmem>>) target(%dma_start3A_592 : memref<1024x32xf32, #tpu.memory_space<vmem_shared>>) offsets(%dma_start3A_589 : memref<128xi32, #tpu.memory_space<vmem>>) semaphore(%arg23 : memref<!tpu.dma_semaphore, #tpu.memory_space<semaphore_mem>>) {add = true}
    %dma_start3A_593 = arith.constant 0 : i32
    %dma_start3A_594 = arith.constant 0 : i32
    %dma_start3A_595 = tpu.memref_slice %arg8[%dma_start3A_593, %dma_start3A_594] : memref<8x128xi32, #tpu.memory_space<vmem>> -> memref<1x128xi32, #tpu.memory_space<vmem>>
    %dma_start3A_596 = tpu.memref_squeeze %dma_start3A_595 : memref<1x128xi32, #tpu.memory_space<vmem>> -> memref<128xi32, #tpu.memory_space<vmem>>
    %dma_start3A_597 = arith.constant 0 : i32
    %dma_start3A_598 = tpu.memref_slice %arg18[%dma_start3A_597] : memref<1024xf32, #tpu.memory_space<vmem_shared>> -> memref<1024xf32, #tpu.memory_space<vmem_shared>>
    tpu.enqueue_indirect_dma source(%arg13 : memref<128xf32, #tpu.memory_space<vmem>>) target(%dma_start3A_598 : memref<1024xf32, #tpu.memory_space<vmem_shared>>) offsets(%dma_start3A_596 : memref<128xi32, #tpu.memory_space<vmem>>) semaphore(%arg23 : memref<!tpu.dma_semaphore, #tpu.memory_space<semaphore_mem>>) {add = true}
    %dma_start3A_599 = arith.constant 1 : i32
    %dma_start3A_600 = arith.constant 128 : i32
    %dma_start3A_601 = arith.constant 0 : i32
    %dma_start3A_602 = tpu.memref_slice %arg6[%dma_start3A_600, %dma_start3A_601] : memref<1024x32xf32, #tpu.memory_space<vmem>> -> memref<128x32xf32, #tpu.memory_space<vmem>>
    %dma_start3A_603 = arith.constant 0 : i32
    %dma_start3A_604 = tpu.memref_slice %arg8[%dma_start3A_599, %dma_start3A_603] : memref<8x128xi32, #tpu.memory_space<vmem>> -> memref<1x128xi32, #tpu.memory_space<vmem>>
    %dma_start3A_605 = tpu.memref_squeeze %dma_start3A_604 : memref<1x128xi32, #tpu.memory_space<vmem>> -> memref<128xi32, #tpu.memory_space<vmem>>
    %dma_start3A_606 = arith.constant 0 : i32
    %dma_start3A_607 = arith.constant 0 : i32
    %dma_start3A_608 = tpu.memref_slice %arg17[%dma_start3A_606, %dma_start3A_607] : memref<1024x32xf32, #tpu.memory_space<vmem_shared>> -> memref<1024x32xf32, #tpu.memory_space<vmem_shared>>
    tpu.enqueue_indirect_dma source(%dma_start3A_602 : memref<128x32xf32, #tpu.memory_space<vmem>>) target(%dma_start3A_608 : memref<1024x32xf32, #tpu.memory_space<vmem_shared>>) offsets(%dma_start3A_605 : memref<128xi32, #tpu.memory_space<vmem>>) semaphore(%arg23 : memref<!tpu.dma_semaphore, #tpu.memory_space<semaphore_mem>>) {add = true}
    %dma_start3A_609 = arith.constant 1 : i32
    %dma_start3A_610 = arith.constant 0 : i32
    %dma_start3A_611 = tpu.memref_slice %arg8[%dma_start3A_609, %dma_start3A_610] : memref<8x128xi32, #tpu.memory_space<vmem>> -> memref<1x128xi32, #tpu.memory_space<vmem>>
    %dma_start3A_612 = tpu.memref_squeeze %dma_start3A_611 : memref<1x128xi32, #tpu.memory_space<vmem>> -> memref<128xi32, #tpu.memory_space<vmem>>
    %dma_start3A_613 = arith.constant 0 : i32
    %dma_start3A_614 = tpu.memref_slice %arg18[%dma_start3A_613] : memref<1024xf32, #tpu.memory_space<vmem_shared>> -> memref<1024xf32, #tpu.memory_space<vmem_shared>>
    tpu.enqueue_indirect_dma source(%arg13 : memref<128xf32, #tpu.memory_space<vmem>>) target(%dma_start3A_614 : memref<1024xf32, #tpu.memory_space<vmem_shared>>) offsets(%dma_start3A_612 : memref<128xi32, #tpu.memory_space<vmem>>) semaphore(%arg23 : memref<!tpu.dma_semaphore, #tpu.memory_space<semaphore_mem>>) {add = true}
    %dma_start3A_615 = arith.constant 2 : i32
    %dma_start3A_616 = arith.constant 256 : i32
    %dma_start3A_617 = arith.constant 0 : i32
    %dma_start3A_618 = tpu.memref_slice %arg6[%dma_start3A_616, %dma_start3A_617] : memref<1024x32xf32, #tpu.memory_space<vmem>> -> memref<128x32xf32, #tpu.memory_space<vmem>>
    %dma_start3A_619 = arith.constant 0 : i32
    %dma_start3A_620 = tpu.memref_slice %arg8[%dma_start3A_615, %dma_start3A_619] : memref<8x128xi32, #tpu.memory_space<vmem>> -> memref<1x128xi32, #tpu.memory_space<vmem>>
    %dma_start3A_621 = tpu.memref_squeeze %dma_start3A_620 : memref<1x128xi32, #tpu.memory_space<vmem>> -> memref<128xi32, #tpu.memory_space<vmem>>
    %dma_start3A_622 = arith.constant 0 : i32
    %dma_start3A_623 = arith.constant 0 : i32
    %dma_start3A_624 = tpu.memref_slice %arg17[%dma_start3A_622, %dma_start3A_623] : memref<1024x32xf32, #tpu.memory_space<vmem_shared>> -> memref<1024x32xf32, #tpu.memory_space<vmem_shared>>
    tpu.enqueue_indirect_dma source(%dma_start3A_618 : memref<128x32xf32, #tpu.memory_space<vmem>>) target(%dma_start3A_624 : memref<1024x32xf32, #tpu.memory_space<vmem_shared>>) offsets(%dma_start3A_621 : memref<128xi32, #tpu.memory_space<vmem>>) semaphore(%arg23 : memref<!tpu.dma_semaphore, #tpu.memory_space<semaphore_mem>>) {add = true}
    %dma_start3A_625 = arith.constant 2 : i32
    %dma_start3A_626 = arith.constant 0 : i32
    %dma_start3A_627 = tpu.memref_slice %arg8[%dma_start3A_625, %dma_start3A_626] : memref<8x128xi32, #tpu.memory_space<vmem>> -> memref<1x128xi32, #tpu.memory_space<vmem>>
    %dma_start3A_628 = tpu.memref_squeeze %dma_start3A_627 : memref<1x128xi32, #tpu.memory_space<vmem>> -> memref<128xi32, #tpu.memory_space<vmem>>
    %dma_start3A_629 = arith.constant 0 : i32
    %dma_start3A_630 = tpu.memref_slice %arg18[%dma_start3A_629] : memref<1024xf32, #tpu.memory_space<vmem_shared>> -> memref<1024xf32, #tpu.memory_space<vmem_shared>>
    tpu.enqueue_indirect_dma source(%arg13 : memref<128xf32, #tpu.memory_space<vmem>>) target(%dma_start3A_630 : memref<1024xf32, #tpu.memory_space<vmem_shared>>) offsets(%dma_start3A_628 : memref<128xi32, #tpu.memory_space<vmem>>) semaphore(%arg23 : memref<!tpu.dma_semaphore, #tpu.memory_space<semaphore_mem>>) {add = true}
    %dma_start3A_631 = arith.constant 3 : i32
    %dma_start3A_632 = arith.constant 384 : i32
    %dma_start3A_633 = arith.constant 0 : i32
    %dma_start3A_634 = tpu.memref_slice %arg6[%dma_start3A_632, %dma_start3A_633] : memref<1024x32xf32, #tpu.memory_space<vmem>> -> memref<128x32xf32, #tpu.memory_space<vmem>>
    %dma_start3A_635 = arith.constant 0 : i32
    %dma_start3A_636 = tpu.memref_slice %arg8[%dma_start3A_631, %dma_start3A_635] : memref<8x128xi32, #tpu.memory_space<vmem>> -> memref<1x128xi32, #tpu.memory_space<vmem>>
    %dma_start3A_637 = tpu.memref_squeeze %dma_start3A_636 : memref<1x128xi32, #tpu.memory_space<vmem>> -> memref<128xi32, #tpu.memory_space<vmem>>
    %dma_start3A_638 = arith.constant 0 : i32
    %dma_start3A_639 = arith.constant 0 : i32
    %dma_start3A_640 = tpu.memref_slice %arg17[%dma_start3A_638, %dma_start3A_639] : memref<1024x32xf32, #tpu.memory_space<vmem_shared>> -> memref<1024x32xf32, #tpu.memory_space<vmem_shared>>
    tpu.enqueue_indirect_dma source(%dma_start3A_634 : memref<128x32xf32, #tpu.memory_space<vmem>>) target(%dma_start3A_640 : memref<1024x32xf32, #tpu.memory_space<vmem_shared>>) offsets(%dma_start3A_637 : memref<128xi32, #tpu.memory_space<vmem>>) semaphore(%arg23 : memref<!tpu.dma_semaphore, #tpu.memory_space<semaphore_mem>>) {add = true}
    %dma_start3A_641 = arith.constant 3 : i32
    %dma_start3A_642 = arith.constant 0 : i32
    %dma_start3A_643 = tpu.memref_slice %arg8[%dma_start3A_641, %dma_start3A_642] : memref<8x128xi32, #tpu.memory_space<vmem>> -> memref<1x128xi32, #tpu.memory_space<vmem>>
    %dma_start3A_644 = tpu.memref_squeeze %dma_start3A_643 : memref<1x128xi32, #tpu.memory_space<vmem>> -> memref<128xi32, #tpu.memory_space<vmem>>
    %dma_start3A_645 = arith.constant 0 : i32
    %dma_start3A_646 = tpu.memref_slice %arg18[%dma_start3A_645] : memref<1024xf32, #tpu.memory_space<vmem_shared>> -> memref<1024xf32, #tpu.memory_space<vmem_shared>>
    tpu.enqueue_indirect_dma source(%arg13 : memref<128xf32, #tpu.memory_space<vmem>>) target(%dma_start3A_646 : memref<1024xf32, #tpu.memory_space<vmem_shared>>) offsets(%dma_start3A_644 : memref<128xi32, #tpu.memory_space<vmem>>) semaphore(%arg23 : memref<!tpu.dma_semaphore, #tpu.memory_space<semaphore_mem>>) {add = true}
    %dma_start3A_647 = arith.constant 4 : i32
    %dma_start3A_648 = arith.constant 512 : i32
    %dma_start3A_649 = arith.constant 0 : i32
    %dma_start3A_650 = tpu.memref_slice %arg6[%dma_start3A_648, %dma_start3A_649] : memref<1024x32xf32, #tpu.memory_space<vmem>> -> memref<128x32xf32, #tpu.memory_space<vmem>>
    %dma_start3A_651 = arith.constant 0 : i32
    %dma_start3A_652 = tpu.memref_slice %arg8[%dma_start3A_647, %dma_start3A_651] : memref<8x128xi32, #tpu.memory_space<vmem>> -> memref<1x128xi32, #tpu.memory_space<vmem>>
    %dma_start3A_653 = tpu.memref_squeeze %dma_start3A_652 : memref<1x128xi32, #tpu.memory_space<vmem>> -> memref<128xi32, #tpu.memory_space<vmem>>
    %dma_start3A_654 = arith.constant 0 : i32
    %dma_start3A_655 = arith.constant 0 : i32
    %dma_start3A_656 = tpu.memref_slice %arg17[%dma_start3A_654, %dma_start3A_655] : memref<1024x32xf32, #tpu.memory_space<vmem_shared>> -> memref<1024x32xf32, #tpu.memory_space<vmem_shared>>
    tpu.enqueue_indirect_dma source(%dma_start3A_650 : memref<128x32xf32, #tpu.memory_space<vmem>>) target(%dma_start3A_656 : memref<1024x32xf32, #tpu.memory_space<vmem_shared>>) offsets(%dma_start3A_653 : memref<128xi32, #tpu.memory_space<vmem>>) semaphore(%arg23 : memref<!tpu.dma_semaphore, #tpu.memory_space<semaphore_mem>>) {add = true}
    %dma_start3A_657 = arith.constant 4 : i32
    %dma_start3A_658 = arith.constant 0 : i32
    %dma_start3A_659 = tpu.memref_slice %arg8[%dma_start3A_657, %dma_start3A_658] : memref<8x128xi32, #tpu.memory_space<vmem>> -> memref<1x128xi32, #tpu.memory_space<vmem>>
    %dma_start3A_660 = tpu.memref_squeeze %dma_start3A_659 : memref<1x128xi32, #tpu.memory_space<vmem>> -> memref<128xi32, #tpu.memory_space<vmem>>
    %dma_start3A_661 = arith.constant 0 : i32
    %dma_start3A_662 = tpu.memref_slice %arg18[%dma_start3A_661] : memref<1024xf32, #tpu.memory_space<vmem_shared>> -> memref<1024xf32, #tpu.memory_space<vmem_shared>>
    tpu.enqueue_indirect_dma source(%arg13 : memref<128xf32, #tpu.memory_space<vmem>>) target(%dma_start3A_662 : memref<1024xf32, #tpu.memory_space<vmem_shared>>) offsets(%dma_start3A_660 : memref<128xi32, #tpu.memory_space<vmem>>) semaphore(%arg23 : memref<!tpu.dma_semaphore, #tpu.memory_space<semaphore_mem>>) {add = true}
    %dma_start3A_663 = arith.constant 5 : i32
    %dma_start3A_664 = arith.constant 640 : i32
    %dma_start3A_665 = arith.constant 0 : i32
    %dma_start3A_666 = tpu.memref_slice %arg6[%dma_start3A_664, %dma_start3A_665] : memref<1024x32xf32, #tpu.memory_space<vmem>> -> memref<128x32xf32, #tpu.memory_space<vmem>>
    %dma_start3A_667 = arith.constant 0 : i32
    %dma_start3A_668 = tpu.memref_slice %arg8[%dma_start3A_663, %dma_start3A_667] : memref<8x128xi32, #tpu.memory_space<vmem>> -> memref<1x128xi32, #tpu.memory_space<vmem>>
    %dma_start3A_669 = tpu.memref_squeeze %dma_start3A_668 : memref<1x128xi32, #tpu.memory_space<vmem>> -> memref<128xi32, #tpu.memory_space<vmem>>
    %dma_start3A_670 = arith.constant 0 : i32
    %dma_start3A_671 = arith.constant 0 : i32
    %dma_start3A_672 = tpu.memref_slice %arg17[%dma_start3A_670, %dma_start3A_671] : memref<1024x32xf32, #tpu.memory_space<vmem_shared>> -> memref<1024x32xf32, #tpu.memory_space<vmem_shared>>
    tpu.enqueue_indirect_dma source(%dma_start3A_666 : memref<128x32xf32, #tpu.memory_space<vmem>>) target(%dma_start3A_672 : memref<1024x32xf32, #tpu.memory_space<vmem_shared>>) offsets(%dma_start3A_669 : memref<128xi32, #tpu.memory_space<vmem>>) semaphore(%arg23 : memref<!tpu.dma_semaphore, #tpu.memory_space<semaphore_mem>>) {add = true}
    %dma_start3A_673 = arith.constant 5 : i32
    %dma_start3A_674 = arith.constant 0 : i32
    %dma_start3A_675 = tpu.memref_slice %arg8[%dma_start3A_673, %dma_start3A_674] : memref<8x128xi32, #tpu.memory_space<vmem>> -> memref<1x128xi32, #tpu.memory_space<vmem>>
    %dma_start3A_676 = tpu.memref_squeeze %dma_start3A_675 : memref<1x128xi32, #tpu.memory_space<vmem>> -> memref<128xi32, #tpu.memory_space<vmem>>
    %dma_start3A_677 = arith.constant 0 : i32
    %dma_start3A_678 = tpu.memref_slice %arg18[%dma_start3A_677] : memref<1024xf32, #tpu.memory_space<vmem_shared>> -> memref<1024xf32, #tpu.memory_space<vmem_shared>>
    tpu.enqueue_indirect_dma source(%arg13 : memref<128xf32, #tpu.memory_space<vmem>>) target(%dma_start3A_678 : memref<1024xf32, #tpu.memory_space<vmem_shared>>) offsets(%dma_start3A_676 : memref<128xi32, #tpu.memory_space<vmem>>) semaphore(%arg23 : memref<!tpu.dma_semaphore, #tpu.memory_space<semaphore_mem>>) {add = true}
    %dma_start3A_679 = arith.constant 6 : i32
    %dma_start3A_680 = arith.constant 768 : i32
    %dma_start3A_681 = arith.constant 0 : i32
    %dma_start3A_682 = tpu.memref_slice %arg6[%dma_start3A_680, %dma_start3A_681] : memref<1024x32xf32, #tpu.memory_space<vmem>> -> memref<128x32xf32, #tpu.memory_space<vmem>>
    %dma_start3A_683 = arith.constant 0 : i32
    %dma_start3A_684 = tpu.memref_slice %arg8[%dma_start3A_679, %dma_start3A_683] : memref<8x128xi32, #tpu.memory_space<vmem>> -> memref<1x128xi32, #tpu.memory_space<vmem>>
    %dma_start3A_685 = tpu.memref_squeeze %dma_start3A_684 : memref<1x128xi32, #tpu.memory_space<vmem>> -> memref<128xi32, #tpu.memory_space<vmem>>
    %dma_start3A_686 = arith.constant 0 : i32
    %dma_start3A_687 = arith.constant 0 : i32
    %dma_start3A_688 = tpu.memref_slice %arg17[%dma_start3A_686, %dma_start3A_687] : memref<1024x32xf32, #tpu.memory_space<vmem_shared>> -> memref<1024x32xf32, #tpu.memory_space<vmem_shared>>
    tpu.enqueue_indirect_dma source(%dma_start3A_682 : memref<128x32xf32, #tpu.memory_space<vmem>>) target(%dma_start3A_688 : memref<1024x32xf32, #tpu.memory_space<vmem_shared>>) offsets(%dma_start3A_685 : memref<128xi32, #tpu.memory_space<vmem>>) semaphore(%arg23 : memref<!tpu.dma_semaphore, #tpu.memory_space<semaphore_mem>>) {add = true}
    %dma_start3A_689 = arith.constant 6 : i32
    %dma_start3A_690 = arith.constant 0 : i32
    %dma_start3A_691 = tpu.memref_slice %arg8[%dma_start3A_689, %dma_start3A_690] : memref<8x128xi32, #tpu.memory_space<vmem>> -> memref<1x128xi32, #tpu.memory_space<vmem>>
    %dma_start3A_692 = tpu.memref_squeeze %dma_start3A_691 : memref<1x128xi32, #tpu.memory_space<vmem>> -> memref<128xi32, #tpu.memory_space<vmem>>
    %dma_start3A_693 = arith.constant 0 : i32
    %dma_start3A_694 = tpu.memref_slice %arg18[%dma_start3A_693] : memref<1024xf32, #tpu.memory_space<vmem_shared>> -> memref<1024xf32, #tpu.memory_space<vmem_shared>>
    tpu.enqueue_indirect_dma source(%arg13 : memref<128xf32, #tpu.memory_space<vmem>>) target(%dma_start3A_694 : memref<1024xf32, #tpu.memory_space<vmem_shared>>) offsets(%dma_start3A_692 : memref<128xi32, #tpu.memory_space<vmem>>) semaphore(%arg23 : memref<!tpu.dma_semaphore, #tpu.memory_space<semaphore_mem>>) {add = true}
    %dma_start3A_695 = arith.constant 7 : i32
    %dma_start3A_696 = arith.constant 896 : i32
    %dma_start3A_697 = arith.constant 0 : i32
    %dma_start3A_698 = tpu.memref_slice %arg6[%dma_start3A_696, %dma_start3A_697] : memref<1024x32xf32, #tpu.memory_space<vmem>> -> memref<128x32xf32, #tpu.memory_space<vmem>>
    %dma_start3A_699 = arith.constant 0 : i32
    %dma_start3A_700 = tpu.memref_slice %arg8[%dma_start3A_695, %dma_start3A_699] : memref<8x128xi32, #tpu.memory_space<vmem>> -> memref<1x128xi32, #tpu.memory_space<vmem>>
    %dma_start3A_701 = tpu.memref_squeeze %dma_start3A_700 : memref<1x128xi32, #tpu.memory_space<vmem>> -> memref<128xi32, #tpu.memory_space<vmem>>
    %dma_start3A_702 = arith.constant 0 : i32
    %dma_start3A_703 = arith.constant 0 : i32
    %dma_start3A_704 = tpu.memref_slice %arg17[%dma_start3A_702, %dma_start3A_703] : memref<1024x32xf32, #tpu.memory_space<vmem_shared>> -> memref<1024x32xf32, #tpu.memory_space<vmem_shared>>
    tpu.enqueue_indirect_dma source(%dma_start3A_698 : memref<128x32xf32, #tpu.memory_space<vmem>>) target(%dma_start3A_704 : memref<1024x32xf32, #tpu.memory_space<vmem_shared>>) offsets(%dma_start3A_701 : memref<128xi32, #tpu.memory_space<vmem>>) semaphore(%arg23 : memref<!tpu.dma_semaphore, #tpu.memory_space<semaphore_mem>>) {add = true}
    %dma_start3A_705 = arith.constant 7 : i32
    %dma_start3A_706 = arith.constant 0 : i32
    %dma_start3A_707 = tpu.memref_slice %arg8[%dma_start3A_705, %dma_start3A_706] : memref<8x128xi32, #tpu.memory_space<vmem>> -> memref<1x128xi32, #tpu.memory_space<vmem>>
    %dma_start3A_708 = tpu.memref_squeeze %dma_start3A_707 : memref<1x128xi32, #tpu.memory_space<vmem>> -> memref<128xi32, #tpu.memory_space<vmem>>
    %dma_start3A_709 = arith.constant 0 : i32
    %dma_start3A_710 = tpu.memref_slice %arg18[%dma_start3A_709] : memref<1024xf32, #tpu.memory_space<vmem_shared>> -> memref<1024xf32, #tpu.memory_space<vmem_shared>>
    tpu.enqueue_indirect_dma source(%arg13 : memref<128xf32, #tpu.memory_space<vmem>>) target(%dma_start3A_710 : memref<1024xf32, #tpu.memory_space<vmem_shared>>) offsets(%dma_start3A_708 : memref<128xi32, #tpu.memory_space<vmem>>) semaphore(%arg23 : memref<!tpu.dma_semaphore, #tpu.memory_space<semaphore_mem>>) {add = true}
    %dma_wait3A_711 = arith.constant 0 : i32
    %dma_wait3A_712 = arith.constant 0 : i32
    %dma_wait3A_713 = arith.constant 0 : i32
    %dma_wait3A_714 = tpu.memref_slice %arg6[%dma_wait3A_712, %dma_wait3A_713] : memref<1024x32xf32, #tpu.memory_space<vmem>> -> memref<128x32xf32, #tpu.memory_space<vmem>>
    %dma_wait3A_715 = arith.constant 0 : i32
    %dma_wait3A_716 = tpu.memref_slice %arg8[%dma_wait3A_711, %dma_wait3A_715] : memref<8x128xi32, #tpu.memory_space<vmem>> -> memref<1x128xi32, #tpu.memory_space<vmem>>
    %dma_wait3A_717 = tpu.memref_squeeze %dma_wait3A_716 : memref<1x128xi32, #tpu.memory_space<vmem>> -> memref<128xi32, #tpu.memory_space<vmem>>
    %dma_wait3A_718 = arith.constant 0 : i32
    %dma_wait3A_719 = arith.constant 0 : i32
    %dma_wait3A_720 = tpu.memref_slice %arg17[%dma_wait3A_718, %dma_wait3A_719] : memref<1024x32xf32, #tpu.memory_space<vmem_shared>> -> memref<1024x32xf32, #tpu.memory_space<vmem_shared>>
    tpu.wait_indirect_dma semaphore(%arg23 : memref<!tpu.dma_semaphore, #tpu.memory_space<semaphore_mem>>) src(%dma_wait3A_714 : memref<128x32xf32, #tpu.memory_space<vmem>>) dst(%dma_wait3A_720 : memref<1024x32xf32, #tpu.memory_space<vmem_shared>>)
    %dma_wait3A_721 = arith.constant 0 : i32
    %dma_wait3A_722 = arith.constant 0 : i32
    %dma_wait3A_723 = tpu.memref_slice %arg8[%dma_wait3A_721, %dma_wait3A_722] : memref<8x128xi32, #tpu.memory_space<vmem>> -> memref<1x128xi32, #tpu.memory_space<vmem>>
    %dma_wait3A_724 = tpu.memref_squeeze %dma_wait3A_723 : memref<1x128xi32, #tpu.memory_space<vmem>> -> memref<128xi32, #tpu.memory_space<vmem>>
    %dma_wait3A_725 = arith.constant 0 : i32
    %dma_wait3A_726 = tpu.memref_slice %arg18[%dma_wait3A_725] : memref<1024xf32, #tpu.memory_space<vmem_shared>> -> memref<1024xf32, #tpu.memory_space<vmem_shared>>
    tpu.wait_indirect_dma semaphore(%arg23 : memref<!tpu.dma_semaphore, #tpu.memory_space<semaphore_mem>>) src(%arg13 : memref<128xf32, #tpu.memory_space<vmem>>) dst(%dma_wait3A_726 : memref<1024xf32, #tpu.memory_space<vmem_shared>>)
    %dma_wait3A_727 = arith.constant 1 : i32
    %dma_wait3A_728 = arith.constant 128 : i32
    %dma_wait3A_729 = arith.constant 0 : i32
    %dma_wait3A_730 = tpu.memref_slice %arg6[%dma_wait3A_728, %dma_wait3A_729] : memref<1024x32xf32, #tpu.memory_space<vmem>> -> memref<128x32xf32, #tpu.memory_space<vmem>>
    %dma_wait3A_731 = arith.constant 0 : i32
    %dma_wait3A_732 = tpu.memref_slice %arg8[%dma_wait3A_727, %dma_wait3A_731] : memref<8x128xi32, #tpu.memory_space<vmem>> -> memref<1x128xi32, #tpu.memory_space<vmem>>
    %dma_wait3A_733 = tpu.memref_squeeze %dma_wait3A_732 : memref<1x128xi32, #tpu.memory_space<vmem>> -> memref<128xi32, #tpu.memory_space<vmem>>
    %dma_wait3A_734 = arith.constant 0 : i32
    %dma_wait3A_735 = arith.constant 0 : i32
    %dma_wait3A_736 = tpu.memref_slice %arg17[%dma_wait3A_734, %dma_wait3A_735] : memref<1024x32xf32, #tpu.memory_space<vmem_shared>> -> memref<1024x32xf32, #tpu.memory_space<vmem_shared>>
    tpu.wait_indirect_dma semaphore(%arg23 : memref<!tpu.dma_semaphore, #tpu.memory_space<semaphore_mem>>) src(%dma_wait3A_730 : memref<128x32xf32, #tpu.memory_space<vmem>>) dst(%dma_wait3A_736 : memref<1024x32xf32, #tpu.memory_space<vmem_shared>>)
    %dma_wait3A_737 = arith.constant 1 : i32
    %dma_wait3A_738 = arith.constant 0 : i32
    %dma_wait3A_739 = tpu.memref_slice %arg8[%dma_wait3A_737, %dma_wait3A_738] : memref<8x128xi32, #tpu.memory_space<vmem>> -> memref<1x128xi32, #tpu.memory_space<vmem>>
    %dma_wait3A_740 = tpu.memref_squeeze %dma_wait3A_739 : memref<1x128xi32, #tpu.memory_space<vmem>> -> memref<128xi32, #tpu.memory_space<vmem>>
    %dma_wait3A_741 = arith.constant 0 : i32
    %dma_wait3A_742 = tpu.memref_slice %arg18[%dma_wait3A_741] : memref<1024xf32, #tpu.memory_space<vmem_shared>> -> memref<1024xf32, #tpu.memory_space<vmem_shared>>
    tpu.wait_indirect_dma semaphore(%arg23 : memref<!tpu.dma_semaphore, #tpu.memory_space<semaphore_mem>>) src(%arg13 : memref<128xf32, #tpu.memory_space<vmem>>) dst(%dma_wait3A_742 : memref<1024xf32, #tpu.memory_space<vmem_shared>>)
    %dma_wait3A_743 = arith.constant 2 : i32
    %dma_wait3A_744 = arith.constant 256 : i32
    %dma_wait3A_745 = arith.constant 0 : i32
    %dma_wait3A_746 = tpu.memref_slice %arg6[%dma_wait3A_744, %dma_wait3A_745] : memref<1024x32xf32, #tpu.memory_space<vmem>> -> memref<128x32xf32, #tpu.memory_space<vmem>>
    %dma_wait3A_747 = arith.constant 0 : i32
    %dma_wait3A_748 = tpu.memref_slice %arg8[%dma_wait3A_743, %dma_wait3A_747] : memref<8x128xi32, #tpu.memory_space<vmem>> -> memref<1x128xi32, #tpu.memory_space<vmem>>
    %dma_wait3A_749 = tpu.memref_squeeze %dma_wait3A_748 : memref<1x128xi32, #tpu.memory_space<vmem>> -> memref<128xi32, #tpu.memory_space<vmem>>
    %dma_wait3A_750 = arith.constant 0 : i32
    %dma_wait3A_751 = arith.constant 0 : i32
    %dma_wait3A_752 = tpu.memref_slice %arg17[%dma_wait3A_750, %dma_wait3A_751] : memref<1024x32xf32, #tpu.memory_space<vmem_shared>> -> memref<1024x32xf32, #tpu.memory_space<vmem_shared>>
    tpu.wait_indirect_dma semaphore(%arg23 : memref<!tpu.dma_semaphore, #tpu.memory_space<semaphore_mem>>) src(%dma_wait3A_746 : memref<128x32xf32, #tpu.memory_space<vmem>>) dst(%dma_wait3A_752 : memref<1024x32xf32, #tpu.memory_space<vmem_shared>>)
    %dma_wait3A_753 = arith.constant 2 : i32
    %dma_wait3A_754 = arith.constant 0 : i32
    %dma_wait3A_755 = tpu.memref_slice %arg8[%dma_wait3A_753, %dma_wait3A_754] : memref<8x128xi32, #tpu.memory_space<vmem>> -> memref<1x128xi32, #tpu.memory_space<vmem>>
    %dma_wait3A_756 = tpu.memref_squeeze %dma_wait3A_755 : memref<1x128xi32, #tpu.memory_space<vmem>> -> memref<128xi32, #tpu.memory_space<vmem>>
    %dma_wait3A_757 = arith.constant 0 : i32
    %dma_wait3A_758 = tpu.memref_slice %arg18[%dma_wait3A_757] : memref<1024xf32, #tpu.memory_space<vmem_shared>> -> memref<1024xf32, #tpu.memory_space<vmem_shared>>
    tpu.wait_indirect_dma semaphore(%arg23 : memref<!tpu.dma_semaphore, #tpu.memory_space<semaphore_mem>>) src(%arg13 : memref<128xf32, #tpu.memory_space<vmem>>) dst(%dma_wait3A_758 : memref<1024xf32, #tpu.memory_space<vmem_shared>>)
    %dma_wait3A_759 = arith.constant 3 : i32
    %dma_wait3A_760 = arith.constant 384 : i32
    %dma_wait3A_761 = arith.constant 0 : i32
    %dma_wait3A_762 = tpu.memref_slice %arg6[%dma_wait3A_760, %dma_wait3A_761] : memref<1024x32xf32, #tpu.memory_space<vmem>> -> memref<128x32xf32, #tpu.memory_space<vmem>>
    %dma_wait3A_763 = arith.constant 0 : i32
    %dma_wait3A_764 = tpu.memref_slice %arg8[%dma_wait3A_759, %dma_wait3A_763] : memref<8x128xi32, #tpu.memory_space<vmem>> -> memref<1x128xi32, #tpu.memory_space<vmem>>
    %dma_wait3A_765 = tpu.memref_squeeze %dma_wait3A_764 : memref<1x128xi32, #tpu.memory_space<vmem>> -> memref<128xi32, #tpu.memory_space<vmem>>
    %dma_wait3A_766 = arith.constant 0 : i32
    %dma_wait3A_767 = arith.constant 0 : i32
    %dma_wait3A_768 = tpu.memref_slice %arg17[%dma_wait3A_766, %dma_wait3A_767] : memref<1024x32xf32, #tpu.memory_space<vmem_shared>> -> memref<1024x32xf32, #tpu.memory_space<vmem_shared>>
    tpu.wait_indirect_dma semaphore(%arg23 : memref<!tpu.dma_semaphore, #tpu.memory_space<semaphore_mem>>) src(%dma_wait3A_762 : memref<128x32xf32, #tpu.memory_space<vmem>>) dst(%dma_wait3A_768 : memref<1024x32xf32, #tpu.memory_space<vmem_shared>>)
    %dma_wait3A_769 = arith.constant 3 : i32
    %dma_wait3A_770 = arith.constant 0 : i32
    %dma_wait3A_771 = tpu.memref_slice %arg8[%dma_wait3A_769, %dma_wait3A_770] : memref<8x128xi32, #tpu.memory_space<vmem>> -> memref<1x128xi32, #tpu.memory_space<vmem>>
    %dma_wait3A_772 = tpu.memref_squeeze %dma_wait3A_771 : memref<1x128xi32, #tpu.memory_space<vmem>> -> memref<128xi32, #tpu.memory_space<vmem>>
    %dma_wait3A_773 = arith.constant 0 : i32
    %dma_wait3A_774 = tpu.memref_slice %arg18[%dma_wait3A_773] : memref<1024xf32, #tpu.memory_space<vmem_shared>> -> memref<1024xf32, #tpu.memory_space<vmem_shared>>
    tpu.wait_indirect_dma semaphore(%arg23 : memref<!tpu.dma_semaphore, #tpu.memory_space<semaphore_mem>>) src(%arg13 : memref<128xf32, #tpu.memory_space<vmem>>) dst(%dma_wait3A_774 : memref<1024xf32, #tpu.memory_space<vmem_shared>>)
    %dma_wait3A_775 = arith.constant 4 : i32
    %dma_wait3A_776 = arith.constant 512 : i32
    %dma_wait3A_777 = arith.constant 0 : i32
    %dma_wait3A_778 = tpu.memref_slice %arg6[%dma_wait3A_776, %dma_wait3A_777] : memref<1024x32xf32, #tpu.memory_space<vmem>> -> memref<128x32xf32, #tpu.memory_space<vmem>>
    %dma_wait3A_779 = arith.constant 0 : i32
    %dma_wait3A_780 = tpu.memref_slice %arg8[%dma_wait3A_775, %dma_wait3A_779] : memref<8x128xi32, #tpu.memory_space<vmem>> -> memref<1x128xi32, #tpu.memory_space<vmem>>
    %dma_wait3A_781 = tpu.memref_squeeze %dma_wait3A_780 : memref<1x128xi32, #tpu.memory_space<vmem>> -> memref<128xi32, #tpu.memory_space<vmem>>
    %dma_wait3A_782 = arith.constant 0 : i32
    %dma_wait3A_783 = arith.constant 0 : i32
    %dma_wait3A_784 = tpu.memref_slice %arg17[%dma_wait3A_782, %dma_wait3A_783] : memref<1024x32xf32, #tpu.memory_space<vmem_shared>> -> memref<1024x32xf32, #tpu.memory_space<vmem_shared>>
    tpu.wait_indirect_dma semaphore(%arg23 : memref<!tpu.dma_semaphore, #tpu.memory_space<semaphore_mem>>) src(%dma_wait3A_778 : memref<128x32xf32, #tpu.memory_space<vmem>>) dst(%dma_wait3A_784 : memref<1024x32xf32, #tpu.memory_space<vmem_shared>>)
    %dma_wait3A_785 = arith.constant 4 : i32
    %dma_wait3A_786 = arith.constant 0 : i32
    %dma_wait3A_787 = tpu.memref_slice %arg8[%dma_wait3A_785, %dma_wait3A_786] : memref<8x128xi32, #tpu.memory_space<vmem>> -> memref<1x128xi32, #tpu.memory_space<vmem>>
    %dma_wait3A_788 = tpu.memref_squeeze %dma_wait3A_787 : memref<1x128xi32, #tpu.memory_space<vmem>> -> memref<128xi32, #tpu.memory_space<vmem>>
    %dma_wait3A_789 = arith.constant 0 : i32
    %dma_wait3A_790 = tpu.memref_slice %arg18[%dma_wait3A_789] : memref<1024xf32, #tpu.memory_space<vmem_shared>> -> memref<1024xf32, #tpu.memory_space<vmem_shared>>
    tpu.wait_indirect_dma semaphore(%arg23 : memref<!tpu.dma_semaphore, #tpu.memory_space<semaphore_mem>>) src(%arg13 : memref<128xf32, #tpu.memory_space<vmem>>) dst(%dma_wait3A_790 : memref<1024xf32, #tpu.memory_space<vmem_shared>>)
    %dma_wait3A_791 = arith.constant 5 : i32
    %dma_wait3A_792 = arith.constant 640 : i32
    %dma_wait3A_793 = arith.constant 0 : i32
    %dma_wait3A_794 = tpu.memref_slice %arg6[%dma_wait3A_792, %dma_wait3A_793] : memref<1024x32xf32, #tpu.memory_space<vmem>> -> memref<128x32xf32, #tpu.memory_space<vmem>>
    %dma_wait3A_795 = arith.constant 0 : i32
    %dma_wait3A_796 = tpu.memref_slice %arg8[%dma_wait3A_791, %dma_wait3A_795] : memref<8x128xi32, #tpu.memory_space<vmem>> -> memref<1x128xi32, #tpu.memory_space<vmem>>
    %dma_wait3A_797 = tpu.memref_squeeze %dma_wait3A_796 : memref<1x128xi32, #tpu.memory_space<vmem>> -> memref<128xi32, #tpu.memory_space<vmem>>
    %dma_wait3A_798 = arith.constant 0 : i32
    %dma_wait3A_799 = arith.constant 0 : i32
    %dma_wait3A_800 = tpu.memref_slice %arg17[%dma_wait3A_798, %dma_wait3A_799] : memref<1024x32xf32, #tpu.memory_space<vmem_shared>> -> memref<1024x32xf32, #tpu.memory_space<vmem_shared>>
    tpu.wait_indirect_dma semaphore(%arg23 : memref<!tpu.dma_semaphore, #tpu.memory_space<semaphore_mem>>) src(%dma_wait3A_794 : memref<128x32xf32, #tpu.memory_space<vmem>>) dst(%dma_wait3A_800 : memref<1024x32xf32, #tpu.memory_space<vmem_shared>>)
    %dma_wait3A_801 = arith.constant 5 : i32
    %dma_wait3A_802 = arith.constant 0 : i32
    %dma_wait3A_803 = tpu.memref_slice %arg8[%dma_wait3A_801, %dma_wait3A_802] : memref<8x128xi32, #tpu.memory_space<vmem>> -> memref<1x128xi32, #tpu.memory_space<vmem>>
    %dma_wait3A_804 = tpu.memref_squeeze %dma_wait3A_803 : memref<1x128xi32, #tpu.memory_space<vmem>> -> memref<128xi32, #tpu.memory_space<vmem>>
    %dma_wait3A_805 = arith.constant 0 : i32
    %dma_wait3A_806 = tpu.memref_slice %arg18[%dma_wait3A_805] : memref<1024xf32, #tpu.memory_space<vmem_shared>> -> memref<1024xf32, #tpu.memory_space<vmem_shared>>
    tpu.wait_indirect_dma semaphore(%arg23 : memref<!tpu.dma_semaphore, #tpu.memory_space<semaphore_mem>>) src(%arg13 : memref<128xf32, #tpu.memory_space<vmem>>) dst(%dma_wait3A_806 : memref<1024xf32, #tpu.memory_space<vmem_shared>>)
    %dma_wait3A_807 = arith.constant 6 : i32
    %dma_wait3A_808 = arith.constant 768 : i32
    %dma_wait3A_809 = arith.constant 0 : i32
    %dma_wait3A_810 = tpu.memref_slice %arg6[%dma_wait3A_808, %dma_wait3A_809] : memref<1024x32xf32, #tpu.memory_space<vmem>> -> memref<128x32xf32, #tpu.memory_space<vmem>>
    %dma_wait3A_811 = arith.constant 0 : i32
    %dma_wait3A_812 = tpu.memref_slice %arg8[%dma_wait3A_807, %dma_wait3A_811] : memref<8x128xi32, #tpu.memory_space<vmem>> -> memref<1x128xi32, #tpu.memory_space<vmem>>
    %dma_wait3A_813 = tpu.memref_squeeze %dma_wait3A_812 : memref<1x128xi32, #tpu.memory_space<vmem>> -> memref<128xi32, #tpu.memory_space<vmem>>
    %dma_wait3A_814 = arith.constant 0 : i32
    %dma_wait3A_815 = arith.constant 0 : i32
    %dma_wait3A_816 = tpu.memref_slice %arg17[%dma_wait3A_814, %dma_wait3A_815] : memref<1024x32xf32, #tpu.memory_space<vmem_shared>> -> memref<1024x32xf32, #tpu.memory_space<vmem_shared>>
    tpu.wait_indirect_dma semaphore(%arg23 : memref<!tpu.dma_semaphore, #tpu.memory_space<semaphore_mem>>) src(%dma_wait3A_810 : memref<128x32xf32, #tpu.memory_space<vmem>>) dst(%dma_wait3A_816 : memref<1024x32xf32, #tpu.memory_space<vmem_shared>>)
    %dma_wait3A_817 = arith.constant 6 : i32
    %dma_wait3A_818 = arith.constant 0 : i32
    %dma_wait3A_819 = tpu.memref_slice %arg8[%dma_wait3A_817, %dma_wait3A_818] : memref<8x128xi32, #tpu.memory_space<vmem>> -> memref<1x128xi32, #tpu.memory_space<vmem>>
    %dma_wait3A_820 = tpu.memref_squeeze %dma_wait3A_819 : memref<1x128xi32, #tpu.memory_space<vmem>> -> memref<128xi32, #tpu.memory_space<vmem>>
    %dma_wait3A_821 = arith.constant 0 : i32
    %dma_wait3A_822 = tpu.memref_slice %arg18[%dma_wait3A_821] : memref<1024xf32, #tpu.memory_space<vmem_shared>> -> memref<1024xf32, #tpu.memory_space<vmem_shared>>
    tpu.wait_indirect_dma semaphore(%arg23 : memref<!tpu.dma_semaphore, #tpu.memory_space<semaphore_mem>>) src(%arg13 : memref<128xf32, #tpu.memory_space<vmem>>) dst(%dma_wait3A_822 : memref<1024xf32, #tpu.memory_space<vmem_shared>>)
    %dma_wait3A_823 = arith.constant 7 : i32
    %dma_wait3A_824 = arith.constant 896 : i32
    %dma_wait3A_825 = arith.constant 0 : i32
    %dma_wait3A_826 = tpu.memref_slice %arg6[%dma_wait3A_824, %dma_wait3A_825] : memref<1024x32xf32, #tpu.memory_space<vmem>> -> memref<128x32xf32, #tpu.memory_space<vmem>>
    %dma_wait3A_827 = arith.constant 0 : i32
    %dma_wait3A_828 = tpu.memref_slice %arg8[%dma_wait3A_823, %dma_wait3A_827] : memref<8x128xi32, #tpu.memory_space<vmem>> -> memref<1x128xi32, #tpu.memory_space<vmem>>
    %dma_wait3A_829 = tpu.memref_squeeze %dma_wait3A_828 : memref<1x128xi32, #tpu.memory_space<vmem>> -> memref<128xi32, #tpu.memory_space<vmem>>
    %dma_wait3A_830 = arith.constant 0 : i32
    %dma_wait3A_831 = arith.constant 0 : i32
    %dma_wait3A_832 = tpu.memref_slice %arg17[%dma_wait3A_830, %dma_wait3A_831] : memref<1024x32xf32, #tpu.memory_space<vmem_shared>> -> memref<1024x32xf32, #tpu.memory_space<vmem_shared>>
    tpu.wait_indirect_dma semaphore(%arg23 : memref<!tpu.dma_semaphore, #tpu.memory_space<semaphore_mem>>) src(%dma_wait3A_826 : memref<128x32xf32, #tpu.memory_space<vmem>>) dst(%dma_wait3A_832 : memref<1024x32xf32, #tpu.memory_space<vmem_shared>>)
    %dma_wait3A_833 = arith.constant 7 : i32
    %dma_wait3A_834 = arith.constant 0 : i32
    %dma_wait3A_835 = tpu.memref_slice %arg8[%dma_wait3A_833, %dma_wait3A_834] : memref<8x128xi32, #tpu.memory_space<vmem>> -> memref<1x128xi32, #tpu.memory_space<vmem>>
    %dma_wait3A_836 = tpu.memref_squeeze %dma_wait3A_835 : memref<1x128xi32, #tpu.memory_space<vmem>> -> memref<128xi32, #tpu.memory_space<vmem>>
    %dma_wait3A_837 = arith.constant 0 : i32
    %dma_wait3A_838 = tpu.memref_slice %arg18[%dma_wait3A_837] : memref<1024xf32, #tpu.memory_space<vmem_shared>> -> memref<1024xf32, #tpu.memory_space<vmem_shared>>
    tpu.wait_indirect_dma semaphore(%arg23 : memref<!tpu.dma_semaphore, #tpu.memory_space<semaphore_mem>>) src(%arg13 : memref<128xf32, #tpu.memory_space<vmem>>) dst(%dma_wait3A_838 : memref<1024xf32, #tpu.memory_space<vmem_shared>>)
    %barrier3A_839 = arith.constant 0 : index
    tpu.barrier barrier_id(%barrier3A_839)
    %mul3A_840 = arith.constant 64 : i32
    %mul3A_841 = arith.muli %arg1, %mul3A_840 : i32
    "tpu.region"() ({
      %run_scoped3A = tpu.sem_alloc : memref<!tpu.dma_semaphore, #tpu.memory_space<semaphore_mem>>
      %dma_start3A_1508 = arith.constant 0 : i32
      %dma_start3A_1509 = tpu.memref_slice %arg17[%mul3A_841, %dma_start3A_1508] : memref<1024x32xf32, #tpu.memory_space<vmem_shared>> -> memref<64x32xf32, #tpu.memory_space<vmem_shared>>
      %dma_start3A_1510 = arith.constant 0 : i32
      %dma_start3A_1511 = tpu.memref_slice %arg17[%mul3A_841, %dma_start3A_1510] : memref<1024x32xf32, #tpu.memory_space<vmem_shared>> -> memref<64x32xf32, #tpu.memory_space<vmem_shared>>
      tpu.enqueue_dma source(%dma_start3A_1511 : memref<64x32xf32, #tpu.memory_space<vmem_shared>>) target(%arg9 : memref<64x32xf32, #tpu.memory_space<vmem>>) target_semaphore(%run_scoped3A : memref<!tpu.dma_semaphore, #tpu.memory_space<semaphore_mem>>)
      %dma_wait3A_1512 = arith.constant 0 : i32
      %dma_wait3A_1513 = tpu.memref_slice %arg17[%mul3A_841, %dma_wait3A_1512] : memref<1024x32xf32, #tpu.memory_space<vmem_shared>> -> memref<64x32xf32, #tpu.memory_space<vmem_shared>>
      %dma_wait3A_1514 = arith.constant 0 : i32
      %dma_wait3A_1515 = tpu.memref_slice %arg17[%mul3A_841, %dma_wait3A_1514] : memref<1024x32xf32, #tpu.memory_space<vmem_shared>> -> memref<64x32xf32, #tpu.memory_space<vmem_shared>>
      tpu.wait_dma2 semaphore(%run_scoped3A : memref<!tpu.dma_semaphore, #tpu.memory_space<semaphore_mem>>) src(%dma_wait3A_1515 : memref<64x32xf32, #tpu.memory_space<vmem_shared>>) dst(%arg9 : memref<64x32xf32, #tpu.memory_space<vmem>>)
      tpu.yield
    }) : () -> ()
    %add3A = arith.constant 0 : i32
    %add3A_842 = vector.broadcast %add3A : i32 to vector<16xi32>
    %add3A_843 = arith.addi %add3A_842, %iota3A : vector<16xi32>
    %broadcast_in_dim3A_844 = arith.constant 0 : i32
    %broadcast_in_dim3A_845 = vector.broadcast %broadcast_in_dim3A_844 : i32 to vector<16xi32>
    %broadcast_in_dim3A_846 = arith.constant 1 : i32
    %broadcast_in_dim3A_847 = vector.broadcast %broadcast_in_dim3A_846 : i32 to vector<16xi32>
    %gather3A = tpu.vector_load_idx %arg9[%add3A_843, %broadcast_in_dim3A_845] : memref<64x32xf32, #tpu.memory_space<vmem>>[vector<16xi32>, vector<16xi32>], vector<16xf32>,
    %gather3A_848 = tpu.vector_load_idx %arg9[%add3A_843, %broadcast_in_dim3A_847] : memref<64x32xf32, #tpu.memory_space<vmem>>[vector<16xi32>, vector<16xi32>], vector<16xf32>,
    %pack3A = tpu.pack_subelements %gather3A, %gather3A_848 {pack_format = #tpu.pack_format<interleaved>, positions = array<i32: 0, 1>} : vector<16xf32>, vector<16xf32> -> vector<32xbf16>
    %bitcast3A = vector.bitcast %pack3A : vector<32xbf16> to vector<16xi32>
    %broadcast_in_dim3A_849 = arith.constant 0 : i32
    %broadcast_in_dim3A_850 = vector.broadcast %broadcast_in_dim3A_849 : i32 to vector<16xi32>
    tpu.vector_store_idx %arg10[%add3A_843, %broadcast_in_dim3A_850], %bitcast3A : memref<64x16xi32, #tpu.memory_space<vmem>>[vector<16xi32>, vector<16xi32>], vector<16xi32>,
    %broadcast_in_dim3A_851 = arith.constant 2 : i32
    %broadcast_in_dim3A_852 = vector.broadcast %broadcast_in_dim3A_851 : i32 to vector<16xi32>
    %broadcast_in_dim3A_853 = arith.constant 3 : i32
    %broadcast_in_dim3A_854 = vector.broadcast %broadcast_in_dim3A_853 : i32 to vector<16xi32>
    %gather3A_855 = tpu.vector_load_idx %arg9[%add3A_843, %broadcast_in_dim3A_852] : memref<64x32xf32, #tpu.memory_space<vmem>>[vector<16xi32>, vector<16xi32>], vector<16xf32>,
    %gather3A_856 = tpu.vector_load_idx %arg9[%add3A_843, %broadcast_in_dim3A_854] : memref<64x32xf32, #tpu.memory_space<vmem>>[vector<16xi32>, vector<16xi32>], vector<16xf32>,
    %pack3A_857 = tpu.pack_subelements %gather3A_855, %gather3A_856 {pack_format = #tpu.pack_format<interleaved>, positions = array<i32: 0, 1>} : vector<16xf32>, vector<16xf32> -> vector<32xbf16>
    %bitcast3A_858 = vector.bitcast %pack3A_857 : vector<32xbf16> to vector<16xi32>
    %broadcast_in_dim3A_859 = arith.constant 1 : i32
    %broadcast_in_dim3A_860 = vector.broadcast %broadcast_in_dim3A_859 : i32 to vector<16xi32>
    tpu.vector_store_idx %arg10[%add3A_843, %broadcast_in_dim3A_860], %bitcast3A_858 : memref<64x16xi32, #tpu.memory_space<vmem>>[vector<16xi32>, vector<16xi32>], vector<16xi32>,
    %broadcast_in_dim3A_861 = arith.constant 4 : i32
    %broadcast_in_dim3A_862 = vector.broadcast %broadcast_in_dim3A_861 : i32 to vector<16xi32>
    %broadcast_in_dim3A_863 = arith.constant 5 : i32
    %broadcast_in_dim3A_864 = vector.broadcast %broadcast_in_dim3A_863 : i32 to vector<16xi32>
    %gather3A_865 = tpu.vector_load_idx %arg9[%add3A_843, %broadcast_in_dim3A_862] : memref<64x32xf32, #tpu.memory_space<vmem>>[vector<16xi32>, vector<16xi32>], vector<16xf32>,
    %gather3A_866 = tpu.vector_load_idx %arg9[%add3A_843, %broadcast_in_dim3A_864] : memref<64x32xf32, #tpu.memory_space<vmem>>[vector<16xi32>, vector<16xi32>], vector<16xf32>,
    %pack3A_867 = tpu.pack_subelements %gather3A_865, %gather3A_866 {pack_format = #tpu.pack_format<interleaved>, positions = array<i32: 0, 1>} : vector<16xf32>, vector<16xf32> -> vector<32xbf16>
    %bitcast3A_868 = vector.bitcast %pack3A_867 : vector<32xbf16> to vector<16xi32>
    %broadcast_in_dim3A_869 = arith.constant 2 : i32
    %broadcast_in_dim3A_870 = vector.broadcast %broadcast_in_dim3A_869 : i32 to vector<16xi32>
    tpu.vector_store_idx %arg10[%add3A_843, %broadcast_in_dim3A_870], %bitcast3A_868 : memref<64x16xi32, #tpu.memory_space<vmem>>[vector<16xi32>, vector<16xi32>], vector<16xi32>,
    %broadcast_in_dim3A_871 = arith.constant 6 : i32
    %broadcast_in_dim3A_872 = vector.broadcast %broadcast_in_dim3A_871 : i32 to vector<16xi32>
    %broadcast_in_dim3A_873 = arith.constant 7 : i32
    %broadcast_in_dim3A_874 = vector.broadcast %broadcast_in_dim3A_873 : i32 to vector<16xi32>
    %gather3A_875 = tpu.vector_load_idx %arg9[%add3A_843, %broadcast_in_dim3A_872] : memref<64x32xf32, #tpu.memory_space<vmem>>[vector<16xi32>, vector<16xi32>], vector<16xf32>,
    %gather3A_876 = tpu.vector_load_idx %arg9[%add3A_843, %broadcast_in_dim3A_874] : memref<64x32xf32, #tpu.memory_space<vmem>>[vector<16xi32>, vector<16xi32>], vector<16xf32>,
    %pack3A_877 = tpu.pack_subelements %gather3A_875, %gather3A_876 {pack_format = #tpu.pack_format<interleaved>, positions = array<i32: 0, 1>} : vector<16xf32>, vector<16xf32> -> vector<32xbf16>
    %bitcast3A_878 = vector.bitcast %pack3A_877 : vector<32xbf16> to vector<16xi32>
    %broadcast_in_dim3A_879 = arith.constant 3 : i32
    %broadcast_in_dim3A_880 = vector.broadcast %broadcast_in_dim3A_879 : i32 to vector<16xi32>
    tpu.vector_store_idx %arg10[%add3A_843, %broadcast_in_dim3A_880], %bitcast3A_878 : memref<64x16xi32, #tpu.memory_space<vmem>>[vector<16xi32>, vector<16xi32>], vector<16xi32>,
    %broadcast_in_dim3A_881 = arith.constant 8 : i32
    %broadcast_in_dim3A_882 = vector.broadcast %broadcast_in_dim3A_881 : i32 to vector<16xi32>
    %broadcast_in_dim3A_883 = arith.constant 9 : i32
    %broadcast_in_dim3A_884 = vector.broadcast %broadcast_in_dim3A_883 : i32 to vector<16xi32>
    %gather3A_885 = tpu.vector_load_idx %arg9[%add3A_843, %broadcast_in_dim3A_882] : memref<64x32xf32, #tpu.memory_space<vmem>>[vector<16xi32>, vector<16xi32>], vector<16xf32>,
    %gather3A_886 = tpu.vector_load_idx %arg9[%add3A_843, %broadcast_in_dim3A_884] : memref<64x32xf32, #tpu.memory_space<vmem>>[vector<16xi32>, vector<16xi32>], vector<16xf32>,
    %pack3A_887 = tpu.pack_subelements %gather3A_885, %gather3A_886 {pack_format = #tpu.pack_format<interleaved>, positions = array<i32: 0, 1>} : vector<16xf32>, vector<16xf32> -> vector<32xbf16>
    %bitcast3A_888 = vector.bitcast %pack3A_887 : vector<32xbf16> to vector<16xi32>
    %broadcast_in_dim3A_889 = arith.constant 4 : i32
    %broadcast_in_dim3A_890 = vector.broadcast %broadcast_in_dim3A_889 : i32 to vector<16xi32>
    tpu.vector_store_idx %arg10[%add3A_843, %broadcast_in_dim3A_890], %bitcast3A_888 : memref<64x16xi32, #tpu.memory_space<vmem>>[vector<16xi32>, vector<16xi32>], vector<16xi32>,
    %broadcast_in_dim3A_891 = arith.constant 10 : i32
    %broadcast_in_dim3A_892 = vector.broadcast %broadcast_in_dim3A_891 : i32 to vector<16xi32>
    %broadcast_in_dim3A_893 = arith.constant 11 : i32
    %broadcast_in_dim3A_894 = vector.broadcast %broadcast_in_dim3A_893 : i32 to vector<16xi32>
    %gather3A_895 = tpu.vector_load_idx %arg9[%add3A_843, %broadcast_in_dim3A_892] : memref<64x32xf32, #tpu.memory_space<vmem>>[vector<16xi32>, vector<16xi32>], vector<16xf32>,
    %gather3A_896 = tpu.vector_load_idx %arg9[%add3A_843, %broadcast_in_dim3A_894] : memref<64x32xf32, #tpu.memory_space<vmem>>[vector<16xi32>, vector<16xi32>], vector<16xf32>,
    %pack3A_897 = tpu.pack_subelements %gather3A_895, %gather3A_896 {pack_format = #tpu.pack_format<interleaved>, positions = array<i32: 0, 1>} : vector<16xf32>, vector<16xf32> -> vector<32xbf16>
    %bitcast3A_898 = vector.bitcast %pack3A_897 : vector<32xbf16> to vector<16xi32>
    %broadcast_in_dim3A_899 = arith.constant 5 : i32
    %broadcast_in_dim3A_900 = vector.broadcast %broadcast_in_dim3A_899 : i32 to vector<16xi32>
    tpu.vector_store_idx %arg10[%add3A_843, %broadcast_in_dim3A_900], %bitcast3A_898 : memref<64x16xi32, #tpu.memory_space<vmem>>[vector<16xi32>, vector<16xi32>], vector<16xi32>,
    %broadcast_in_dim3A_901 = arith.constant 12 : i32
    %broadcast_in_dim3A_902 = vector.broadcast %broadcast_in_dim3A_901 : i32 to vector<16xi32>
    %broadcast_in_dim3A_903 = arith.constant 13 : i32
    %broadcast_in_dim3A_904 = vector.broadcast %broadcast_in_dim3A_903 : i32 to vector<16xi32>
    %gather3A_905 = tpu.vector_load_idx %arg9[%add3A_843, %broadcast_in_dim3A_902] : memref<64x32xf32, #tpu.memory_space<vmem>>[vector<16xi32>, vector<16xi32>], vector<16xf32>,
    %gather3A_906 = tpu.vector_load_idx %arg9[%add3A_843, %broadcast_in_dim3A_904] : memref<64x32xf32, #tpu.memory_space<vmem>>[vector<16xi32>, vector<16xi32>], vector<16xf32>,
    %pack3A_907 = tpu.pack_subelements %gather3A_905, %gather3A_906 {pack_format = #tpu.pack_format<interleaved>, positions = array<i32: 0, 1>} : vector<16xf32>, vector<16xf32> -> vector<32xbf16>
    %bitcast3A_908 = vector.bitcast %pack3A_907 : vector<32xbf16> to vector<16xi32>
    %broadcast_in_dim3A_909 = arith.constant 6 : i32
    %broadcast_in_dim3A_910 = vector.broadcast %broadcast_in_dim3A_909 : i32 to vector<16xi32>
    tpu.vector_store_idx %arg10[%add3A_843, %broadcast_in_dim3A_910], %bitcast3A_908 : memref<64x16xi32, #tpu.memory_space<vmem>>[vector<16xi32>, vector<16xi32>], vector<16xi32>,
    %broadcast_in_dim3A_911 = arith.constant 14 : i32
    %broadcast_in_dim3A_912 = vector.broadcast %broadcast_in_dim3A_911 : i32 to vector<16xi32>
    %broadcast_in_dim3A_913 = arith.constant 15 : i32
    %broadcast_in_dim3A_914 = vector.broadcast %broadcast_in_dim3A_913 : i32 to vector<16xi32>
    %gather3A_915 = tpu.vector_load_idx %arg9[%add3A_843, %broadcast_in_dim3A_912] : memref<64x32xf32, #tpu.memory_space<vmem>>[vector<16xi32>, vector<16xi32>], vector<16xf32>,
    %gather3A_916 = tpu.vector_load_idx %arg9[%add3A_843, %broadcast_in_dim3A_914] : memref<64x32xf32, #tpu.memory_space<vmem>>[vector<16xi32>, vector<16xi32>], vector<16xf32>,
    %pack3A_917 = tpu.pack_subelements %gather3A_915, %gather3A_916 {pack_format = #tpu.pack_format<interleaved>, positions = array<i32: 0, 1>} : vector<16xf32>, vector<16xf32> -> vector<32xbf16>
    %bitcast3A_918 = vector.bitcast %pack3A_917 : vector<32xbf16> to vector<16xi32>
    %broadcast_in_dim3A_919 = arith.constant 7 : i32
    %broadcast_in_dim3A_920 = vector.broadcast %broadcast_in_dim3A_919 : i32 to vector<16xi32>
    tpu.vector_store_idx %arg10[%add3A_843, %broadcast_in_dim3A_920], %bitcast3A_918 : memref<64x16xi32, #tpu.memory_space<vmem>>[vector<16xi32>, vector<16xi32>], vector<16xi32>,
    %broadcast_in_dim3A_921 = arith.constant 16 : i32
    %broadcast_in_dim3A_922 = vector.broadcast %broadcast_in_dim3A_921 : i32 to vector<16xi32>
    %broadcast_in_dim3A_923 = arith.constant 17 : i32
    %broadcast_in_dim3A_924 = vector.broadcast %broadcast_in_dim3A_923 : i32 to vector<16xi32>
    %gather3A_925 = tpu.vector_load_idx %arg9[%add3A_843, %broadcast_in_dim3A_922] : memref<64x32xf32, #tpu.memory_space<vmem>>[vector<16xi32>, vector<16xi32>], vector<16xf32>,
    %gather3A_926 = tpu.vector_load_idx %arg9[%add3A_843, %broadcast_in_dim3A_924] : memref<64x32xf32, #tpu.memory_space<vmem>>[vector<16xi32>, vector<16xi32>], vector<16xf32>,
    %pack3A_927 = tpu.pack_subelements %gather3A_925, %gather3A_926 {pack_format = #tpu.pack_format<interleaved>, positions = array<i32: 0, 1>} : vector<16xf32>, vector<16xf32> -> vector<32xbf16>
    %bitcast3A_928 = vector.bitcast %pack3A_927 : vector<32xbf16> to vector<16xi32>
    %broadcast_in_dim3A_929 = arith.constant 8 : i32
    %broadcast_in_dim3A_930 = vector.broadcast %broadcast_in_dim3A_929 : i32 to vector<16xi32>
    tpu.vector_store_idx %arg10[%add3A_843, %broadcast_in_dim3A_930], %bitcast3A_928 : memref<64x16xi32, #tpu.memory_space<vmem>>[vector<16xi32>, vector<16xi32>], vector<16xi32>,
    %broadcast_in_dim3A_931 = arith.constant 18 : i32
    %broadcast_in_dim3A_932 = vector.broadcast %broadcast_in_dim3A_931 : i32 to vector<16xi32>
    %broadcast_in_dim3A_933 = arith.constant 19 : i32
    %broadcast_in_dim3A_934 = vector.broadcast %broadcast_in_dim3A_933 : i32 to vector<16xi32>
    %gather3A_935 = tpu.vector_load_idx %arg9[%add3A_843, %broadcast_in_dim3A_932] : memref<64x32xf32, #tpu.memory_space<vmem>>[vector<16xi32>, vector<16xi32>], vector<16xf32>,
    %gather3A_936 = tpu.vector_load_idx %arg9[%add3A_843, %broadcast_in_dim3A_934] : memref<64x32xf32, #tpu.memory_space<vmem>>[vector<16xi32>, vector<16xi32>], vector<16xf32>,
    %pack3A_937 = tpu.pack_subelements %gather3A_935, %gather3A_936 {pack_format = #tpu.pack_format<interleaved>, positions = array<i32: 0, 1>} : vector<16xf32>, vector<16xf32> -> vector<32xbf16>
    %bitcast3A_938 = vector.bitcast %pack3A_937 : vector<32xbf16> to vector<16xi32>
    %broadcast_in_dim3A_939 = arith.constant 9 : i32
    %broadcast_in_dim3A_940 = vector.broadcast %broadcast_in_dim3A_939 : i32 to vector<16xi32>
    tpu.vector_store_idx %arg10[%add3A_843, %broadcast_in_dim3A_940], %bitcast3A_938 : memref<64x16xi32, #tpu.memory_space<vmem>>[vector<16xi32>, vector<16xi32>], vector<16xi32>,
    %broadcast_in_dim3A_941 = arith.constant 20 : i32
    %broadcast_in_dim3A_942 = vector.broadcast %broadcast_in_dim3A_941 : i32 to vector<16xi32>
    %broadcast_in_dim3A_943 = arith.constant 21 : i32
    %broadcast_in_dim3A_944 = vector.broadcast %broadcast_in_dim3A_943 : i32 to vector<16xi32>
    %gather3A_945 = tpu.vector_load_idx %arg9[%add3A_843, %broadcast_in_dim3A_942] : memref<64x32xf32, #tpu.memory_space<vmem>>[vector<16xi32>, vector<16xi32>], vector<16xf32>,
    %gather3A_946 = tpu.vector_load_idx %arg9[%add3A_843, %broadcast_in_dim3A_944] : memref<64x32xf32, #tpu.memory_space<vmem>>[vector<16xi32>, vector<16xi32>], vector<16xf32>,
    %pack3A_947 = tpu.pack_subelements %gather3A_945, %gather3A_946 {pack_format = #tpu.pack_format<interleaved>, positions = array<i32: 0, 1>} : vector<16xf32>, vector<16xf32> -> vector<32xbf16>
    %bitcast3A_948 = vector.bitcast %pack3A_947 : vector<32xbf16> to vector<16xi32>
    %broadcast_in_dim3A_949 = arith.constant 10 : i32
    %broadcast_in_dim3A_950 = vector.broadcast %broadcast_in_dim3A_949 : i32 to vector<16xi32>
    tpu.vector_store_idx %arg10[%add3A_843, %broadcast_in_dim3A_950], %bitcast3A_948 : memref<64x16xi32, #tpu.memory_space<vmem>>[vector<16xi32>, vector<16xi32>], vector<16xi32>,
    %broadcast_in_dim3A_951 = arith.constant 22 : i32
    %broadcast_in_dim3A_952 = vector.broadcast %broadcast_in_dim3A_951 : i32 to vector<16xi32>
    %broadcast_in_dim3A_953 = arith.constant 23 : i32
    %broadcast_in_dim3A_954 = vector.broadcast %broadcast_in_dim3A_953 : i32 to vector<16xi32>
    %gather3A_955 = tpu.vector_load_idx %arg9[%add3A_843, %broadcast_in_dim3A_952] : memref<64x32xf32, #tpu.memory_space<vmem>>[vector<16xi32>, vector<16xi32>], vector<16xf32>,
    %gather3A_956 = tpu.vector_load_idx %arg9[%add3A_843, %broadcast_in_dim3A_954] : memref<64x32xf32, #tpu.memory_space<vmem>>[vector<16xi32>, vector<16xi32>], vector<16xf32>,
    %pack3A_957 = tpu.pack_subelements %gather3A_955, %gather3A_956 {pack_format = #tpu.pack_format<interleaved>, positions = array<i32: 0, 1>} : vector<16xf32>, vector<16xf32> -> vector<32xbf16>
    %bitcast3A_958 = vector.bitcast %pack3A_957 : vector<32xbf16> to vector<16xi32>
    %broadcast_in_dim3A_959 = arith.constant 11 : i32
    %broadcast_in_dim3A_960 = vector.broadcast %broadcast_in_dim3A_959 : i32 to vector<16xi32>
    tpu.vector_store_idx %arg10[%add3A_843, %broadcast_in_dim3A_960], %bitcast3A_958 : memref<64x16xi32, #tpu.memory_space<vmem>>[vector<16xi32>, vector<16xi32>], vector<16xi32>,
    %broadcast_in_dim3A_961 = arith.constant 24 : i32
    %broadcast_in_dim3A_962 = vector.broadcast %broadcast_in_dim3A_961 : i32 to vector<16xi32>
    %broadcast_in_dim3A_963 = arith.constant 25 : i32
    %broadcast_in_dim3A_964 = vector.broadcast %broadcast_in_dim3A_963 : i32 to vector<16xi32>
    %gather3A_965 = tpu.vector_load_idx %arg9[%add3A_843, %broadcast_in_dim3A_962] : memref<64x32xf32, #tpu.memory_space<vmem>>[vector<16xi32>, vector<16xi32>], vector<16xf32>,
    %gather3A_966 = tpu.vector_load_idx %arg9[%add3A_843, %broadcast_in_dim3A_964] : memref<64x32xf32, #tpu.memory_space<vmem>>[vector<16xi32>, vector<16xi32>], vector<16xf32>,
    %pack3A_967 = tpu.pack_subelements %gather3A_965, %gather3A_966 {pack_format = #tpu.pack_format<interleaved>, positions = array<i32: 0, 1>} : vector<16xf32>, vector<16xf32> -> vector<32xbf16>
    %bitcast3A_968 = vector.bitcast %pack3A_967 : vector<32xbf16> to vector<16xi32>
    %broadcast_in_dim3A_969 = arith.constant 12 : i32
    %broadcast_in_dim3A_970 = vector.broadcast %broadcast_in_dim3A_969 : i32 to vector<16xi32>
    tpu.vector_store_idx %arg10[%add3A_843, %broadcast_in_dim3A_970], %bitcast3A_968 : memref<64x16xi32, #tpu.memory_space<vmem>>[vector<16xi32>, vector<16xi32>], vector<16xi32>,
    %broadcast_in_dim3A_971 = arith.constant 26 : i32
    %broadcast_in_dim3A_972 = vector.broadcast %broadcast_in_dim3A_971 : i32 to vector<16xi32>
    %broadcast_in_dim3A_973 = arith.constant 27 : i32
    %broadcast_in_dim3A_974 = vector.broadcast %broadcast_in_dim3A_973 : i32 to vector<16xi32>
    %gather3A_975 = tpu.vector_load_idx %arg9[%add3A_843, %broadcast_in_dim3A_972] : memref<64x32xf32, #tpu.memory_space<vmem>>[vector<16xi32>, vector<16xi32>], vector<16xf32>,
    %gather3A_976 = tpu.vector_load_idx %arg9[%add3A_843, %broadcast_in_dim3A_974] : memref<64x32xf32, #tpu.memory_space<vmem>>[vector<16xi32>, vector<16xi32>], vector<16xf32>,
    %pack3A_977 = tpu.pack_subelements %gather3A_975, %gather3A_976 {pack_format = #tpu.pack_format<interleaved>, positions = array<i32: 0, 1>} : vector<16xf32>, vector<16xf32> -> vector<32xbf16>
    %bitcast3A_978 = vector.bitcast %pack3A_977 : vector<32xbf16> to vector<16xi32>
    %broadcast_in_dim3A_979 = arith.constant 13 : i32
    %broadcast_in_dim3A_980 = vector.broadcast %broadcast_in_dim3A_979 : i32 to vector<16xi32>
    tpu.vector_store_idx %arg10[%add3A_843, %broadcast_in_dim3A_980], %bitcast3A_978 : memref<64x16xi32, #tpu.memory_space<vmem>>[vector<16xi32>, vector<16xi32>], vector<16xi32>,
    %broadcast_in_dim3A_981 = arith.constant 28 : i32
    %broadcast_in_dim3A_982 = vector.broadcast %broadcast_in_dim3A_981 : i32 to vector<16xi32>
    %broadcast_in_dim3A_983 = arith.constant 29 : i32
    %broadcast_in_dim3A_984 = vector.broadcast %broadcast_in_dim3A_983 : i32 to vector<16xi32>
    %gather3A_985 = tpu.vector_load_idx %arg9[%add3A_843, %broadcast_in_dim3A_982] : memref<64x32xf32, #tpu.memory_space<vmem>>[vector<16xi32>, vector<16xi32>], vector<16xf32>,
    %gather3A_986 = tpu.vector_load_idx %arg9[%add3A_843, %broadcast_in_dim3A_984] : memref<64x32xf32, #tpu.memory_space<vmem>>[vector<16xi32>, vector<16xi32>], vector<16xf32>,
    %pack3A_987 = tpu.pack_subelements %gather3A_985, %gather3A_986 {pack_format = #tpu.pack_format<interleaved>, positions = array<i32: 0, 1>} : vector<16xf32>, vector<16xf32> -> vector<32xbf16>
    %bitcast3A_988 = vector.bitcast %pack3A_987 : vector<32xbf16> to vector<16xi32>
    %broadcast_in_dim3A_989 = arith.constant 14 : i32
    %broadcast_in_dim3A_990 = vector.broadcast %broadcast_in_dim3A_989 : i32 to vector<16xi32>
    tpu.vector_store_idx %arg10[%add3A_843, %broadcast_in_dim3A_990], %bitcast3A_988 : memref<64x16xi32, #tpu.memory_space<vmem>>[vector<16xi32>, vector<16xi32>], vector<16xi32>,
    %broadcast_in_dim3A_991 = arith.constant 30 : i32
    %broadcast_in_dim3A_992 = vector.broadcast %broadcast_in_dim3A_991 : i32 to vector<16xi32>
    %broadcast_in_dim3A_993 = arith.constant 31 : i32
    %broadcast_in_dim3A_994 = vector.broadcast %broadcast_in_dim3A_993 : i32 to vector<16xi32>
    %gather3A_995 = tpu.vector_load_idx %arg9[%add3A_843, %broadcast_in_dim3A_992] : memref<64x32xf32, #tpu.memory_space<vmem>>[vector<16xi32>, vector<16xi32>], vector<16xf32>,
    %gather3A_996 = tpu.vector_load_idx %arg9[%add3A_843, %broadcast_in_dim3A_994] : memref<64x32xf32, #tpu.memory_space<vmem>>[vector<16xi32>, vector<16xi32>], vector<16xf32>,
    %pack3A_997 = tpu.pack_subelements %gather3A_995, %gather3A_996 {pack_format = #tpu.pack_format<interleaved>, positions = array<i32: 0, 1>} : vector<16xf32>, vector<16xf32> -> vector<32xbf16>
    %bitcast3A_998 = vector.bitcast %pack3A_997 : vector<32xbf16> to vector<16xi32>
    %broadcast_in_dim3A_999 = arith.constant 15 : i32
    %broadcast_in_dim3A_1000 = vector.broadcast %broadcast_in_dim3A_999 : i32 to vector<16xi32>
    tpu.vector_store_idx %arg10[%add3A_843, %broadcast_in_dim3A_1000], %bitcast3A_998 : memref<64x16xi32, #tpu.memory_space<vmem>>[vector<16xi32>, vector<16xi32>], vector<16xi32>,
    %add3A_1001 = arith.constant 16 : i32
    %add3A_1002 = vector.broadcast %add3A_1001 : i32 to vector<16xi32>
    %add3A_1003 = arith.addi %add3A_1002, %iota3A : vector<16xi32>
    %broadcast_in_dim3A_1004 = arith.constant 0 : i32
    %broadcast_in_dim3A_1005 = vector.broadcast %broadcast_in_dim3A_1004 : i32 to vector<16xi32>
    %broadcast_in_dim3A_1006 = arith.constant 1 : i32
    %broadcast_in_dim3A_1007 = vector.broadcast %broadcast_in_dim3A_1006 : i32 to vector<16xi32>
    %gather3A_1008 = tpu.vector_load_idx %arg9[%add3A_1003, %broadcast_in_dim3A_1005] : memref<64x32xf32, #tpu.memory_space<vmem>>[vector<16xi32>, vector<16xi32>], vector<16xf32>,
    %gather3A_1009 = tpu.vector_load_idx %arg9[%add3A_1003, %broadcast_in_dim3A_1007] : memref<64x32xf32, #tpu.memory_space<vmem>>[vector<16xi32>, vector<16xi32>], vector<16xf32>,
    %pack3A_1010 = tpu.pack_subelements %gather3A_1008, %gather3A_1009 {pack_format = #tpu.pack_format<interleaved>, positions = array<i32: 0, 1>} : vector<16xf32>, vector<16xf32> -> vector<32xbf16>
    %bitcast3A_1011 = vector.bitcast %pack3A_1010 : vector<32xbf16> to vector<16xi32>
    %broadcast_in_dim3A_1012 = arith.constant 0 : i32
    %broadcast_in_dim3A_1013 = vector.broadcast %broadcast_in_dim3A_1012 : i32 to vector<16xi32>
    tpu.vector_store_idx %arg10[%add3A_1003, %broadcast_in_dim3A_1013], %bitcast3A_1011 : memref<64x16xi32, #tpu.memory_space<vmem>>[vector<16xi32>, vector<16xi32>], vector<16xi32>,
    %broadcast_in_dim3A_1014 = arith.constant 2 : i32
    %broadcast_in_dim3A_1015 = vector.broadcast %broadcast_in_dim3A_1014 : i32 to vector<16xi32>
    %broadcast_in_dim3A_1016 = arith.constant 3 : i32
    %broadcast_in_dim3A_1017 = vector.broadcast %broadcast_in_dim3A_1016 : i32 to vector<16xi32>
    %gather3A_1018 = tpu.vector_load_idx %arg9[%add3A_1003, %broadcast_in_dim3A_1015] : memref<64x32xf32, #tpu.memory_space<vmem>>[vector<16xi32>, vector<16xi32>], vector<16xf32>,
    %gather3A_1019 = tpu.vector_load_idx %arg9[%add3A_1003, %broadcast_in_dim3A_1017] : memref<64x32xf32, #tpu.memory_space<vmem>>[vector<16xi32>, vector<16xi32>], vector<16xf32>,
    %pack3A_1020 = tpu.pack_subelements %gather3A_1018, %gather3A_1019 {pack_format = #tpu.pack_format<interleaved>, positions = array<i32: 0, 1>} : vector<16xf32>, vector<16xf32> -> vector<32xbf16>
    %bitcast3A_1021 = vector.bitcast %pack3A_1020 : vector<32xbf16> to vector<16xi32>
    %broadcast_in_dim3A_1022 = arith.constant 1 : i32
    %broadcast_in_dim3A_1023 = vector.broadcast %broadcast_in_dim3A_1022 : i32 to vector<16xi32>
    tpu.vector_store_idx %arg10[%add3A_1003, %broadcast_in_dim3A_1023], %bitcast3A_1021 : memref<64x16xi32, #tpu.memory_space<vmem>>[vector<16xi32>, vector<16xi32>], vector<16xi32>,
    %broadcast_in_dim3A_1024 = arith.constant 4 : i32
    %broadcast_in_dim3A_1025 = vector.broadcast %broadcast_in_dim3A_1024 : i32 to vector<16xi32>
    %broadcast_in_dim3A_1026 = arith.constant 5 : i32
    %broadcast_in_dim3A_1027 = vector.broadcast %broadcast_in_dim3A_1026 : i32 to vector<16xi32>
    %gather3A_1028 = tpu.vector_load_idx %arg9[%add3A_1003, %broadcast_in_dim3A_1025] : memref<64x32xf32, #tpu.memory_space<vmem>>[vector<16xi32>, vector<16xi32>], vector<16xf32>,
    %gather3A_1029 = tpu.vector_load_idx %arg9[%add3A_1003, %broadcast_in_dim3A_1027] : memref<64x32xf32, #tpu.memory_space<vmem>>[vector<16xi32>, vector<16xi32>], vector<16xf32>,
    %pack3A_1030 = tpu.pack_subelements %gather3A_1028, %gather3A_1029 {pack_format = #tpu.pack_format<interleaved>, positions = array<i32: 0, 1>} : vector<16xf32>, vector<16xf32> -> vector<32xbf16>
    %bitcast3A_1031 = vector.bitcast %pack3A_1030 : vector<32xbf16> to vector<16xi32>
    %broadcast_in_dim3A_1032 = arith.constant 2 : i32
    %broadcast_in_dim3A_1033 = vector.broadcast %broadcast_in_dim3A_1032 : i32 to vector<16xi32>
    tpu.vector_store_idx %arg10[%add3A_1003, %broadcast_in_dim3A_1033], %bitcast3A_1031 : memref<64x16xi32, #tpu.memory_space<vmem>>[vector<16xi32>, vector<16xi32>], vector<16xi32>,
    %broadcast_in_dim3A_1034 = arith.constant 6 : i32
    %broadcast_in_dim3A_1035 = vector.broadcast %broadcast_in_dim3A_1034 : i32 to vector<16xi32>
    %broadcast_in_dim3A_1036 = arith.constant 7 : i32
    %broadcast_in_dim3A_1037 = vector.broadcast %broadcast_in_dim3A_1036 : i32 to vector<16xi32>
    %gather3A_1038 = tpu.vector_load_idx %arg9[%add3A_1003, %broadcast_in_dim3A_1035] : memref<64x32xf32, #tpu.memory_space<vmem>>[vector<16xi32>, vector<16xi32>], vector<16xf32>,
    %gather3A_1039 = tpu.vector_load_idx %arg9[%add3A_1003, %broadcast_in_dim3A_1037] : memref<64x32xf32, #tpu.memory_space<vmem>>[vector<16xi32>, vector<16xi32>], vector<16xf32>,
    %pack3A_1040 = tpu.pack_subelements %gather3A_1038, %gather3A_1039 {pack_format = #tpu.pack_format<interleaved>, positions = array<i32: 0, 1>} : vector<16xf32>, vector<16xf32> -> vector<32xbf16>
    %bitcast3A_1041 = vector.bitcast %pack3A_1040 : vector<32xbf16> to vector<16xi32>
    %broadcast_in_dim3A_1042 = arith.constant 3 : i32
    %broadcast_in_dim3A_1043 = vector.broadcast %broadcast_in_dim3A_1042 : i32 to vector<16xi32>
    tpu.vector_store_idx %arg10[%add3A_1003, %broadcast_in_dim3A_1043], %bitcast3A_1041 : memref<64x16xi32, #tpu.memory_space<vmem>>[vector<16xi32>, vector<16xi32>], vector<16xi32>,
    %broadcast_in_dim3A_1044 = arith.constant 8 : i32
    %broadcast_in_dim3A_1045 = vector.broadcast %broadcast_in_dim3A_1044 : i32 to vector<16xi32>
    %broadcast_in_dim3A_1046 = arith.constant 9 : i32
    %broadcast_in_dim3A_1047 = vector.broadcast %broadcast_in_dim3A_1046 : i32 to vector<16xi32>
    %gather3A_1048 = tpu.vector_load_idx %arg9[%add3A_1003, %broadcast_in_dim3A_1045] : memref<64x32xf32, #tpu.memory_space<vmem>>[vector<16xi32>, vector<16xi32>], vector<16xf32>,
    %gather3A_1049 = tpu.vector_load_idx %arg9[%add3A_1003, %broadcast_in_dim3A_1047] : memref<64x32xf32, #tpu.memory_space<vmem>>[vector<16xi32>, vector<16xi32>], vector<16xf32>,
    %pack3A_1050 = tpu.pack_subelements %gather3A_1048, %gather3A_1049 {pack_format = #tpu.pack_format<interleaved>, positions = array<i32: 0, 1>} : vector<16xf32>, vector<16xf32> -> vector<32xbf16>
    %bitcast3A_1051 = vector.bitcast %pack3A_1050 : vector<32xbf16> to vector<16xi32>
    %broadcast_in_dim3A_1052 = arith.constant 4 : i32
    %broadcast_in_dim3A_1053 = vector.broadcast %broadcast_in_dim3A_1052 : i32 to vector<16xi32>
    tpu.vector_store_idx %arg10[%add3A_1003, %broadcast_in_dim3A_1053], %bitcast3A_1051 : memref<64x16xi32, #tpu.memory_space<vmem>>[vector<16xi32>, vector<16xi32>], vector<16xi32>,
    %broadcast_in_dim3A_1054 = arith.constant 10 : i32
    %broadcast_in_dim3A_1055 = vector.broadcast %broadcast_in_dim3A_1054 : i32 to vector<16xi32>
    %broadcast_in_dim3A_1056 = arith.constant 11 : i32
    %broadcast_in_dim3A_1057 = vector.broadcast %broadcast_in_dim3A_1056 : i32 to vector<16xi32>
    %gather3A_1058 = tpu.vector_load_idx %arg9[%add3A_1003, %broadcast_in_dim3A_1055] : memref<64x32xf32, #tpu.memory_space<vmem>>[vector<16xi32>, vector<16xi32>], vector<16xf32>,
    %gather3A_1059 = tpu.vector_load_idx %arg9[%add3A_1003, %broadcast_in_dim3A_1057] : memref<64x32xf32, #tpu.memory_space<vmem>>[vector<16xi32>, vector<16xi32>], vector<16xf32>,
    %pack3A_1060 = tpu.pack_subelements %gather3A_1058, %gather3A_1059 {pack_format = #tpu.pack_format<interleaved>, positions = array<i32: 0, 1>} : vector<16xf32>, vector<16xf32> -> vector<32xbf16>
    %bitcast3A_1061 = vector.bitcast %pack3A_1060 : vector<32xbf16> to vector<16xi32>
    %broadcast_in_dim3A_1062 = arith.constant 5 : i32
    %broadcast_in_dim3A_1063 = vector.broadcast %broadcast_in_dim3A_1062 : i32 to vector<16xi32>
    tpu.vector_store_idx %arg10[%add3A_1003, %broadcast_in_dim3A_1063], %bitcast3A_1061 : memref<64x16xi32, #tpu.memory_space<vmem>>[vector<16xi32>, vector<16xi32>], vector<16xi32>,
    %broadcast_in_dim3A_1064 = arith.constant 12 : i32
    %broadcast_in_dim3A_1065 = vector.broadcast %broadcast_in_dim3A_1064 : i32 to vector<16xi32>
    %broadcast_in_dim3A_1066 = arith.constant 13 : i32
    %broadcast_in_dim3A_1067 = vector.broadcast %broadcast_in_dim3A_1066 : i32 to vector<16xi32>
    %gather3A_1068 = tpu.vector_load_idx %arg9[%add3A_1003, %broadcast_in_dim3A_1065] : memref<64x32xf32, #tpu.memory_space<vmem>>[vector<16xi32>, vector<16xi32>], vector<16xf32>,
    %gather3A_1069 = tpu.vector_load_idx %arg9[%add3A_1003, %broadcast_in_dim3A_1067] : memref<64x32xf32, #tpu.memory_space<vmem>>[vector<16xi32>, vector<16xi32>], vector<16xf32>,
    %pack3A_1070 = tpu.pack_subelements %gather3A_1068, %gather3A_1069 {pack_format = #tpu.pack_format<interleaved>, positions = array<i32: 0, 1>} : vector<16xf32>, vector<16xf32> -> vector<32xbf16>
    %bitcast3A_1071 = vector.bitcast %pack3A_1070 : vector<32xbf16> to vector<16xi32>
    %broadcast_in_dim3A_1072 = arith.constant 6 : i32
    %broadcast_in_dim3A_1073 = vector.broadcast %broadcast_in_dim3A_1072 : i32 to vector<16xi32>
    tpu.vector_store_idx %arg10[%add3A_1003, %broadcast_in_dim3A_1073], %bitcast3A_1071 : memref<64x16xi32, #tpu.memory_space<vmem>>[vector<16xi32>, vector<16xi32>], vector<16xi32>,
    %broadcast_in_dim3A_1074 = arith.constant 14 : i32
    %broadcast_in_dim3A_1075 = vector.broadcast %broadcast_in_dim3A_1074 : i32 to vector<16xi32>
    %broadcast_in_dim3A_1076 = arith.constant 15 : i32
    %broadcast_in_dim3A_1077 = vector.broadcast %broadcast_in_dim3A_1076 : i32 to vector<16xi32>
    %gather3A_1078 = tpu.vector_load_idx %arg9[%add3A_1003, %broadcast_in_dim3A_1075] : memref<64x32xf32, #tpu.memory_space<vmem>>[vector<16xi32>, vector<16xi32>], vector<16xf32>,
    %gather3A_1079 = tpu.vector_load_idx %arg9[%add3A_1003, %broadcast_in_dim3A_1077] : memref<64x32xf32, #tpu.memory_space<vmem>>[vector<16xi32>, vector<16xi32>], vector<16xf32>,
    %pack3A_1080 = tpu.pack_subelements %gather3A_1078, %gather3A_1079 {pack_format = #tpu.pack_format<interleaved>, positions = array<i32: 0, 1>} : vector<16xf32>, vector<16xf32> -> vector<32xbf16>
    %bitcast3A_1081 = vector.bitcast %pack3A_1080 : vector<32xbf16> to vector<16xi32>
    %broadcast_in_dim3A_1082 = arith.constant 7 : i32
    %broadcast_in_dim3A_1083 = vector.broadcast %broadcast_in_dim3A_1082 : i32 to vector<16xi32>
    tpu.vector_store_idx %arg10[%add3A_1003, %broadcast_in_dim3A_1083], %bitcast3A_1081 : memref<64x16xi32, #tpu.memory_space<vmem>>[vector<16xi32>, vector<16xi32>], vector<16xi32>,
    %broadcast_in_dim3A_1084 = arith.constant 16 : i32
    %broadcast_in_dim3A_1085 = vector.broadcast %broadcast_in_dim3A_1084 : i32 to vector<16xi32>
    %broadcast_in_dim3A_1086 = arith.constant 17 : i32
    %broadcast_in_dim3A_1087 = vector.broadcast %broadcast_in_dim3A_1086 : i32 to vector<16xi32>
    %gather3A_1088 = tpu.vector_load_idx %arg9[%add3A_1003, %broadcast_in_dim3A_1085] : memref<64x32xf32, #tpu.memory_space<vmem>>[vector<16xi32>, vector<16xi32>], vector<16xf32>,
    %gather3A_1089 = tpu.vector_load_idx %arg9[%add3A_1003, %broadcast_in_dim3A_1087] : memref<64x32xf32, #tpu.memory_space<vmem>>[vector<16xi32>, vector<16xi32>], vector<16xf32>,
    %pack3A_1090 = tpu.pack_subelements %gather3A_1088, %gather3A_1089 {pack_format = #tpu.pack_format<interleaved>, positions = array<i32: 0, 1>} : vector<16xf32>, vector<16xf32> -> vector<32xbf16>
    %bitcast3A_1091 = vector.bitcast %pack3A_1090 : vector<32xbf16> to vector<16xi32>
    %broadcast_in_dim3A_1092 = arith.constant 8 : i32
    %broadcast_in_dim3A_1093 = vector.broadcast %broadcast_in_dim3A_1092 : i32 to vector<16xi32>
    tpu.vector_store_idx %arg10[%add3A_1003, %broadcast_in_dim3A_1093], %bitcast3A_1091 : memref<64x16xi32, #tpu.memory_space<vmem>>[vector<16xi32>, vector<16xi32>], vector<16xi32>,
    %broadcast_in_dim3A_1094 = arith.constant 18 : i32
    %broadcast_in_dim3A_1095 = vector.broadcast %broadcast_in_dim3A_1094 : i32 to vector<16xi32>
    %broadcast_in_dim3A_1096 = arith.constant 19 : i32
    %broadcast_in_dim3A_1097 = vector.broadcast %broadcast_in_dim3A_1096 : i32 to vector<16xi32>
    %gather3A_1098 = tpu.vector_load_idx %arg9[%add3A_1003, %broadcast_in_dim3A_1095] : memref<64x32xf32, #tpu.memory_space<vmem>>[vector<16xi32>, vector<16xi32>], vector<16xf32>,
    %gather3A_1099 = tpu.vector_load_idx %arg9[%add3A_1003, %broadcast_in_dim3A_1097] : memref<64x32xf32, #tpu.memory_space<vmem>>[vector<16xi32>, vector<16xi32>], vector<16xf32>,
    %pack3A_1100 = tpu.pack_subelements %gather3A_1098, %gather3A_1099 {pack_format = #tpu.pack_format<interleaved>, positions = array<i32: 0, 1>} : vector<16xf32>, vector<16xf32> -> vector<32xbf16>
    %bitcast3A_1101 = vector.bitcast %pack3A_1100 : vector<32xbf16> to vector<16xi32>
    %broadcast_in_dim3A_1102 = arith.constant 9 : i32
    %broadcast_in_dim3A_1103 = vector.broadcast %broadcast_in_dim3A_1102 : i32 to vector<16xi32>
    tpu.vector_store_idx %arg10[%add3A_1003, %broadcast_in_dim3A_1103], %bitcast3A_1101 : memref<64x16xi32, #tpu.memory_space<vmem>>[vector<16xi32>, vector<16xi32>], vector<16xi32>,
    %broadcast_in_dim3A_1104 = arith.constant 20 : i32
    %broadcast_in_dim3A_1105 = vector.broadcast %broadcast_in_dim3A_1104 : i32 to vector<16xi32>
    %broadcast_in_dim3A_1106 = arith.constant 21 : i32
    %broadcast_in_dim3A_1107 = vector.broadcast %broadcast_in_dim3A_1106 : i32 to vector<16xi32>
    %gather3A_1108 = tpu.vector_load_idx %arg9[%add3A_1003, %broadcast_in_dim3A_1105] : memref<64x32xf32, #tpu.memory_space<vmem>>[vector<16xi32>, vector<16xi32>], vector<16xf32>,
    %gather3A_1109 = tpu.vector_load_idx %arg9[%add3A_1003, %broadcast_in_dim3A_1107] : memref<64x32xf32, #tpu.memory_space<vmem>>[vector<16xi32>, vector<16xi32>], vector<16xf32>,
    %pack3A_1110 = tpu.pack_subelements %gather3A_1108, %gather3A_1109 {pack_format = #tpu.pack_format<interleaved>, positions = array<i32: 0, 1>} : vector<16xf32>, vector<16xf32> -> vector<32xbf16>
    %bitcast3A_1111 = vector.bitcast %pack3A_1110 : vector<32xbf16> to vector<16xi32>
    %broadcast_in_dim3A_1112 = arith.constant 10 : i32
    %broadcast_in_dim3A_1113 = vector.broadcast %broadcast_in_dim3A_1112 : i32 to vector<16xi32>
    tpu.vector_store_idx %arg10[%add3A_1003, %broadcast_in_dim3A_1113], %bitcast3A_1111 : memref<64x16xi32, #tpu.memory_space<vmem>>[vector<16xi32>, vector<16xi32>], vector<16xi32>,
    %broadcast_in_dim3A_1114 = arith.constant 22 : i32
    %broadcast_in_dim3A_1115 = vector.broadcast %broadcast_in_dim3A_1114 : i32 to vector<16xi32>
    %broadcast_in_dim3A_1116 = arith.constant 23 : i32
    %broadcast_in_dim3A_1117 = vector.broadcast %broadcast_in_dim3A_1116 : i32 to vector<16xi32>
    %gather3A_1118 = tpu.vector_load_idx %arg9[%add3A_1003, %broadcast_in_dim3A_1115] : memref<64x32xf32, #tpu.memory_space<vmem>>[vector<16xi32>, vector<16xi32>], vector<16xf32>,
    %gather3A_1119 = tpu.vector_load_idx %arg9[%add3A_1003, %broadcast_in_dim3A_1117] : memref<64x32xf32, #tpu.memory_space<vmem>>[vector<16xi32>, vector<16xi32>], vector<16xf32>,
    %pack3A_1120 = tpu.pack_subelements %gather3A_1118, %gather3A_1119 {pack_format = #tpu.pack_format<interleaved>, positions = array<i32: 0, 1>} : vector<16xf32>, vector<16xf32> -> vector<32xbf16>
    %bitcast3A_1121 = vector.bitcast %pack3A_1120 : vector<32xbf16> to vector<16xi32>
    %broadcast_in_dim3A_1122 = arith.constant 11 : i32
    %broadcast_in_dim3A_1123 = vector.broadcast %broadcast_in_dim3A_1122 : i32 to vector<16xi32>
    tpu.vector_store_idx %arg10[%add3A_1003, %broadcast_in_dim3A_1123], %bitcast3A_1121 : memref<64x16xi32, #tpu.memory_space<vmem>>[vector<16xi32>, vector<16xi32>], vector<16xi32>,
    %broadcast_in_dim3A_1124 = arith.constant 24 : i32
    %broadcast_in_dim3A_1125 = vector.broadcast %broadcast_in_dim3A_1124 : i32 to vector<16xi32>
    %broadcast_in_dim3A_1126 = arith.constant 25 : i32
    %broadcast_in_dim3A_1127 = vector.broadcast %broadcast_in_dim3A_1126 : i32 to vector<16xi32>
    %gather3A_1128 = tpu.vector_load_idx %arg9[%add3A_1003, %broadcast_in_dim3A_1125] : memref<64x32xf32, #tpu.memory_space<vmem>>[vector<16xi32>, vector<16xi32>], vector<16xf32>,
    %gather3A_1129 = tpu.vector_load_idx %arg9[%add3A_1003, %broadcast_in_dim3A_1127] : memref<64x32xf32, #tpu.memory_space<vmem>>[vector<16xi32>, vector<16xi32>], vector<16xf32>,
    %pack3A_1130 = tpu.pack_subelements %gather3A_1128, %gather3A_1129 {pack_format = #tpu.pack_format<interleaved>, positions = array<i32: 0, 1>} : vector<16xf32>, vector<16xf32> -> vector<32xbf16>
    %bitcast3A_1131 = vector.bitcast %pack3A_1130 : vector<32xbf16> to vector<16xi32>
    %broadcast_in_dim3A_1132 = arith.constant 12 : i32
    %broadcast_in_dim3A_1133 = vector.broadcast %broadcast_in_dim3A_1132 : i32 to vector<16xi32>
    tpu.vector_store_idx %arg10[%add3A_1003, %broadcast_in_dim3A_1133], %bitcast3A_1131 : memref<64x16xi32, #tpu.memory_space<vmem>>[vector<16xi32>, vector<16xi32>], vector<16xi32>,
    %broadcast_in_dim3A_1134 = arith.constant 26 : i32
    %broadcast_in_dim3A_1135 = vector.broadcast %broadcast_in_dim3A_1134 : i32 to vector<16xi32>
    %broadcast_in_dim3A_1136 = arith.constant 27 : i32
    %broadcast_in_dim3A_1137 = vector.broadcast %broadcast_in_dim3A_1136 : i32 to vector<16xi32>
    %gather3A_1138 = tpu.vector_load_idx %arg9[%add3A_1003, %broadcast_in_dim3A_1135] : memref<64x32xf32, #tpu.memory_space<vmem>>[vector<16xi32>, vector<16xi32>], vector<16xf32>,
    %gather3A_1139 = tpu.vector_load_idx %arg9[%add3A_1003, %broadcast_in_dim3A_1137] : memref<64x32xf32, #tpu.memory_space<vmem>>[vector<16xi32>, vector<16xi32>], vector<16xf32>,
    %pack3A_1140 = tpu.pack_subelements %gather3A_1138, %gather3A_1139 {pack_format = #tpu.pack_format<interleaved>, positions = array<i32: 0, 1>} : vector<16xf32>, vector<16xf32> -> vector<32xbf16>
    %bitcast3A_1141 = vector.bitcast %pack3A_1140 : vector<32xbf16> to vector<16xi32>
    %broadcast_in_dim3A_1142 = arith.constant 13 : i32
    %broadcast_in_dim3A_1143 = vector.broadcast %broadcast_in_dim3A_1142 : i32 to vector<16xi32>
    tpu.vector_store_idx %arg10[%add3A_1003, %broadcast_in_dim3A_1143], %bitcast3A_1141 : memref<64x16xi32, #tpu.memory_space<vmem>>[vector<16xi32>, vector<16xi32>], vector<16xi32>,
    %broadcast_in_dim3A_1144 = arith.constant 28 : i32
    %broadcast_in_dim3A_1145 = vector.broadcast %broadcast_in_dim3A_1144 : i32 to vector<16xi32>
    %broadcast_in_dim3A_1146 = arith.constant 29 : i32
    %broadcast_in_dim3A_1147 = vector.broadcast %broadcast_in_dim3A_1146 : i32 to vector<16xi32>
    %gather3A_1148 = tpu.vector_load_idx %arg9[%add3A_1003, %broadcast_in_dim3A_1145] : memref<64x32xf32, #tpu.memory_space<vmem>>[vector<16xi32>, vector<16xi32>], vector<16xf32>,
    %gather3A_1149 = tpu.vector_load_idx %arg9[%add3A_1003, %broadcast_in_dim3A_1147] : memref<64x32xf32, #tpu.memory_space<vmem>>[vector<16xi32>, vector<16xi32>], vector<16xf32>,
    %pack3A_1150 = tpu.pack_subelements %gather3A_1148, %gather3A_1149 {pack_format = #tpu.pack_format<interleaved>, positions = array<i32: 0, 1>} : vector<16xf32>, vector<16xf32> -> vector<32xbf16>
    %bitcast3A_1151 = vector.bitcast %pack3A_1150 : vector<32xbf16> to vector<16xi32>
    %broadcast_in_dim3A_1152 = arith.constant 14 : i32
    %broadcast_in_dim3A_1153 = vector.broadcast %broadcast_in_dim3A_1152 : i32 to vector<16xi32>
    tpu.vector_store_idx %arg10[%add3A_1003, %broadcast_in_dim3A_1153], %bitcast3A_1151 : memref<64x16xi32, #tpu.memory_space<vmem>>[vector<16xi32>, vector<16xi32>], vector<16xi32>,
    %broadcast_in_dim3A_1154 = arith.constant 30 : i32
    %broadcast_in_dim3A_1155 = vector.broadcast %broadcast_in_dim3A_1154 : i32 to vector<16xi32>
    %broadcast_in_dim3A_1156 = arith.constant 31 : i32
    %broadcast_in_dim3A_1157 = vector.broadcast %broadcast_in_dim3A_1156 : i32 to vector<16xi32>
    %gather3A_1158 = tpu.vector_load_idx %arg9[%add3A_1003, %broadcast_in_dim3A_1155] : memref<64x32xf32, #tpu.memory_space<vmem>>[vector<16xi32>, vector<16xi32>], vector<16xf32>,
    %gather3A_1159 = tpu.vector_load_idx %arg9[%add3A_1003, %broadcast_in_dim3A_1157] : memref<64x32xf32, #tpu.memory_space<vmem>>[vector<16xi32>, vector<16xi32>], vector<16xf32>,
    %pack3A_1160 = tpu.pack_subelements %gather3A_1158, %gather3A_1159 {pack_format = #tpu.pack_format<interleaved>, positions = array<i32: 0, 1>} : vector<16xf32>, vector<16xf32> -> vector<32xbf16>
    %bitcast3A_1161 = vector.bitcast %pack3A_1160 : vector<32xbf16> to vector<16xi32>
    %broadcast_in_dim3A_1162 = arith.constant 15 : i32
    %broadcast_in_dim3A_1163 = vector.broadcast %broadcast_in_dim3A_1162 : i32 to vector<16xi32>
    tpu.vector_store_idx %arg10[%add3A_1003, %broadcast_in_dim3A_1163], %bitcast3A_1161 : memref<64x16xi32, #tpu.memory_space<vmem>>[vector<16xi32>, vector<16xi32>], vector<16xi32>,
    %add3A_1164 = arith.constant 32 : i32
    %add3A_1165 = vector.broadcast %add3A_1164 : i32 to vector<16xi32>
    %add3A_1166 = arith.addi %add3A_1165, %iota3A : vector<16xi32>
    %broadcast_in_dim3A_1167 = arith.constant 0 : i32
    %broadcast_in_dim3A_1168 = vector.broadcast %broadcast_in_dim3A_1167 : i32 to vector<16xi32>
    %broadcast_in_dim3A_1169 = arith.constant 1 : i32
    %broadcast_in_dim3A_1170 = vector.broadcast %broadcast_in_dim3A_1169 : i32 to vector<16xi32>
    %gather3A_1171 = tpu.vector_load_idx %arg9[%add3A_1166, %broadcast_in_dim3A_1168] : memref<64x32xf32, #tpu.memory_space<vmem>>[vector<16xi32>, vector<16xi32>], vector<16xf32>,
    %gather3A_1172 = tpu.vector_load_idx %arg9[%add3A_1166, %broadcast_in_dim3A_1170] : memref<64x32xf32, #tpu.memory_space<vmem>>[vector<16xi32>, vector<16xi32>], vector<16xf32>,
    %pack3A_1173 = tpu.pack_subelements %gather3A_1171, %gather3A_1172 {pack_format = #tpu.pack_format<interleaved>, positions = array<i32: 0, 1>} : vector<16xf32>, vector<16xf32> -> vector<32xbf16>
    %bitcast3A_1174 = vector.bitcast %pack3A_1173 : vector<32xbf16> to vector<16xi32>
    %broadcast_in_dim3A_1175 = arith.constant 0 : i32
    %broadcast_in_dim3A_1176 = vector.broadcast %broadcast_in_dim3A_1175 : i32 to vector<16xi32>
    tpu.vector_store_idx %arg10[%add3A_1166, %broadcast_in_dim3A_1176], %bitcast3A_1174 : memref<64x16xi32, #tpu.memory_space<vmem>>[vector<16xi32>, vector<16xi32>], vector<16xi32>,
    %broadcast_in_dim3A_1177 = arith.constant 2 : i32
    %broadcast_in_dim3A_1178 = vector.broadcast %broadcast_in_dim3A_1177 : i32 to vector<16xi32>
    %broadcast_in_dim3A_1179 = arith.constant 3 : i32
    %broadcast_in_dim3A_1180 = vector.broadcast %broadcast_in_dim3A_1179 : i32 to vector<16xi32>
    %gather3A_1181 = tpu.vector_load_idx %arg9[%add3A_1166, %broadcast_in_dim3A_1178] : memref<64x32xf32, #tpu.memory_space<vmem>>[vector<16xi32>, vector<16xi32>], vector<16xf32>,
    %gather3A_1182 = tpu.vector_load_idx %arg9[%add3A_1166, %broadcast_in_dim3A_1180] : memref<64x32xf32, #tpu.memory_space<vmem>>[vector<16xi32>, vector<16xi32>], vector<16xf32>,
    %pack3A_1183 = tpu.pack_subelements %gather3A_1181, %gather3A_1182 {pack_format = #tpu.pack_format<interleaved>, positions = array<i32: 0, 1>} : vector<16xf32>, vector<16xf32> -> vector<32xbf16>
    %bitcast3A_1184 = vector.bitcast %pack3A_1183 : vector<32xbf16> to vector<16xi32>
    %broadcast_in_dim3A_1185 = arith.constant 1 : i32
    %broadcast_in_dim3A_1186 = vector.broadcast %broadcast_in_dim3A_1185 : i32 to vector<16xi32>
    tpu.vector_store_idx %arg10[%add3A_1166, %broadcast_in_dim3A_1186], %bitcast3A_1184 : memref<64x16xi32, #tpu.memory_space<vmem>>[vector<16xi32>, vector<16xi32>], vector<16xi32>,
    %broadcast_in_dim3A_1187 = arith.constant 4 : i32
    %broadcast_in_dim3A_1188 = vector.broadcast %broadcast_in_dim3A_1187 : i32 to vector<16xi32>
    %broadcast_in_dim3A_1189 = arith.constant 5 : i32
    %broadcast_in_dim3A_1190 = vector.broadcast %broadcast_in_dim3A_1189 : i32 to vector<16xi32>
    %gather3A_1191 = tpu.vector_load_idx %arg9[%add3A_1166, %broadcast_in_dim3A_1188] : memref<64x32xf32, #tpu.memory_space<vmem>>[vector<16xi32>, vector<16xi32>], vector<16xf32>,
    %gather3A_1192 = tpu.vector_load_idx %arg9[%add3A_1166, %broadcast_in_dim3A_1190] : memref<64x32xf32, #tpu.memory_space<vmem>>[vector<16xi32>, vector<16xi32>], vector<16xf32>,
    %pack3A_1193 = tpu.pack_subelements %gather3A_1191, %gather3A_1192 {pack_format = #tpu.pack_format<interleaved>, positions = array<i32: 0, 1>} : vector<16xf32>, vector<16xf32> -> vector<32xbf16>
    %bitcast3A_1194 = vector.bitcast %pack3A_1193 : vector<32xbf16> to vector<16xi32>
    %broadcast_in_dim3A_1195 = arith.constant 2 : i32
    %broadcast_in_dim3A_1196 = vector.broadcast %broadcast_in_dim3A_1195 : i32 to vector<16xi32>
    tpu.vector_store_idx %arg10[%add3A_1166, %broadcast_in_dim3A_1196], %bitcast3A_1194 : memref<64x16xi32, #tpu.memory_space<vmem>>[vector<16xi32>, vector<16xi32>], vector<16xi32>,
    %broadcast_in_dim3A_1197 = arith.constant 6 : i32
    %broadcast_in_dim3A_1198 = vector.broadcast %broadcast_in_dim3A_1197 : i32 to vector<16xi32>
    %broadcast_in_dim3A_1199 = arith.constant 7 : i32
    %broadcast_in_dim3A_1200 = vector.broadcast %broadcast_in_dim3A_1199 : i32 to vector<16xi32>
    %gather3A_1201 = tpu.vector_load_idx %arg9[%add3A_1166, %broadcast_in_dim3A_1198] : memref<64x32xf32, #tpu.memory_space<vmem>>[vector<16xi32>, vector<16xi32>], vector<16xf32>,
    %gather3A_1202 = tpu.vector_load_idx %arg9[%add3A_1166, %broadcast_in_dim3A_1200] : memref<64x32xf32, #tpu.memory_space<vmem>>[vector<16xi32>, vector<16xi32>], vector<16xf32>,
    %pack3A_1203 = tpu.pack_subelements %gather3A_1201, %gather3A_1202 {pack_format = #tpu.pack_format<interleaved>, positions = array<i32: 0, 1>} : vector<16xf32>, vector<16xf32> -> vector<32xbf16>
    %bitcast3A_1204 = vector.bitcast %pack3A_1203 : vector<32xbf16> to vector<16xi32>
    %broadcast_in_dim3A_1205 = arith.constant 3 : i32
    %broadcast_in_dim3A_1206 = vector.broadcast %broadcast_in_dim3A_1205 : i32 to vector<16xi32>
    tpu.vector_store_idx %arg10[%add3A_1166, %broadcast_in_dim3A_1206], %bitcast3A_1204 : memref<64x16xi32, #tpu.memory_space<vmem>>[vector<16xi32>, vector<16xi32>], vector<16xi32>,
    %broadcast_in_dim3A_1207 = arith.constant 8 : i32
    %broadcast_in_dim3A_1208 = vector.broadcast %broadcast_in_dim3A_1207 : i32 to vector<16xi32>
    %broadcast_in_dim3A_1209 = arith.constant 9 : i32
    %broadcast_in_dim3A_1210 = vector.broadcast %broadcast_in_dim3A_1209 : i32 to vector<16xi32>
    %gather3A_1211 = tpu.vector_load_idx %arg9[%add3A_1166, %broadcast_in_dim3A_1208] : memref<64x32xf32, #tpu.memory_space<vmem>>[vector<16xi32>, vector<16xi32>], vector<16xf32>,
    %gather3A_1212 = tpu.vector_load_idx %arg9[%add3A_1166, %broadcast_in_dim3A_1210] : memref<64x32xf32, #tpu.memory_space<vmem>>[vector<16xi32>, vector<16xi32>], vector<16xf32>,
    %pack3A_1213 = tpu.pack_subelements %gather3A_1211, %gather3A_1212 {pack_format = #tpu.pack_format<interleaved>, positions = array<i32: 0, 1>} : vector<16xf32>, vector<16xf32> -> vector<32xbf16>
    %bitcast3A_1214 = vector.bitcast %pack3A_1213 : vector<32xbf16> to vector<16xi32>
    %broadcast_in_dim3A_1215 = arith.constant 4 : i32
    %broadcast_in_dim3A_1216 = vector.broadcast %broadcast_in_dim3A_1215 : i32 to vector<16xi32>
    tpu.vector_store_idx %arg10[%add3A_1166, %broadcast_in_dim3A_1216], %bitcast3A_1214 : memref<64x16xi32, #tpu.memory_space<vmem>>[vector<16xi32>, vector<16xi32>], vector<16xi32>,
    %broadcast_in_dim3A_1217 = arith.constant 10 : i32
    %broadcast_in_dim3A_1218 = vector.broadcast %broadcast_in_dim3A_1217 : i32 to vector<16xi32>
    %broadcast_in_dim3A_1219 = arith.constant 11 : i32
    %broadcast_in_dim3A_1220 = vector.broadcast %broadcast_in_dim3A_1219 : i32 to vector<16xi32>
    %gather3A_1221 = tpu.vector_load_idx %arg9[%add3A_1166, %broadcast_in_dim3A_1218] : memref<64x32xf32, #tpu.memory_space<vmem>>[vector<16xi32>, vector<16xi32>], vector<16xf32>,
    %gather3A_1222 = tpu.vector_load_idx %arg9[%add3A_1166, %broadcast_in_dim3A_1220] : memref<64x32xf32, #tpu.memory_space<vmem>>[vector<16xi32>, vector<16xi32>], vector<16xf32>,
    %pack3A_1223 = tpu.pack_subelements %gather3A_1221, %gather3A_1222 {pack_format = #tpu.pack_format<interleaved>, positions = array<i32: 0, 1>} : vector<16xf32>, vector<16xf32> -> vector<32xbf16>
    %bitcast3A_1224 = vector.bitcast %pack3A_1223 : vector<32xbf16> to vector<16xi32>
    %broadcast_in_dim3A_1225 = arith.constant 5 : i32
    %broadcast_in_dim3A_1226 = vector.broadcast %broadcast_in_dim3A_1225 : i32 to vector<16xi32>
    tpu.vector_store_idx %arg10[%add3A_1166, %broadcast_in_dim3A_1226], %bitcast3A_1224 : memref<64x16xi32, #tpu.memory_space<vmem>>[vector<16xi32>, vector<16xi32>], vector<16xi32>,
    %broadcast_in_dim3A_1227 = arith.constant 12 : i32
    %broadcast_in_dim3A_1228 = vector.broadcast %broadcast_in_dim3A_1227 : i32 to vector<16xi32>
    %broadcast_in_dim3A_1229 = arith.constant 13 : i32
    %broadcast_in_dim3A_1230 = vector.broadcast %broadcast_in_dim3A_1229 : i32 to vector<16xi32>
    %gather3A_1231 = tpu.vector_load_idx %arg9[%add3A_1166, %broadcast_in_dim3A_1228] : memref<64x32xf32, #tpu.memory_space<vmem>>[vector<16xi32>, vector<16xi32>], vector<16xf32>,
    %gather3A_1232 = tpu.vector_load_idx %arg9[%add3A_1166, %broadcast_in_dim3A_1230] : memref<64x32xf32, #tpu.memory_space<vmem>>[vector<16xi32>, vector<16xi32>], vector<16xf32>,
    %pack3A_1233 = tpu.pack_subelements %gather3A_1231, %gather3A_1232 {pack_format = #tpu.pack_format<interleaved>, positions = array<i32: 0, 1>} : vector<16xf32>, vector<16xf32> -> vector<32xbf16>
    %bitcast3A_1234 = vector.bitcast %pack3A_1233 : vector<32xbf16> to vector<16xi32>
    %broadcast_in_dim3A_1235 = arith.constant 6 : i32
    %broadcast_in_dim3A_1236 = vector.broadcast %broadcast_in_dim3A_1235 : i32 to vector<16xi32>
    tpu.vector_store_idx %arg10[%add3A_1166, %broadcast_in_dim3A_1236], %bitcast3A_1234 : memref<64x16xi32, #tpu.memory_space<vmem>>[vector<16xi32>, vector<16xi32>], vector<16xi32>,
    %broadcast_in_dim3A_1237 = arith.constant 14 : i32
    %broadcast_in_dim3A_1238 = vector.broadcast %broadcast_in_dim3A_1237 : i32 to vector<16xi32>
    %broadcast_in_dim3A_1239 = arith.constant 15 : i32
    %broadcast_in_dim3A_1240 = vector.broadcast %broadcast_in_dim3A_1239 : i32 to vector<16xi32>
    %gather3A_1241 = tpu.vector_load_idx %arg9[%add3A_1166, %broadcast_in_dim3A_1238] : memref<64x32xf32, #tpu.memory_space<vmem>>[vector<16xi32>, vector<16xi32>], vector<16xf32>,
    %gather3A_1242 = tpu.vector_load_idx %arg9[%add3A_1166, %broadcast_in_dim3A_1240] : memref<64x32xf32, #tpu.memory_space<vmem>>[vector<16xi32>, vector<16xi32>], vector<16xf32>,
    %pack3A_1243 = tpu.pack_subelements %gather3A_1241, %gather3A_1242 {pack_format = #tpu.pack_format<interleaved>, positions = array<i32: 0, 1>} : vector<16xf32>, vector<16xf32> -> vector<32xbf16>
    %bitcast3A_1244 = vector.bitcast %pack3A_1243 : vector<32xbf16> to vector<16xi32>
    %broadcast_in_dim3A_1245 = arith.constant 7 : i32
    %broadcast_in_dim3A_1246 = vector.broadcast %broadcast_in_dim3A_1245 : i32 to vector<16xi32>
    tpu.vector_store_idx %arg10[%add3A_1166, %broadcast_in_dim3A_1246], %bitcast3A_1244 : memref<64x16xi32, #tpu.memory_space<vmem>>[vector<16xi32>, vector<16xi32>], vector<16xi32>,
    %broadcast_in_dim3A_1247 = arith.constant 16 : i32
    %broadcast_in_dim3A_1248 = vector.broadcast %broadcast_in_dim3A_1247 : i32 to vector<16xi32>
    %broadcast_in_dim3A_1249 = arith.constant 17 : i32
    %broadcast_in_dim3A_1250 = vector.broadcast %broadcast_in_dim3A_1249 : i32 to vector<16xi32>
    %gather3A_1251 = tpu.vector_load_idx %arg9[%add3A_1166, %broadcast_in_dim3A_1248] : memref<64x32xf32, #tpu.memory_space<vmem>>[vector<16xi32>, vector<16xi32>], vector<16xf32>,
    %gather3A_1252 = tpu.vector_load_idx %arg9[%add3A_1166, %broadcast_in_dim3A_1250] : memref<64x32xf32, #tpu.memory_space<vmem>>[vector<16xi32>, vector<16xi32>], vector<16xf32>,
    %pack3A_1253 = tpu.pack_subelements %gather3A_1251, %gather3A_1252 {pack_format = #tpu.pack_format<interleaved>, positions = array<i32: 0, 1>} : vector<16xf32>, vector<16xf32> -> vector<32xbf16>
    %bitcast3A_1254 = vector.bitcast %pack3A_1253 : vector<32xbf16> to vector<16xi32>
    %broadcast_in_dim3A_1255 = arith.constant 8 : i32
    %broadcast_in_dim3A_1256 = vector.broadcast %broadcast_in_dim3A_1255 : i32 to vector<16xi32>
    tpu.vector_store_idx %arg10[%add3A_1166, %broadcast_in_dim3A_1256], %bitcast3A_1254 : memref<64x16xi32, #tpu.memory_space<vmem>>[vector<16xi32>, vector<16xi32>], vector<16xi32>,
    %broadcast_in_dim3A_1257 = arith.constant 18 : i32
    %broadcast_in_dim3A_1258 = vector.broadcast %broadcast_in_dim3A_1257 : i32 to vector<16xi32>
    %broadcast_in_dim3A_1259 = arith.constant 19 : i32
    %broadcast_in_dim3A_1260 = vector.broadcast %broadcast_in_dim3A_1259 : i32 to vector<16xi32>
    %gather3A_1261 = tpu.vector_load_idx %arg9[%add3A_1166, %broadcast_in_dim3A_1258] : memref<64x32xf32, #tpu.memory_space<vmem>>[vector<16xi32>, vector<16xi32>], vector<16xf32>,
    %gather3A_1262 = tpu.vector_load_idx %arg9[%add3A_1166, %broadcast_in_dim3A_1260] : memref<64x32xf32, #tpu.memory_space<vmem>>[vector<16xi32>, vector<16xi32>], vector<16xf32>,
    %pack3A_1263 = tpu.pack_subelements %gather3A_1261, %gather3A_1262 {pack_format = #tpu.pack_format<interleaved>, positions = array<i32: 0, 1>} : vector<16xf32>, vector<16xf32> -> vector<32xbf16>
    %bitcast3A_1264 = vector.bitcast %pack3A_1263 : vector<32xbf16> to vector<16xi32>
    %broadcast_in_dim3A_1265 = arith.constant 9 : i32
    %broadcast_in_dim3A_1266 = vector.broadcast %broadcast_in_dim3A_1265 : i32 to vector<16xi32>
    tpu.vector_store_idx %arg10[%add3A_1166, %broadcast_in_dim3A_1266], %bitcast3A_1264 : memref<64x16xi32, #tpu.memory_space<vmem>>[vector<16xi32>, vector<16xi32>], vector<16xi32>,
    %broadcast_in_dim3A_1267 = arith.constant 20 : i32
    %broadcast_in_dim3A_1268 = vector.broadcast %broadcast_in_dim3A_1267 : i32 to vector<16xi32>
    %broadcast_in_dim3A_1269 = arith.constant 21 : i32
    %broadcast_in_dim3A_1270 = vector.broadcast %broadcast_in_dim3A_1269 : i32 to vector<16xi32>
    %gather3A_1271 = tpu.vector_load_idx %arg9[%add3A_1166, %broadcast_in_dim3A_1268] : memref<64x32xf32, #tpu.memory_space<vmem>>[vector<16xi32>, vector<16xi32>], vector<16xf32>,
    %gather3A_1272 = tpu.vector_load_idx %arg9[%add3A_1166, %broadcast_in_dim3A_1270] : memref<64x32xf32, #tpu.memory_space<vmem>>[vector<16xi32>, vector<16xi32>], vector<16xf32>,
    %pack3A_1273 = tpu.pack_subelements %gather3A_1271, %gather3A_1272 {pack_format = #tpu.pack_format<interleaved>, positions = array<i32: 0, 1>} : vector<16xf32>, vector<16xf32> -> vector<32xbf16>
    %bitcast3A_1274 = vector.bitcast %pack3A_1273 : vector<32xbf16> to vector<16xi32>
    %broadcast_in_dim3A_1275 = arith.constant 10 : i32
    %broadcast_in_dim3A_1276 = vector.broadcast %broadcast_in_dim3A_1275 : i32 to vector<16xi32>
    tpu.vector_store_idx %arg10[%add3A_1166, %broadcast_in_dim3A_1276], %bitcast3A_1274 : memref<64x16xi32, #tpu.memory_space<vmem>>[vector<16xi32>, vector<16xi32>], vector<16xi32>,
    %broadcast_in_dim3A_1277 = arith.constant 22 : i32
    %broadcast_in_dim3A_1278 = vector.broadcast %broadcast_in_dim3A_1277 : i32 to vector<16xi32>
    %broadcast_in_dim3A_1279 = arith.constant 23 : i32
    %broadcast_in_dim3A_1280 = vector.broadcast %broadcast_in_dim3A_1279 : i32 to vector<16xi32>
    %gather3A_1281 = tpu.vector_load_idx %arg9[%add3A_1166, %broadcast_in_dim3A_1278] : memref<64x32xf32, #tpu.memory_space<vmem>>[vector<16xi32>, vector<16xi32>], vector<16xf32>,
    %gather3A_1282 = tpu.vector_load_idx %arg9[%add3A_1166, %broadcast_in_dim3A_1280] : memref<64x32xf32, #tpu.memory_space<vmem>>[vector<16xi32>, vector<16xi32>], vector<16xf32>,
    %pack3A_1283 = tpu.pack_subelements %gather3A_1281, %gather3A_1282 {pack_format = #tpu.pack_format<interleaved>, positions = array<i32: 0, 1>} : vector<16xf32>, vector<16xf32> -> vector<32xbf16>
    %bitcast3A_1284 = vector.bitcast %pack3A_1283 : vector<32xbf16> to vector<16xi32>
    %broadcast_in_dim3A_1285 = arith.constant 11 : i32
    %broadcast_in_dim3A_1286 = vector.broadcast %broadcast_in_dim3A_1285 : i32 to vector<16xi32>
    tpu.vector_store_idx %arg10[%add3A_1166, %broadcast_in_dim3A_1286], %bitcast3A_1284 : memref<64x16xi32, #tpu.memory_space<vmem>>[vector<16xi32>, vector<16xi32>], vector<16xi32>,
    %broadcast_in_dim3A_1287 = arith.constant 24 : i32
    %broadcast_in_dim3A_1288 = vector.broadcast %broadcast_in_dim3A_1287 : i32 to vector<16xi32>
    %broadcast_in_dim3A_1289 = arith.constant 25 : i32
    %broadcast_in_dim3A_1290 = vector.broadcast %broadcast_in_dim3A_1289 : i32 to vector<16xi32>
    %gather3A_1291 = tpu.vector_load_idx %arg9[%add3A_1166, %broadcast_in_dim3A_1288] : memref<64x32xf32, #tpu.memory_space<vmem>>[vector<16xi32>, vector<16xi32>], vector<16xf32>,
    %gather3A_1292 = tpu.vector_load_idx %arg9[%add3A_1166, %broadcast_in_dim3A_1290] : memref<64x32xf32, #tpu.memory_space<vmem>>[vector<16xi32>, vector<16xi32>], vector<16xf32>,
    %pack3A_1293 = tpu.pack_subelements %gather3A_1291, %gather3A_1292 {pack_format = #tpu.pack_format<interleaved>, positions = array<i32: 0, 1>} : vector<16xf32>, vector<16xf32> -> vector<32xbf16>
    %bitcast3A_1294 = vector.bitcast %pack3A_1293 : vector<32xbf16> to vector<16xi32>
    %broadcast_in_dim3A_1295 = arith.constant 12 : i32
    %broadcast_in_dim3A_1296 = vector.broadcast %broadcast_in_dim3A_1295 : i32 to vector<16xi32>
    tpu.vector_store_idx %arg10[%add3A_1166, %broadcast_in_dim3A_1296], %bitcast3A_1294 : memref<64x16xi32, #tpu.memory_space<vmem>>[vector<16xi32>, vector<16xi32>], vector<16xi32>,
    %broadcast_in_dim3A_1297 = arith.constant 26 : i32
    %broadcast_in_dim3A_1298 = vector.broadcast %broadcast_in_dim3A_1297 : i32 to vector<16xi32>
    %broadcast_in_dim3A_1299 = arith.constant 27 : i32
    %broadcast_in_dim3A_1300 = vector.broadcast %broadcast_in_dim3A_1299 : i32 to vector<16xi32>
    %gather3A_1301 = tpu.vector_load_idx %arg9[%add3A_1166, %broadcast_in_dim3A_1298] : memref<64x32xf32, #tpu.memory_space<vmem>>[vector<16xi32>, vector<16xi32>], vector<16xf32>,
    %gather3A_1302 = tpu.vector_load_idx %arg9[%add3A_1166, %broadcast_in_dim3A_1300] : memref<64x32xf32, #tpu.memory_space<vmem>>[vector<16xi32>, vector<16xi32>], vector<16xf32>,
    %pack3A_1303 = tpu.pack_subelements %gather3A_1301, %gather3A_1302 {pack_format = #tpu.pack_format<interleaved>, positions = array<i32: 0, 1>} : vector<16xf32>, vector<16xf32> -> vector<32xbf16>
    %bitcast3A_1304 = vector.bitcast %pack3A_1303 : vector<32xbf16> to vector<16xi32>
    %broadcast_in_dim3A_1305 = arith.constant 13 : i32
    %broadcast_in_dim3A_1306 = vector.broadcast %broadcast_in_dim3A_1305 : i32 to vector<16xi32>
    tpu.vector_store_idx %arg10[%add3A_1166, %broadcast_in_dim3A_1306], %bitcast3A_1304 : memref<64x16xi32, #tpu.memory_space<vmem>>[vector<16xi32>, vector<16xi32>], vector<16xi32>,
    %broadcast_in_dim3A_1307 = arith.constant 28 : i32
    %broadcast_in_dim3A_1308 = vector.broadcast %broadcast_in_dim3A_1307 : i32 to vector<16xi32>
    %broadcast_in_dim3A_1309 = arith.constant 29 : i32
    %broadcast_in_dim3A_1310 = vector.broadcast %broadcast_in_dim3A_1309 : i32 to vector<16xi32>
    %gather3A_1311 = tpu.vector_load_idx %arg9[%add3A_1166, %broadcast_in_dim3A_1308] : memref<64x32xf32, #tpu.memory_space<vmem>>[vector<16xi32>, vector<16xi32>], vector<16xf32>,
    %gather3A_1312 = tpu.vector_load_idx %arg9[%add3A_1166, %broadcast_in_dim3A_1310] : memref<64x32xf32, #tpu.memory_space<vmem>>[vector<16xi32>, vector<16xi32>], vector<16xf32>,
    %pack3A_1313 = tpu.pack_subelements %gather3A_1311, %gather3A_1312 {pack_format = #tpu.pack_format<interleaved>, positions = array<i32: 0, 1>} : vector<16xf32>, vector<16xf32> -> vector<32xbf16>
    %bitcast3A_1314 = vector.bitcast %pack3A_1313 : vector<32xbf16> to vector<16xi32>
    %broadcast_in_dim3A_1315 = arith.constant 14 : i32
    %broadcast_in_dim3A_1316 = vector.broadcast %broadcast_in_dim3A_1315 : i32 to vector<16xi32>
    tpu.vector_store_idx %arg10[%add3A_1166, %broadcast_in_dim3A_1316], %bitcast3A_1314 : memref<64x16xi32, #tpu.memory_space<vmem>>[vector<16xi32>, vector<16xi32>], vector<16xi32>,
    %broadcast_in_dim3A_1317 = arith.constant 30 : i32
    %broadcast_in_dim3A_1318 = vector.broadcast %broadcast_in_dim3A_1317 : i32 to vector<16xi32>
    %broadcast_in_dim3A_1319 = arith.constant 31 : i32
    %broadcast_in_dim3A_1320 = vector.broadcast %broadcast_in_dim3A_1319 : i32 to vector<16xi32>
    %gather3A_1321 = tpu.vector_load_idx %arg9[%add3A_1166, %broadcast_in_dim3A_1318] : memref<64x32xf32, #tpu.memory_space<vmem>>[vector<16xi32>, vector<16xi32>], vector<16xf32>,
    %gather3A_1322 = tpu.vector_load_idx %arg9[%add3A_1166, %broadcast_in_dim3A_1320] : memref<64x32xf32, #tpu.memory_space<vmem>>[vector<16xi32>, vector<16xi32>], vector<16xf32>,
    %pack3A_1323 = tpu.pack_subelements %gather3A_1321, %gather3A_1322 {pack_format = #tpu.pack_format<interleaved>, positions = array<i32: 0, 1>} : vector<16xf32>, vector<16xf32> -> vector<32xbf16>
    %bitcast3A_1324 = vector.bitcast %pack3A_1323 : vector<32xbf16> to vector<16xi32>
    %broadcast_in_dim3A_1325 = arith.constant 15 : i32
    %broadcast_in_dim3A_1326 = vector.broadcast %broadcast_in_dim3A_1325 : i32 to vector<16xi32>
    tpu.vector_store_idx %arg10[%add3A_1166, %broadcast_in_dim3A_1326], %bitcast3A_1324 : memref<64x16xi32, #tpu.memory_space<vmem>>[vector<16xi32>, vector<16xi32>], vector<16xi32>,
    %add3A_1327 = arith.constant 48 : i32
    %add3A_1328 = vector.broadcast %add3A_1327 : i32 to vector<16xi32>
    %add3A_1329 = arith.addi %add3A_1328, %iota3A : vector<16xi32>
    %broadcast_in_dim3A_1330 = arith.constant 0 : i32
    %broadcast_in_dim3A_1331 = vector.broadcast %broadcast_in_dim3A_1330 : i32 to vector<16xi32>
    %broadcast_in_dim3A_1332 = arith.constant 1 : i32
    %broadcast_in_dim3A_1333 = vector.broadcast %broadcast_in_dim3A_1332 : i32 to vector<16xi32>
    %gather3A_1334 = tpu.vector_load_idx %arg9[%add3A_1329, %broadcast_in_dim3A_1331] : memref<64x32xf32, #tpu.memory_space<vmem>>[vector<16xi32>, vector<16xi32>], vector<16xf32>,
    %gather3A_1335 = tpu.vector_load_idx %arg9[%add3A_1329, %broadcast_in_dim3A_1333] : memref<64x32xf32, #tpu.memory_space<vmem>>[vector<16xi32>, vector<16xi32>], vector<16xf32>,
    %pack3A_1336 = tpu.pack_subelements %gather3A_1334, %gather3A_1335 {pack_format = #tpu.pack_format<interleaved>, positions = array<i32: 0, 1>} : vector<16xf32>, vector<16xf32> -> vector<32xbf16>
    %bitcast3A_1337 = vector.bitcast %pack3A_1336 : vector<32xbf16> to vector<16xi32>
    %broadcast_in_dim3A_1338 = arith.constant 0 : i32
    %broadcast_in_dim3A_1339 = vector.broadcast %broadcast_in_dim3A_1338 : i32 to vector<16xi32>
    tpu.vector_store_idx %arg10[%add3A_1329, %broadcast_in_dim3A_1339], %bitcast3A_1337 : memref<64x16xi32, #tpu.memory_space<vmem>>[vector<16xi32>, vector<16xi32>], vector<16xi32>,
    %broadcast_in_dim3A_1340 = arith.constant 2 : i32
    %broadcast_in_dim3A_1341 = vector.broadcast %broadcast_in_dim3A_1340 : i32 to vector<16xi32>
    %broadcast_in_dim3A_1342 = arith.constant 3 : i32
    %broadcast_in_dim3A_1343 = vector.broadcast %broadcast_in_dim3A_1342 : i32 to vector<16xi32>
    %gather3A_1344 = tpu.vector_load_idx %arg9[%add3A_1329, %broadcast_in_dim3A_1341] : memref<64x32xf32, #tpu.memory_space<vmem>>[vector<16xi32>, vector<16xi32>], vector<16xf32>,
    %gather3A_1345 = tpu.vector_load_idx %arg9[%add3A_1329, %broadcast_in_dim3A_1343] : memref<64x32xf32, #tpu.memory_space<vmem>>[vector<16xi32>, vector<16xi32>], vector<16xf32>,
    %pack3A_1346 = tpu.pack_subelements %gather3A_1344, %gather3A_1345 {pack_format = #tpu.pack_format<interleaved>, positions = array<i32: 0, 1>} : vector<16xf32>, vector<16xf32> -> vector<32xbf16>
    %bitcast3A_1347 = vector.bitcast %pack3A_1346 : vector<32xbf16> to vector<16xi32>
    %broadcast_in_dim3A_1348 = arith.constant 1 : i32
    %broadcast_in_dim3A_1349 = vector.broadcast %broadcast_in_dim3A_1348 : i32 to vector<16xi32>
    tpu.vector_store_idx %arg10[%add3A_1329, %broadcast_in_dim3A_1349], %bitcast3A_1347 : memref<64x16xi32, #tpu.memory_space<vmem>>[vector<16xi32>, vector<16xi32>], vector<16xi32>,
    %broadcast_in_dim3A_1350 = arith.constant 4 : i32
    %broadcast_in_dim3A_1351 = vector.broadcast %broadcast_in_dim3A_1350 : i32 to vector<16xi32>
    %broadcast_in_dim3A_1352 = arith.constant 5 : i32
    %broadcast_in_dim3A_1353 = vector.broadcast %broadcast_in_dim3A_1352 : i32 to vector<16xi32>
    %gather3A_1354 = tpu.vector_load_idx %arg9[%add3A_1329, %broadcast_in_dim3A_1351] : memref<64x32xf32, #tpu.memory_space<vmem>>[vector<16xi32>, vector<16xi32>], vector<16xf32>,
    %gather3A_1355 = tpu.vector_load_idx %arg9[%add3A_1329, %broadcast_in_dim3A_1353] : memref<64x32xf32, #tpu.memory_space<vmem>>[vector<16xi32>, vector<16xi32>], vector<16xf32>,
    %pack3A_1356 = tpu.pack_subelements %gather3A_1354, %gather3A_1355 {pack_format = #tpu.pack_format<interleaved>, positions = array<i32: 0, 1>} : vector<16xf32>, vector<16xf32> -> vector<32xbf16>
    %bitcast3A_1357 = vector.bitcast %pack3A_1356 : vector<32xbf16> to vector<16xi32>
    %broadcast_in_dim3A_1358 = arith.constant 2 : i32
    %broadcast_in_dim3A_1359 = vector.broadcast %broadcast_in_dim3A_1358 : i32 to vector<16xi32>
    tpu.vector_store_idx %arg10[%add3A_1329, %broadcast_in_dim3A_1359], %bitcast3A_1357 : memref<64x16xi32, #tpu.memory_space<vmem>>[vector<16xi32>, vector<16xi32>], vector<16xi32>,
    %broadcast_in_dim3A_1360 = arith.constant 6 : i32
    %broadcast_in_dim3A_1361 = vector.broadcast %broadcast_in_dim3A_1360 : i32 to vector<16xi32>
    %broadcast_in_dim3A_1362 = arith.constant 7 : i32
    %broadcast_in_dim3A_1363 = vector.broadcast %broadcast_in_dim3A_1362 : i32 to vector<16xi32>
    %gather3A_1364 = tpu.vector_load_idx %arg9[%add3A_1329, %broadcast_in_dim3A_1361] : memref<64x32xf32, #tpu.memory_space<vmem>>[vector<16xi32>, vector<16xi32>], vector<16xf32>,
    %gather3A_1365 = tpu.vector_load_idx %arg9[%add3A_1329, %broadcast_in_dim3A_1363] : memref<64x32xf32, #tpu.memory_space<vmem>>[vector<16xi32>, vector<16xi32>], vector<16xf32>,
    %pack3A_1366 = tpu.pack_subelements %gather3A_1364, %gather3A_1365 {pack_format = #tpu.pack_format<interleaved>, positions = array<i32: 0, 1>} : vector<16xf32>, vector<16xf32> -> vector<32xbf16>
    %bitcast3A_1367 = vector.bitcast %pack3A_1366 : vector<32xbf16> to vector<16xi32>
    %broadcast_in_dim3A_1368 = arith.constant 3 : i32
    %broadcast_in_dim3A_1369 = vector.broadcast %broadcast_in_dim3A_1368 : i32 to vector<16xi32>
    tpu.vector_store_idx %arg10[%add3A_1329, %broadcast_in_dim3A_1369], %bitcast3A_1367 : memref<64x16xi32, #tpu.memory_space<vmem>>[vector<16xi32>, vector<16xi32>], vector<16xi32>,
    %broadcast_in_dim3A_1370 = arith.constant 8 : i32
    %broadcast_in_dim3A_1371 = vector.broadcast %broadcast_in_dim3A_1370 : i32 to vector<16xi32>
    %broadcast_in_dim3A_1372 = arith.constant 9 : i32
    %broadcast_in_dim3A_1373 = vector.broadcast %broadcast_in_dim3A_1372 : i32 to vector<16xi32>
    %gather3A_1374 = tpu.vector_load_idx %arg9[%add3A_1329, %broadcast_in_dim3A_1371] : memref<64x32xf32, #tpu.memory_space<vmem>>[vector<16xi32>, vector<16xi32>], vector<16xf32>,
    %gather3A_1375 = tpu.vector_load_idx %arg9[%add3A_1329, %broadcast_in_dim3A_1373] : memref<64x32xf32, #tpu.memory_space<vmem>>[vector<16xi32>, vector<16xi32>], vector<16xf32>,
    %pack3A_1376 = tpu.pack_subelements %gather3A_1374, %gather3A_1375 {pack_format = #tpu.pack_format<interleaved>, positions = array<i32: 0, 1>} : vector<16xf32>, vector<16xf32> -> vector<32xbf16>
    %bitcast3A_1377 = vector.bitcast %pack3A_1376 : vector<32xbf16> to vector<16xi32>
    %broadcast_in_dim3A_1378 = arith.constant 4 : i32
    %broadcast_in_dim3A_1379 = vector.broadcast %broadcast_in_dim3A_1378 : i32 to vector<16xi32>
    tpu.vector_store_idx %arg10[%add3A_1329, %broadcast_in_dim3A_1379], %bitcast3A_1377 : memref<64x16xi32, #tpu.memory_space<vmem>>[vector<16xi32>, vector<16xi32>], vector<16xi32>,
    %broadcast_in_dim3A_1380 = arith.constant 10 : i32
    %broadcast_in_dim3A_1381 = vector.broadcast %broadcast_in_dim3A_1380 : i32 to vector<16xi32>
    %broadcast_in_dim3A_1382 = arith.constant 11 : i32
    %broadcast_in_dim3A_1383 = vector.broadcast %broadcast_in_dim3A_1382 : i32 to vector<16xi32>
    %gather3A_1384 = tpu.vector_load_idx %arg9[%add3A_1329, %broadcast_in_dim3A_1381] : memref<64x32xf32, #tpu.memory_space<vmem>>[vector<16xi32>, vector<16xi32>], vector<16xf32>,
    %gather3A_1385 = tpu.vector_load_idx %arg9[%add3A_1329, %broadcast_in_dim3A_1383] : memref<64x32xf32, #tpu.memory_space<vmem>>[vector<16xi32>, vector<16xi32>], vector<16xf32>,
    %pack3A_1386 = tpu.pack_subelements %gather3A_1384, %gather3A_1385 {pack_format = #tpu.pack_format<interleaved>, positions = array<i32: 0, 1>} : vector<16xf32>, vector<16xf32> -> vector<32xbf16>
    %bitcast3A_1387 = vector.bitcast %pack3A_1386 : vector<32xbf16> to vector<16xi32>
    %broadcast_in_dim3A_1388 = arith.constant 5 : i32
    %broadcast_in_dim3A_1389 = vector.broadcast %broadcast_in_dim3A_1388 : i32 to vector<16xi32>
    tpu.vector_store_idx %arg10[%add3A_1329, %broadcast_in_dim3A_1389], %bitcast3A_1387 : memref<64x16xi32, #tpu.memory_space<vmem>>[vector<16xi32>, vector<16xi32>], vector<16xi32>,
    %broadcast_in_dim3A_1390 = arith.constant 12 : i32
    %broadcast_in_dim3A_1391 = vector.broadcast %broadcast_in_dim3A_1390 : i32 to vector<16xi32>
    %broadcast_in_dim3A_1392 = arith.constant 13 : i32
    %broadcast_in_dim3A_1393 = vector.broadcast %broadcast_in_dim3A_1392 : i32 to vector<16xi32>
    %gather3A_1394 = tpu.vector_load_idx %arg9[%add3A_1329, %broadcast_in_dim3A_1391] : memref<64x32xf32, #tpu.memory_space<vmem>>[vector<16xi32>, vector<16xi32>], vector<16xf32>,
    %gather3A_1395 = tpu.vector_load_idx %arg9[%add3A_1329, %broadcast_in_dim3A_1393] : memref<64x32xf32, #tpu.memory_space<vmem>>[vector<16xi32>, vector<16xi32>], vector<16xf32>,
    %pack3A_1396 = tpu.pack_subelements %gather3A_1394, %gather3A_1395 {pack_format = #tpu.pack_format<interleaved>, positions = array<i32: 0, 1>} : vector<16xf32>, vector<16xf32> -> vector<32xbf16>
    %bitcast3A_1397 = vector.bitcast %pack3A_1396 : vector<32xbf16> to vector<16xi32>
    %broadcast_in_dim3A_1398 = arith.constant 6 : i32
    %broadcast_in_dim3A_1399 = vector.broadcast %broadcast_in_dim3A_1398 : i32 to vector<16xi32>
    tpu.vector_store_idx %arg10[%add3A_1329, %broadcast_in_dim3A_1399], %bitcast3A_1397 : memref<64x16xi32, #tpu.memory_space<vmem>>[vector<16xi32>, vector<16xi32>], vector<16xi32>,
    %broadcast_in_dim3A_1400 = arith.constant 14 : i32
    %broadcast_in_dim3A_1401 = vector.broadcast %broadcast_in_dim3A_1400 : i32 to vector<16xi32>
    %broadcast_in_dim3A_1402 = arith.constant 15 : i32
    %broadcast_in_dim3A_1403 = vector.broadcast %broadcast_in_dim3A_1402 : i32 to vector<16xi32>
    %gather3A_1404 = tpu.vector_load_idx %arg9[%add3A_1329, %broadcast_in_dim3A_1401] : memref<64x32xf32, #tpu.memory_space<vmem>>[vector<16xi32>, vector<16xi32>], vector<16xf32>,
    %gather3A_1405 = tpu.vector_load_idx %arg9[%add3A_1329, %broadcast_in_dim3A_1403] : memref<64x32xf32, #tpu.memory_space<vmem>>[vector<16xi32>, vector<16xi32>], vector<16xf32>,
    %pack3A_1406 = tpu.pack_subelements %gather3A_1404, %gather3A_1405 {pack_format = #tpu.pack_format<interleaved>, positions = array<i32: 0, 1>} : vector<16xf32>, vector<16xf32> -> vector<32xbf16>
    %bitcast3A_1407 = vector.bitcast %pack3A_1406 : vector<32xbf16> to vector<16xi32>
    %broadcast_in_dim3A_1408 = arith.constant 7 : i32
    %broadcast_in_dim3A_1409 = vector.broadcast %broadcast_in_dim3A_1408 : i32 to vector<16xi32>
    tpu.vector_store_idx %arg10[%add3A_1329, %broadcast_in_dim3A_1409], %bitcast3A_1407 : memref<64x16xi32, #tpu.memory_space<vmem>>[vector<16xi32>, vector<16xi32>], vector<16xi32>,
    %broadcast_in_dim3A_1410 = arith.constant 16 : i32
    %broadcast_in_dim3A_1411 = vector.broadcast %broadcast_in_dim3A_1410 : i32 to vector<16xi32>
    %broadcast_in_dim3A_1412 = arith.constant 17 : i32
    %broadcast_in_dim3A_1413 = vector.broadcast %broadcast_in_dim3A_1412 : i32 to vector<16xi32>
    %gather3A_1414 = tpu.vector_load_idx %arg9[%add3A_1329, %broadcast_in_dim3A_1411] : memref<64x32xf32, #tpu.memory_space<vmem>>[vector<16xi32>, vector<16xi32>], vector<16xf32>,
    %gather3A_1415 = tpu.vector_load_idx %arg9[%add3A_1329, %broadcast_in_dim3A_1413] : memref<64x32xf32, #tpu.memory_space<vmem>>[vector<16xi32>, vector<16xi32>], vector<16xf32>,
    %pack3A_1416 = tpu.pack_subelements %gather3A_1414, %gather3A_1415 {pack_format = #tpu.pack_format<interleaved>, positions = array<i32: 0, 1>} : vector<16xf32>, vector<16xf32> -> vector<32xbf16>
    %bitcast3A_1417 = vector.bitcast %pack3A_1416 : vector<32xbf16> to vector<16xi32>
    %broadcast_in_dim3A_1418 = arith.constant 8 : i32
    %broadcast_in_dim3A_1419 = vector.broadcast %broadcast_in_dim3A_1418 : i32 to vector<16xi32>
    tpu.vector_store_idx %arg10[%add3A_1329, %broadcast_in_dim3A_1419], %bitcast3A_1417 : memref<64x16xi32, #tpu.memory_space<vmem>>[vector<16xi32>, vector<16xi32>], vector<16xi32>,
    %broadcast_in_dim3A_1420 = arith.constant 18 : i32
    %broadcast_in_dim3A_1421 = vector.broadcast %broadcast_in_dim3A_1420 : i32 to vector<16xi32>
    %broadcast_in_dim3A_1422 = arith.constant 19 : i32
    %broadcast_in_dim3A_1423 = vector.broadcast %broadcast_in_dim3A_1422 : i32 to vector<16xi32>
    %gather3A_1424 = tpu.vector_load_idx %arg9[%add3A_1329, %broadcast_in_dim3A_1421] : memref<64x32xf32, #tpu.memory_space<vmem>>[vector<16xi32>, vector<16xi32>], vector<16xf32>,
    %gather3A_1425 = tpu.vector_load_idx %arg9[%add3A_1329, %broadcast_in_dim3A_1423] : memref<64x32xf32, #tpu.memory_space<vmem>>[vector<16xi32>, vector<16xi32>], vector<16xf32>,
    %pack3A_1426 = tpu.pack_subelements %gather3A_1424, %gather3A_1425 {pack_format = #tpu.pack_format<interleaved>, positions = array<i32: 0, 1>} : vector<16xf32>, vector<16xf32> -> vector<32xbf16>
    %bitcast3A_1427 = vector.bitcast %pack3A_1426 : vector<32xbf16> to vector<16xi32>
    %broadcast_in_dim3A_1428 = arith.constant 9 : i32
    %broadcast_in_dim3A_1429 = vector.broadcast %broadcast_in_dim3A_1428 : i32 to vector<16xi32>
    tpu.vector_store_idx %arg10[%add3A_1329, %broadcast_in_dim3A_1429], %bitcast3A_1427 : memref<64x16xi32, #tpu.memory_space<vmem>>[vector<16xi32>, vector<16xi32>], vector<16xi32>,
    %broadcast_in_dim3A_1430 = arith.constant 20 : i32
    %broadcast_in_dim3A_1431 = vector.broadcast %broadcast_in_dim3A_1430 : i32 to vector<16xi32>
    %broadcast_in_dim3A_1432 = arith.constant 21 : i32
    %broadcast_in_dim3A_1433 = vector.broadcast %broadcast_in_dim3A_1432 : i32 to vector<16xi32>
    %gather3A_1434 = tpu.vector_load_idx %arg9[%add3A_1329, %broadcast_in_dim3A_1431] : memref<64x32xf32, #tpu.memory_space<vmem>>[vector<16xi32>, vector<16xi32>], vector<16xf32>,
    %gather3A_1435 = tpu.vector_load_idx %arg9[%add3A_1329, %broadcast_in_dim3A_1433] : memref<64x32xf32, #tpu.memory_space<vmem>>[vector<16xi32>, vector<16xi32>], vector<16xf32>,
    %pack3A_1436 = tpu.pack_subelements %gather3A_1434, %gather3A_1435 {pack_format = #tpu.pack_format<interleaved>, positions = array<i32: 0, 1>} : vector<16xf32>, vector<16xf32> -> vector<32xbf16>
    %bitcast3A_1437 = vector.bitcast %pack3A_1436 : vector<32xbf16> to vector<16xi32>
    %broadcast_in_dim3A_1438 = arith.constant 10 : i32
    %broadcast_in_dim3A_1439 = vector.broadcast %broadcast_in_dim3A_1438 : i32 to vector<16xi32>
    tpu.vector_store_idx %arg10[%add3A_1329, %broadcast_in_dim3A_1439], %bitcast3A_1437 : memref<64x16xi32, #tpu.memory_space<vmem>>[vector<16xi32>, vector<16xi32>], vector<16xi32>,
    %broadcast_in_dim3A_1440 = arith.constant 22 : i32
    %broadcast_in_dim3A_1441 = vector.broadcast %broadcast_in_dim3A_1440 : i32 to vector<16xi32>
    %broadcast_in_dim3A_1442 = arith.constant 23 : i32
    %broadcast_in_dim3A_1443 = vector.broadcast %broadcast_in_dim3A_1442 : i32 to vector<16xi32>
    %gather3A_1444 = tpu.vector_load_idx %arg9[%add3A_1329, %broadcast_in_dim3A_1441] : memref<64x32xf32, #tpu.memory_space<vmem>>[vector<16xi32>, vector<16xi32>], vector<16xf32>,
    %gather3A_1445 = tpu.vector_load_idx %arg9[%add3A_1329, %broadcast_in_dim3A_1443] : memref<64x32xf32, #tpu.memory_space<vmem>>[vector<16xi32>, vector<16xi32>], vector<16xf32>,
    %pack3A_1446 = tpu.pack_subelements %gather3A_1444, %gather3A_1445 {pack_format = #tpu.pack_format<interleaved>, positions = array<i32: 0, 1>} : vector<16xf32>, vector<16xf32> -> vector<32xbf16>
    %bitcast3A_1447 = vector.bitcast %pack3A_1446 : vector<32xbf16> to vector<16xi32>
    %broadcast_in_dim3A_1448 = arith.constant 11 : i32
    %broadcast_in_dim3A_1449 = vector.broadcast %broadcast_in_dim3A_1448 : i32 to vector<16xi32>
    tpu.vector_store_idx %arg10[%add3A_1329, %broadcast_in_dim3A_1449], %bitcast3A_1447 : memref<64x16xi32, #tpu.memory_space<vmem>>[vector<16xi32>, vector<16xi32>], vector<16xi32>,
    %broadcast_in_dim3A_1450 = arith.constant 24 : i32
    %broadcast_in_dim3A_1451 = vector.broadcast %broadcast_in_dim3A_1450 : i32 to vector<16xi32>
    %broadcast_in_dim3A_1452 = arith.constant 25 : i32
    %broadcast_in_dim3A_1453 = vector.broadcast %broadcast_in_dim3A_1452 : i32 to vector<16xi32>
    %gather3A_1454 = tpu.vector_load_idx %arg9[%add3A_1329, %broadcast_in_dim3A_1451] : memref<64x32xf32, #tpu.memory_space<vmem>>[vector<16xi32>, vector<16xi32>], vector<16xf32>,
    %gather3A_1455 = tpu.vector_load_idx %arg9[%add3A_1329, %broadcast_in_dim3A_1453] : memref<64x32xf32, #tpu.memory_space<vmem>>[vector<16xi32>, vector<16xi32>], vector<16xf32>,
    %pack3A_1456 = tpu.pack_subelements %gather3A_1454, %gather3A_1455 {pack_format = #tpu.pack_format<interleaved>, positions = array<i32: 0, 1>} : vector<16xf32>, vector<16xf32> -> vector<32xbf16>
    %bitcast3A_1457 = vector.bitcast %pack3A_1456 : vector<32xbf16> to vector<16xi32>
    %broadcast_in_dim3A_1458 = arith.constant 12 : i32
    %broadcast_in_dim3A_1459 = vector.broadcast %broadcast_in_dim3A_1458 : i32 to vector<16xi32>
    tpu.vector_store_idx %arg10[%add3A_1329, %broadcast_in_dim3A_1459], %bitcast3A_1457 : memref<64x16xi32, #tpu.memory_space<vmem>>[vector<16xi32>, vector<16xi32>], vector<16xi32>,
    %broadcast_in_dim3A_1460 = arith.constant 26 : i32
    %broadcast_in_dim3A_1461 = vector.broadcast %broadcast_in_dim3A_1460 : i32 to vector<16xi32>
    %broadcast_in_dim3A_1462 = arith.constant 27 : i32
    %broadcast_in_dim3A_1463 = vector.broadcast %broadcast_in_dim3A_1462 : i32 to vector<16xi32>
    %gather3A_1464 = tpu.vector_load_idx %arg9[%add3A_1329, %broadcast_in_dim3A_1461] : memref<64x32xf32, #tpu.memory_space<vmem>>[vector<16xi32>, vector<16xi32>], vector<16xf32>,
    %gather3A_1465 = tpu.vector_load_idx %arg9[%add3A_1329, %broadcast_in_dim3A_1463] : memref<64x32xf32, #tpu.memory_space<vmem>>[vector<16xi32>, vector<16xi32>], vector<16xf32>,
    %pack3A_1466 = tpu.pack_subelements %gather3A_1464, %gather3A_1465 {pack_format = #tpu.pack_format<interleaved>, positions = array<i32: 0, 1>} : vector<16xf32>, vector<16xf32> -> vector<32xbf16>
    %bitcast3A_1467 = vector.bitcast %pack3A_1466 : vector<32xbf16> to vector<16xi32>
    %broadcast_in_dim3A_1468 = arith.constant 13 : i32
    %broadcast_in_dim3A_1469 = vector.broadcast %broadcast_in_dim3A_1468 : i32 to vector<16xi32>
    tpu.vector_store_idx %arg10[%add3A_1329, %broadcast_in_dim3A_1469], %bitcast3A_1467 : memref<64x16xi32, #tpu.memory_space<vmem>>[vector<16xi32>, vector<16xi32>], vector<16xi32>,
    %broadcast_in_dim3A_1470 = arith.constant 28 : i32
    %broadcast_in_dim3A_1471 = vector.broadcast %broadcast_in_dim3A_1470 : i32 to vector<16xi32>
    %broadcast_in_dim3A_1472 = arith.constant 29 : i32
    %broadcast_in_dim3A_1473 = vector.broadcast %broadcast_in_dim3A_1472 : i32 to vector<16xi32>
    %gather3A_1474 = tpu.vector_load_idx %arg9[%add3A_1329, %broadcast_in_dim3A_1471] : memref<64x32xf32, #tpu.memory_space<vmem>>[vector<16xi32>, vector<16xi32>], vector<16xf32>,
    %gather3A_1475 = tpu.vector_load_idx %arg9[%add3A_1329, %broadcast_in_dim3A_1473] : memref<64x32xf32, #tpu.memory_space<vmem>>[vector<16xi32>, vector<16xi32>], vector<16xf32>,
    %pack3A_1476 = tpu.pack_subelements %gather3A_1474, %gather3A_1475 {pack_format = #tpu.pack_format<interleaved>, positions = array<i32: 0, 1>} : vector<16xf32>, vector<16xf32> -> vector<32xbf16>
    %bitcast3A_1477 = vector.bitcast %pack3A_1476 : vector<32xbf16> to vector<16xi32>
    %broadcast_in_dim3A_1478 = arith.constant 14 : i32
    %broadcast_in_dim3A_1479 = vector.broadcast %broadcast_in_dim3A_1478 : i32 to vector<16xi32>
    tpu.vector_store_idx %arg10[%add3A_1329, %broadcast_in_dim3A_1479], %bitcast3A_1477 : memref<64x16xi32, #tpu.memory_space<vmem>>[vector<16xi32>, vector<16xi32>], vector<16xi32>,
    %broadcast_in_dim3A_1480 = arith.constant 30 : i32
    %broadcast_in_dim3A_1481 = vector.broadcast %broadcast_in_dim3A_1480 : i32 to vector<16xi32>
    %broadcast_in_dim3A_1482 = arith.constant 31 : i32
    %broadcast_in_dim3A_1483 = vector.broadcast %broadcast_in_dim3A_1482 : i32 to vector<16xi32>
    %gather3A_1484 = tpu.vector_load_idx %arg9[%add3A_1329, %broadcast_in_dim3A_1481] : memref<64x32xf32, #tpu.memory_space<vmem>>[vector<16xi32>, vector<16xi32>], vector<16xf32>,
    %gather3A_1485 = tpu.vector_load_idx %arg9[%add3A_1329, %broadcast_in_dim3A_1483] : memref<64x32xf32, #tpu.memory_space<vmem>>[vector<16xi32>, vector<16xi32>], vector<16xf32>,
    %pack3A_1486 = tpu.pack_subelements %gather3A_1484, %gather3A_1485 {pack_format = #tpu.pack_format<interleaved>, positions = array<i32: 0, 1>} : vector<16xf32>, vector<16xf32> -> vector<32xbf16>
    %bitcast3A_1487 = vector.bitcast %pack3A_1486 : vector<32xbf16> to vector<16xi32>
    %broadcast_in_dim3A_1488 = arith.constant 15 : i32
    %broadcast_in_dim3A_1489 = vector.broadcast %broadcast_in_dim3A_1488 : i32 to vector<16xi32>
    tpu.vector_store_idx %arg10[%add3A_1329, %broadcast_in_dim3A_1489], %bitcast3A_1487 : memref<64x16xi32, #tpu.memory_space<vmem>>[vector<16xi32>, vector<16xi32>], vector<16xi32>,
    %mul3A_1490 = arith.constant 64 : i32
    %mul3A_1491 = arith.muli %arg1, %mul3A_1490 : i32
    "tpu.region"() ({
      %run_scoped3A = tpu.sem_alloc : memref<!tpu.dma_semaphore, #tpu.memory_space<semaphore_mem>>
      %dma_start3A_1508 = arith.constant 0 : i32
      %dma_start3A_1509 = tpu.memref_slice %arg19[%mul3A_1491, %dma_start3A_1508] : memref<1024x16xi32, #tpu.memory_space<vmem_shared>> -> memref<64x16xi32, #tpu.memory_space<vmem_shared>>
      %dma_start3A_1510 = arith.constant 0 : i32
      %dma_start3A_1511 = tpu.memref_slice %arg19[%mul3A_1491, %dma_start3A_1510] : memref<1024x16xi32, #tpu.memory_space<vmem_shared>> -> memref<64x16xi32, #tpu.memory_space<vmem_shared>>
      tpu.enqueue_dma source(%arg10 : memref<64x16xi32, #tpu.memory_space<vmem>>) target(%dma_start3A_1511 : memref<64x16xi32, #tpu.memory_space<vmem_shared>>) target_semaphore(%run_scoped3A : memref<!tpu.dma_semaphore, #tpu.memory_space<semaphore_mem>>)
      %dma_wait3A_1512 = arith.constant 0 : i32
      %dma_wait3A_1513 = tpu.memref_slice %arg19[%mul3A_1491, %dma_wait3A_1512] : memref<1024x16xi32, #tpu.memory_space<vmem_shared>> -> memref<64x16xi32, #tpu.memory_space<vmem_shared>>
      %dma_wait3A_1514 = arith.constant 0 : i32
      %dma_wait3A_1515 = tpu.memref_slice %arg19[%mul3A_1491, %dma_wait3A_1514] : memref<1024x16xi32, #tpu.memory_space<vmem_shared>> -> memref<64x16xi32, #tpu.memory_space<vmem_shared>>
      tpu.wait_dma2 semaphore(%run_scoped3A : memref<!tpu.dma_semaphore, #tpu.memory_space<semaphore_mem>>) src(%arg10 : memref<64x16xi32, #tpu.memory_space<vmem>>) dst(%dma_wait3A_1515 : memref<64x16xi32, #tpu.memory_space<vmem_shared>>)
      tpu.yield
    }) : () -> ()
    %barrier3A_1492 = arith.constant 0 : index
    tpu.barrier barrier_id(%barrier3A_1492)
    "tpu.region"() ({
      %run_scoped3A = tpu.sem_alloc : memref<!tpu.dma_semaphore, #tpu.memory_space<semaphore_mem>>
      tpu.enqueue_dma source(%arg19 : memref<1024x16xi32, #tpu.memory_space<vmem_shared>>) target(%arg11 : memref<1024x16xi32, #tpu.memory_space<vmem>>) target_semaphore(%run_scoped3A : memref<!tpu.dma_semaphore, #tpu.memory_space<semaphore_mem>>)
      tpu.wait_dma2 semaphore(%run_scoped3A : memref<!tpu.dma_semaphore, #tpu.memory_space<semaphore_mem>>) src(%arg19 : memref<1024x16xi32, #tpu.memory_space<vmem_shared>>) dst(%arg11 : memref<1024x16xi32, #tpu.memory_space<vmem>>)
      tpu.yield
    }) : () -> ()
    "tpu.region"() ({
      %run_scoped3A = tpu.sem_alloc : memref<!tpu.dma_semaphore, #tpu.memory_space<semaphore_mem>>
      tpu.enqueue_dma source(%arg18 : memref<1024xf32, #tpu.memory_space<vmem_shared>>) target(%arg12 : memref<1024xf32, #tpu.memory_space<vmem>>) target_semaphore(%run_scoped3A : memref<!tpu.dma_semaphore, #tpu.memory_space<semaphore_mem>>)
      tpu.wait_dma2 semaphore(%run_scoped3A : memref<!tpu.dma_semaphore, #tpu.memory_space<semaphore_mem>>) src(%arg18 : memref<1024xf32, #tpu.memory_space<vmem_shared>>) dst(%arg12 : memref<1024xf32, #tpu.memory_space<vmem>>)
      tpu.yield
    }) : () -> ()
    %dma_wait3A_1493 = arith.constant 0 : i32
    %dma_wait3A_1494 = tpu.memref_slice %arg3[%mul3A_0, %dma_wait3A_1493] : memref<16384x16xi32, #tpu.memory_space<hbm>> -> memref<1024x16xi32, #tpu.memory_space<hbm>>
    %dma_wait3A_1495 = arith.constant 0 : i32
    %dma_wait3A_1496 = tpu.memref_slice %arg3[%mul3A_0, %dma_wait3A_1495] : memref<16384x16xi32, #tpu.memory_space<hbm>> -> memref<1024x16xi32, #tpu.memory_space<hbm>>
    tpu.wait_dma2 semaphore(%arg21 : memref<!tpu.dma_semaphore, #tpu.memory_space<semaphore_mem>>) src(%dma_wait3A_1496 : memref<1024x16xi32, #tpu.memory_space<hbm>>) dst(%arg7 : memref<1024x16xi32, #tpu.memory_space<vmem>>)
    %broadcast_in_dim3A_1497 = arith.constant 0.000000e+00 : f32
    %broadcast_in_dim3A_1498 = vector.broadcast %broadcast_in_dim3A_1497 : f32 to vector<16xf32>
    %scan3A = arith.constant 0 : i32
    %scan3A_1499 = arith.constant 64 : i32
    %scan3A_1500 = arith.addi %scan3A, %scan3A_1499 : i32
    %scan3A_1501 = arith.constant 1 : i32
    %scan3A_1502 = scf.for %scan3A_1508 = %scan3A to %scan3A_1500 step %scan3A_1501 iter_args(%scan3A_1509 = %broadcast_in_dim3A_1498) -> (vector<16xf32>)  : i32 {
      %mul3A_1510 = arith.constant 16 : i32
      %mul3A_1511 = arith.muli %scan3A_1508, %mul3A_1510 : i32
      %add3A_1512 = vector.broadcast %mul3A_1511 : i32 to vector<16xi32>
      %add3A_1513 = arith.addi %add3A_1512, %iota3A : vector<16xi32>
      %shift_right_logical3A = arith.constant 7 : i32
      %shift_right_logical3A_1514 = vector.broadcast %shift_right_logical3A : i32 to vector<16xi32>
      %shift_right_logical3A_1515 = arith.shrui %add3A_1513, %shift_right_logical3A_1514 : vector<16xi32>
      %and3A = arith.constant 127 : i32
      %and3A_1516 = vector.broadcast %and3A : i32 to vector<16xi32>
      %and3A_1517 = arith.andi %add3A_1513, %and3A_1516 : vector<16xi32>
      %gather3A_1518 = tpu.vector_load_idx %arg8[%shift_right_logical3A_1515, %and3A_1517] : memref<8x128xi32, #tpu.memory_space<vmem>>[vector<16xi32>, vector<16xi32>], vector<16xi32>,
      %gather3A_1519 = tpu.vector_load_idx %arg12[%gather3A_1518] : memref<1024xf32, #tpu.memory_space<vmem>>[vector<16xi32>], vector<16xf32>,
      %max3A = arith.constant 1.000000e+00 : f32
      %max3A_1520 = vector.broadcast %max3A : f32 to vector<16xf32>
      %max3A_1521 = arith.maximumf %gather3A_1519, %max3A_1520 : vector<16xf32>
      %div3A = arith.constant 1.000000e+00 : f32
      %div3A_1522 = vector.broadcast %div3A : f32 to vector<16xf32>
      %div3A_1523 = arith.divf %div3A_1522, %max3A_1521 : vector<16xf32>
      %broadcast_in_dim3A_1524 = arith.constant 0.000000e+00 : f32
      %broadcast_in_dim3A_1525 = vector.broadcast %broadcast_in_dim3A_1524 : f32 to vector<16xf32>
      %broadcast_in_dim3A_1526 = arith.constant 0.000000e+00 : f32
      %broadcast_in_dim3A_1527 = vector.broadcast %broadcast_in_dim3A_1526 : f32 to vector<16xf32>
      %scan3A_1528 = arith.constant 0 : i32
      %scan3A_1529 = arith.constant 4 : i32
      %scan3A_1530 = arith.addi %scan3A_1528, %scan3A_1529 : i32
      %scan3A_1531 = arith.constant 1 : i32
      %scan3A_1532:2 = scf.for %scan3A_1575 = %scan3A_1528 to %scan3A_1530 step %scan3A_1531 iter_args(%scan3A_1576 = %broadcast_in_dim3A_1525, %scan3A_1577 = %broadcast_in_dim3A_1527) -> (vector<16xf32>, vector<16xf32>)  : i32 {
        %mul3A_1578 = arith.constant 4 : i32
        %mul3A_1579 = arith.muli %scan3A_1575, %mul3A_1578 : i32
        %broadcast_in_dim3A_1580 = arith.constant 0 : i32
        %broadcast_in_dim3A_1581 = vector.broadcast %broadcast_in_dim3A_1580 : i32 to vector<16xi32>
        %add3A_1582 = arith.constant 0 : i32
        %add3A_1583 = arith.addi %mul3A_1579, %add3A_1582 : i32
        %add3A_1584 = vector.broadcast %add3A_1583 : i32 to vector<16xi32>
        %add3A_1585 = arith.addi %broadcast_in_dim3A_1581, %add3A_1584 : vector<16xi32>
        %gather3A_1586 = tpu.vector_load_idx %arg7[%add3A_1513, %add3A_1585] : memref<1024x16xi32, #tpu.memory_space<vmem>>[vector<16xi32>, vector<16xi32>], vector<16xi32>,
        %gather3A_1587 = tpu.vector_load_idx %arg11[%gather3A_1518, %add3A_1585] : memref<1024x16xi32, #tpu.memory_space<vmem>>[vector<16xi32>, vector<16xi32>], vector<16xi32>,
        %bitcast3A_1588 = vector.bitcast %gather3A_1586 : vector<16xi32> to vector<32xbf16>
        %unpack3A = tpu.unpack_subelements %bitcast3A_1588, 0 {pack_format = #tpu.pack_format<interleaved>} : vector<32xbf16> -> vector<16xf32>
        %unpack3A_1589 = tpu.unpack_subelements %bitcast3A_1588, 1 {pack_format = #tpu.pack_format<interleaved>} : vector<32xbf16> -> vector<16xf32>
        %bitcast3A_1590 = vector.bitcast %gather3A_1587 : vector<16xi32> to vector<32xbf16>
        %unpack3A_1591 = tpu.unpack_subelements %bitcast3A_1590, 0 {pack_format = #tpu.pack_format<interleaved>} : vector<32xbf16> -> vector<16xf32>
        %unpack3A_1592 = tpu.unpack_subelements %bitcast3A_1590, 1 {pack_format = #tpu.pack_format<interleaved>} : vector<32xbf16> -> vector<16xf32>
        %mul3A_1593 = arith.mulf %div3A_1523, %unpack3A_1591 : vector<16xf32>
        %sub3A_1594 = arith.subf %unpack3A, %mul3A_1593 : vector<16xf32>
        %mul3A_1595 = arith.mulf %div3A_1523, %unpack3A_1592 : vector<16xf32>
        %sub3A_1596 = arith.subf %unpack3A_1589, %mul3A_1595 : vector<16xf32>
        %mul3A_1597 = arith.mulf %sub3A_1594, %sub3A_1594 : vector<16xf32>
        %add3A_1598 = arith.addf %scan3A_1576, %mul3A_1597 : vector<16xf32>
        %mul3A_1599 = arith.mulf %sub3A_1596, %sub3A_1596 : vector<16xf32>
        %add3A_1600 = arith.addf %scan3A_1577, %mul3A_1599 : vector<16xf32>
        %broadcast_in_dim3A_1601 = arith.constant 0 : i32
        %broadcast_in_dim3A_1602 = vector.broadcast %broadcast_in_dim3A_1601 : i32 to vector<16xi32>
        %add3A_1603 = arith.constant 1 : i32
        %add3A_1604 = arith.addi %mul3A_1579, %add3A_1603 : i32
        %add3A_1605 = vector.broadcast %add3A_1604 : i32 to vector<16xi32>
        %add3A_1606 = arith.addi %broadcast_in_dim3A_1602, %add3A_1605 : vector<16xi32>
        %gather3A_1607 = tpu.vector_load_idx %arg7[%add3A_1513, %add3A_1606] : memref<1024x16xi32, #tpu.memory_space<vmem>>[vector<16xi32>, vector<16xi32>], vector<16xi32>,
        %gather3A_1608 = tpu.vector_load_idx %arg11[%gather3A_1518, %add3A_1606] : memref<1024x16xi32, #tpu.memory_space<vmem>>[vector<16xi32>, vector<16xi32>], vector<16xi32>,
        %bitcast3A_1609 = vector.bitcast %gather3A_1607 : vector<16xi32> to vector<32xbf16>
        %unpack3A_1610 = tpu.unpack_subelements %bitcast3A_1609, 0 {pack_format = #tpu.pack_format<interleaved>} : vector<32xbf16> -> vector<16xf32>
        %unpack3A_1611 = tpu.unpack_subelements %bitcast3A_1609, 1 {pack_format = #tpu.pack_format<interleaved>} : vector<32xbf16> -> vector<16xf32>
        %bitcast3A_1612 = vector.bitcast %gather3A_1608 : vector<16xi32> to vector<32xbf16>
        %unpack3A_1613 = tpu.unpack_subelements %bitcast3A_1612, 0 {pack_format = #tpu.pack_format<interleaved>} : vector<32xbf16> -> vector<16xf32>
        %unpack3A_1614 = tpu.unpack_subelements %bitcast3A_1612, 1 {pack_format = #tpu.pack_format<interleaved>} : vector<32xbf16> -> vector<16xf32>
        %mul3A_1615 = arith.mulf %div3A_1523, %unpack3A_1613 : vector<16xf32>
        %sub3A_1616 = arith.subf %unpack3A_1610, %mul3A_1615 : vector<16xf32>
        %mul3A_1617 = arith.mulf %div3A_1523, %unpack3A_1614 : vector<16xf32>
        %sub3A_1618 = arith.subf %unpack3A_1611, %mul3A_1617 : vector<16xf32>
        %mul3A_1619 = arith.mulf %sub3A_1616, %sub3A_1616 : vector<16xf32>
        %add3A_1620 = arith.addf %add3A_1598, %mul3A_1619 : vector<16xf32>
        %mul3A_1621 = arith.mulf %sub3A_1618, %sub3A_1618 : vector<16xf32>
        %add3A_1622 = arith.addf %add3A_1600, %mul3A_1621 : vector<16xf32>
        %broadcast_in_dim3A_1623 = arith.constant 0 : i32
        %broadcast_in_dim3A_1624 = vector.broadcast %broadcast_in_dim3A_1623 : i32 to vector<16xi32>
        %add3A_1625 = arith.constant 2 : i32
        %add3A_1626 = arith.addi %mul3A_1579, %add3A_1625 : i32
        %add3A_1627 = vector.broadcast %add3A_1626 : i32 to vector<16xi32>
        %add3A_1628 = arith.addi %broadcast_in_dim3A_1624, %add3A_1627 : vector<16xi32>
        %gather3A_1629 = tpu.vector_load_idx %arg7[%add3A_1513, %add3A_1628] : memref<1024x16xi32, #tpu.memory_space<vmem>>[vector<16xi32>, vector<16xi32>], vector<16xi32>,
        %gather3A_1630 = tpu.vector_load_idx %arg11[%gather3A_1518, %add3A_1628] : memref<1024x16xi32, #tpu.memory_space<vmem>>[vector<16xi32>, vector<16xi32>], vector<16xi32>,
        %bitcast3A_1631 = vector.bitcast %gather3A_1629 : vector<16xi32> to vector<32xbf16>
        %unpack3A_1632 = tpu.unpack_subelements %bitcast3A_1631, 0 {pack_format = #tpu.pack_format<interleaved>} : vector<32xbf16> -> vector<16xf32>
        %unpack3A_1633 = tpu.unpack_subelements %bitcast3A_1631, 1 {pack_format = #tpu.pack_format<interleaved>} : vector<32xbf16> -> vector<16xf32>
        %bitcast3A_1634 = vector.bitcast %gather3A_1630 : vector<16xi32> to vector<32xbf16>
        %unpack3A_1635 = tpu.unpack_subelements %bitcast3A_1634, 0 {pack_format = #tpu.pack_format<interleaved>} : vector<32xbf16> -> vector<16xf32>
        %unpack3A_1636 = tpu.unpack_subelements %bitcast3A_1634, 1 {pack_format = #tpu.pack_format<interleaved>} : vector<32xbf16> -> vector<16xf32>
        %mul3A_1637 = arith.mulf %div3A_1523, %unpack3A_1635 : vector<16xf32>
        %sub3A_1638 = arith.subf %unpack3A_1632, %mul3A_1637 : vector<16xf32>
        %mul3A_1639 = arith.mulf %div3A_1523, %unpack3A_1636 : vector<16xf32>
        %sub3A_1640 = arith.subf %unpack3A_1633, %mul3A_1639 : vector<16xf32>
        %mul3A_1641 = arith.mulf %sub3A_1638, %sub3A_1638 : vector<16xf32>
        %add3A_1642 = arith.addf %add3A_1620, %mul3A_1641 : vector<16xf32>
        %mul3A_1643 = arith.mulf %sub3A_1640, %sub3A_1640 : vector<16xf32>
        %add3A_1644 = arith.addf %add3A_1622, %mul3A_1643 : vector<16xf32>
        %broadcast_in_dim3A_1645 = arith.constant 0 : i32
        %broadcast_in_dim3A_1646 = vector.broadcast %broadcast_in_dim3A_1645 : i32 to vector<16xi32>
        %add3A_1647 = arith.constant 3 : i32
        %add3A_1648 = arith.addi %mul3A_1579, %add3A_1647 : i32
        %add3A_1649 = vector.broadcast %add3A_1648 : i32 to vector<16xi32>
        %add3A_1650 = arith.addi %broadcast_in_dim3A_1646, %add3A_1649 : vector<16xi32>
        %gather3A_1651 = tpu.vector_load_idx %arg7[%add3A_1513, %add3A_1650] : memref<1024x16xi32, #tpu.memory_space<vmem>>[vector<16xi32>, vector<16xi32>], vector<16xi32>,
        %gather3A_1652 = tpu.vector_load_idx %arg11[%gather3A_1518, %add3A_1650] : memref<1024x16xi32, #tpu.memory_space<vmem>>[vector<16xi32>, vector<16xi32>], vector<16xi32>,
        %bitcast3A_1653 = vector.bitcast %gather3A_1651 : vector<16xi32> to vector<32xbf16>
        %unpack3A_1654 = tpu.unpack_subelements %bitcast3A_1653, 0 {pack_format = #tpu.pack_format<interleaved>} : vector<32xbf16> -> vector<16xf32>
        %unpack3A_1655 = tpu.unpack_subelements %bitcast3A_1653, 1 {pack_format = #tpu.pack_format<interleaved>} : vector<32xbf16> -> vector<16xf32>
        %bitcast3A_1656 = vector.bitcast %gather3A_1652 : vector<16xi32> to vector<32xbf16>
        %unpack3A_1657 = tpu.unpack_subelements %bitcast3A_1656, 0 {pack_format = #tpu.pack_format<interleaved>} : vector<32xbf16> -> vector<16xf32>
        %unpack3A_1658 = tpu.unpack_subelements %bitcast3A_1656, 1 {pack_format = #tpu.pack_format<interleaved>} : vector<32xbf16> -> vector<16xf32>
        %mul3A_1659 = arith.mulf %div3A_1523, %unpack3A_1657 : vector<16xf32>
        %sub3A_1660 = arith.subf %unpack3A_1654, %mul3A_1659 : vector<16xf32>
        %mul3A_1661 = arith.mulf %div3A_1523, %unpack3A_1658 : vector<16xf32>
        %sub3A_1662 = arith.subf %unpack3A_1655, %mul3A_1661 : vector<16xf32>
        %mul3A_1663 = arith.mulf %sub3A_1660, %sub3A_1660 : vector<16xf32>
        %add3A_1664 = arith.addf %add3A_1642, %mul3A_1663 : vector<16xf32>
        %mul3A_1665 = arith.mulf %sub3A_1662, %sub3A_1662 : vector<16xf32>
        %add3A_1666 = arith.addf %add3A_1644, %mul3A_1665 : vector<16xf32>
        scf.yield %add3A_1664, %add3A_1666 : vector<16xf32>, vector<16xf32>
      }
      %scan3A_1533 = arith.constant 4 : i32
      %add3A_1534 = arith.addf %scan3A_1532#0, %scan3A_1532#1 : vector<16xf32>
      %bitcast3A_1535 = vector.bitcast %add3A_1534 : vector<16xf32> to vector<16xi32>
      %shift_right_logical3A_1536 = arith.constant 1 : i32
      %shift_right_logical3A_1537 = vector.broadcast %shift_right_logical3A_1536 : i32 to vector<16xi32>
      %shift_right_logical3A_1538 = arith.shrui %bitcast3A_1535, %shift_right_logical3A_1537 : vector<16xi32>
      %sub3A = arith.constant 1597463007 : i32
      %sub3A_1539 = vector.broadcast %sub3A : i32 to vector<16xi32>
      %sub3A_1540 = arith.subi %sub3A_1539, %shift_right_logical3A_1538 : vector<16xi32>
      %bitcast3A_1541 = vector.bitcast %sub3A_1540 : vector<16xi32> to vector<16xf32>
      %mul3A_1542 = arith.constant 5.000000e-01 : f32
      %mul3A_1543 = vector.broadcast %mul3A_1542 : f32 to vector<16xf32>
      %mul3A_1544 = arith.mulf %mul3A_1543, %add3A_1534 : vector<16xf32>
      %mul3A_1545 = arith.mulf %mul3A_1544, %bitcast3A_1541 : vector<16xf32>
      %mul3A_1546 = arith.mulf %mul3A_1545, %bitcast3A_1541 : vector<16xf32>
      %sub3A_1547 = arith.constant 1.500000e+00 : f32
      %sub3A_1548 = vector.broadcast %sub3A_1547 : f32 to vector<16xf32>
      %sub3A_1549 = arith.subf %sub3A_1548, %mul3A_1546 : vector<16xf32>
      %mul3A_1550 = arith.mulf %bitcast3A_1541, %sub3A_1549 : vector<16xf32>
      %mul3A_1551 = arith.constant 5.000000e-01 : f32
      %mul3A_1552 = vector.broadcast %mul3A_1551 : f32 to vector<16xf32>
      %mul3A_1553 = arith.mulf %mul3A_1552, %add3A_1534 : vector<16xf32>
      %mul3A_1554 = arith.mulf %mul3A_1553, %mul3A_1550 : vector<16xf32>
      %mul3A_1555 = arith.mulf %mul3A_1554, %mul3A_1550 : vector<16xf32>
      %sub3A_1556 = arith.constant 1.500000e+00 : f32
      %sub3A_1557 = vector.broadcast %sub3A_1556 : f32 to vector<16xf32>
      %sub3A_1558 = arith.subf %sub3A_1557, %mul3A_1555 : vector<16xf32>
      %mul3A_1559 = arith.mulf %mul3A_1550, %sub3A_1558 : vector<16xf32>
      %mul3A_1560 = arith.constant 5.000000e-01 : f32
      %mul3A_1561 = vector.broadcast %mul3A_1560 : f32 to vector<16xf32>
      %mul3A_1562 = arith.mulf %mul3A_1561, %add3A_1534 : vector<16xf32>
      %mul3A_1563 = arith.mulf %mul3A_1562, %mul3A_1559 : vector<16xf32>
      %mul3A_1564 = arith.mulf %mul3A_1563, %mul3A_1559 : vector<16xf32>
      %sub3A_1565 = arith.constant 1.500000e+00 : f32
      %sub3A_1566 = vector.broadcast %sub3A_1565 : f32 to vector<16xf32>
      %sub3A_1567 = arith.subf %sub3A_1566, %mul3A_1564 : vector<16xf32>
      %mul3A_1568 = arith.mulf %mul3A_1559, %sub3A_1567 : vector<16xf32>
      %gt3A = arith.constant 0.000000e+00 : f32
      %gt3A_1569 = vector.broadcast %gt3A : f32 to vector<16xf32>
      %gt3A_1570 = arith.cmpf ogt, %add3A_1534, %gt3A_1569 : vector<16xf32>
      %mul3A_1571 = arith.mulf %add3A_1534, %mul3A_1568 : vector<16xf32>
      %jit3A = arith.constant 0.000000e+00 : f32
      %broadcast_in_dim3A_1572 = vector.broadcast %jit3A : f32 to vector<16xf32>
      %select_n3A = arith.select %gt3A_1570, %mul3A_1571, %broadcast_in_dim3A_1572 : vector<16xi1>, vector<16xf32>
      %mul3A_1573 = arith.mulf %select_n3A, %div3A_1523 : vector<16xf32>
      %add3A_1574 = arith.addf %scan3A_1509, %mul3A_1573 : vector<16xf32>
      scf.yield %add3A_1574 : vector<16xf32>
    }
    %scan3A_1503 = arith.constant 64 : i32
    %swap3A_1504 = arith.constant 0 : index
    %swap3A_1505 = tpu.vector_load %arg16[%swap3A_1504] {strides = array<i32>} : memref<16xf32, #tpu.memory_space<vmem>>, vector<16xf32>,
    tpu.vector_store %arg16[%swap3A_1504], %scan3A_1502 {strides = array<i32>} : memref<16xf32, #tpu.memory_space<vmem>>, vector<16xf32>,
    %mul3A_1506 = arith.constant 16 : i32
    %mul3A_1507 = arith.muli %arg1, %mul3A_1506 : i32
    "tpu.region"() ({
      %run_scoped3A = tpu.sem_alloc : memref<!tpu.dma_semaphore, #tpu.memory_space<semaphore_mem>>
      %dma_start3A_1508 = tpu.memref_slice %arg5[%mul3A_1507] : memref<256xf32, #tpu.memory_space<hbm>> -> memref<16xf32, #tpu.memory_space<hbm>>
      %dma_start3A_1509 = tpu.memref_slice %arg5[%mul3A_1507] : memref<256xf32, #tpu.memory_space<hbm>> -> memref<16xf32, #tpu.memory_space<hbm>>
      tpu.enqueue_dma source(%arg16 : memref<16xf32, #tpu.memory_space<vmem>>) target(%dma_start3A_1509 : memref<16xf32, #tpu.memory_space<hbm>>) target_semaphore(%run_scoped3A : memref<!tpu.dma_semaphore, #tpu.memory_space<semaphore_mem>>)
      %dma_wait3A_1510 = tpu.memref_slice %arg5[%mul3A_1507] : memref<256xf32, #tpu.memory_space<hbm>> -> memref<16xf32, #tpu.memory_space<hbm>>
      %dma_wait3A_1511 = tpu.memref_slice %arg5[%mul3A_1507] : memref<256xf32, #tpu.memory_space<hbm>> -> memref<16xf32, #tpu.memory_space<hbm>>
      tpu.wait_dma2 semaphore(%run_scoped3A : memref<!tpu.dma_semaphore, #tpu.memory_space<semaphore_mem>>) src(%arg16 : memref<16xf32, #tpu.memory_space<vmem>>) dst(%dma_wait3A_1511 : memref<16xf32, #tpu.memory_space<hbm>>)
      tpu.yield
    }) : () -> ()
    return
  }
}

</mosaic_0001>

<sc_bundles>
// kernel: _center_loss_sc.3.cloned.1.call-start
scs
__scs_entry_jumppad:
0x0: {  	(pc) =	sbr.rel $0x88, $3  }
0x1: {  	(tag) =	ssettag $0x0;
	lr =	simm.s32 $0x1  }
0x2: {  	[smem:$0x3F9E] =	sst lr;
	_ =	strace $0xD0000000  }
0x3: {  	_ = 	snop  }
0x4: {  	_ = 	snop  }
0x5: {  	_ = 	snop  }
0x6: {  	_ = 	snop  }
0x7: {  	_ = 	snop  }
__scs_overlays_trampoline_lowered:
0x8: {  	[smem:$0x3FAD] =	sst s0  }
0x9: {  	[smem:$0x3FAE] =	sst s1  }
0xa: {  	[smem:$0x3FAF] =	sst s2  }
0xb: {  	[smem:$0x3FB0] =	sst s3  }
0xc: {  	[smem:$0x3FB1] =	sst s4  }
0xd: {  	[smem:$0x3FB2] =	sst s5  }
0xe: {  	[smem:$0x3FB3] =	sst s6  }
0xf: {  	[smem:$0x3FB4] =	sst s7  }
0x10: {  	[smem:$0x3FB5] =	sst s8  }
0x11: {  	[smem:$0x3FB6] =	sst s9;
	s0 =	simm.s32 @!p0 $0x0  }
0x12: {  	s1 =	sld [smem:$0x3F9C];
	s0 =	simm.s32 @p0 $0x1  }
0x13: {  	[smem:$0x3FB7] =	sst s0;
	s0 =	simm.s32 @!p1 $0x0  }
0x14: {  	s2 =	sld [smem:$0x3F9B];
	s0 =	simm.s32 @p1 $0x1  }
0x15: {  	[smem:$0x3FB8] =	sst s0;
	s0 =	simm.s32 @!p2 $0x0  }
0x16: {  	s3 =	sld [smem:$0x3FDB];
	s0 =	simm.s32 @p2 $0x1  }
0x17: {  	s4 =	simm.s32 $0x1BF5;
	[smem:$0x3FBA] =	sst s0  }
0x18: {  	s0 =	sld [smem:$0x3F9D];
	_ =	swait.ge [sflag:s4], $0x0  }
0x19: {  	s7 =	sld [smem:$0x3F9E]  }
0x1a: {  	s8 =	sadd.s32 $0xFFFFE003, lr  }
0x1b: {  	s9 =	sadd.s32 $0xFFFFFEF7, lr;
	s5 =	simm.s32 $0xFFFFFFFF;
	p2 =	slt.u32 s8, $0xFFFFF086  }
0x1c: {  	p1 =	slt.u32 s9, $0xF7A;
	s5 =	simm.s32 @!p2 $0x0  }
0x1d: {  	s5 =	simm.s32 @p1 $0x1;
	p0 =	seq.s32 s7, s2  }
0x1e: {  	s7 =	smul.u32 @!p0 $0xF7A, s2;
	p2 =	seq.s32 @!p0 s5, $0x0  }
0x1f: {  	s9 =	smul.u32 $0xF7A, s1;
	s8 =	simm.s32 @!p0 $0x1BF5;
	p2 =	por !p2, p0  }
0x20: {  	[sflag:s8] =	ssyncset.s32 @!p0 $0xFFFFF086;
	s6 =	sadd.s32 @!p0 s3, s7;
	s7 =	simm.s32 @!p0 $0x108  }
0x21: {  	s3 =	sadd.s32 s3, s9;
	s6 =	sadd.s32 @!p0 $0x88, s6;
	s7 =	simm.s32 @p2 $0x1082  }
0x22: {  	[simem:s7], [sflag:s8] =	dma.local @!p0 [hbm:s6], $0xF7A  }
0x23: {  	s9 =	sor.u32 $0xD0000000, s2;
	s6 =	simm.s32 $0x108;
	_ =	swait.ge @!p0 [sflag:s8], $0x0  }
0x24: {  	s3 =	sadd.s32 $0x88, s3;
	s6 =	simm.s32 @!p1 $0x1082;
	[sflag:s4] =	ssyncset.s32 $0xFFFFF086  }
0x25: {  	[simem:s6], [sflag:s4] =	dma.local [hbm:s3], $0xF7A  }
0x26: {  	[smem:$0x3F9E] =	sst s1;
	(tag) =	ssettag s2;
	_ =	strace s9  }
0x27: {  	s1 =	sld [smem:$0x3FAE]  }
0x28: {  	s2 =	sld [smem:$0x3FAF]  }
0x29: {  	s4 =	sld [smem:$0x3FB1]  }
0x2a: {  	p0 =	seq.s32 s5, $0x0;
	s5 =	sld [smem:$0x3FB2]  }
0x2b: {  	s6 =	sld [smem:$0x3FB3]  }
0x2c: {  	s7 =	sld [smem:$0x3FB4]  }
0x2d: {  	s3 =	simm.s32 $0x108;
	s8 =	sld [smem:$0x3FB5]  }
0x2e: {  	s3 =	simm.s32 @!p0 $0x1082;
	s9 =	sld [smem:$0x3FB6]  }
0x2f: {  	lr =	sadd.s32 s0, s3;
	s0 =	sld [smem:$0x3FAD]  }
0x30: {  	s3 =	sld [smem:$0x3FB0]  }
0x31: {  	[smem:$0x3FB9] =	sst s10  }
0x32: {  	s10 =	sld [smem:$0x3FB7];
	_ =	sdelay $0x3  }
0x33: {  	p0 =	seq.s32 s10, $0x1;
	s10 =	sld [smem:$0x3FB9];
	_ =	sdelay $0x3  }
0x34: {  	[smem:$0x3FB9] =	sst s10  }
0x35: {  	s10 =	sld [smem:$0x3FB8];
	_ =	sdelay $0x3  }
0x36: {  	p1 =	seq.s32 s10, $0x1;
	s10 =	sld [smem:$0x3FB9];
	_ =	sdelay $0x3  }
0x37: {  	[smem:$0x3FB9] =	sst s10  }
0x38: {  	s10 =	sld [smem:$0x3FBA]  }
0x39: {  	_ = 	snop;
	(pc) =	sbr.ind lr, $3  }
0x3a: {  	_ = 	snop  }
0x3b: {  	_ = 	snop  }
0x3c: {  	p2 =	seq.s32 s10, $0x1;
	s10 =	sld [smem:$0x3FB9]  }
0x3d: {  	_ =	shalt  }
0x3e: {  	_ =	shalt  }
0x3f: {  	_ =	shalt  }
0x40: {  	_ =	shalt  }
0x41: {  	_ =	shalt  }
0x42: {  	_ =	shalt  }
0x43: {  	_ =	shalt  }
0x44: {  	_ =	shalt  }
0x45: {  	_ =	shalt  }
0x46: {  	_ =	shalt  }
0x47: {  	_ =	shalt  }
0x48: {  	_ =	shalt  }
0x49: {  	_ =	shalt  }
0x4a: {  	_ =	shalt  }
0x4b: {  	_ =	shalt  }
0x4c: {  	_ =	shalt  }
0x4d: {  	_ =	shalt  }
0x4e: {  	_ =	shalt  }
0x4f: {  	_ =	shalt  }
0x50: {  	_ =	shalt  }
0x51: {  	_ =	shalt  }
0x52: {  	_ =	shalt  }
0x53: {  	_ =	shalt  }
0x54: {  	_ =	shalt  }
0x55: {  	_ =	shalt  }
0x56: {  	_ =	shalt  }
0x57: {  	_ =	shalt  }
0x58: {  	_ =	shalt  }
0x59: {  	_ =	shalt  }
0x5a: {  	_ =	shalt  }
0x5b: {  	_ =	shalt  }
0x5c: {  	_ =	shalt  }
0x5d: {  	_ =	shalt  }
0x5e: {  	_ =	shalt  }
0x5f: {  	_ =	shalt  }
0x60: {  	_ =	shalt  }
0x61: {  	_ =	shalt  }
0x62: {  	_ =	shalt  }
0x63: {  	_ =	shalt  }
0x64: {  	_ =	shalt  }
0x65: {  	_ =	shalt  }
0x66: {  	_ =	shalt  }
0x67: {  	_ =	shalt  }
0x68: {  	_ =	shalt  }
0x69: {  	_ =	shalt  }
0x6a: {  	_ =	shalt  }
0x6b: {  	_ =	shalt  }
0x6c: {  	_ =	shalt  }
0x6d: {  	_ =	shalt  }
0x6e: {  	_ =	shalt  }
0x6f: {  	_ =	shalt  }
0x70: {  	_ =	shalt  }
0x71: {  	_ =	shalt  }
0x72: {  	_ =	shalt  }
0x73: {  	_ =	shalt  }
0x74: {  	_ =	shalt  }
0x75: {  	_ =	shalt  }
0x76: {  	_ =	shalt  }
0x77: {  	_ =	shalt  }
0x78: {  	_ =	shalt  }
0x79: {  	_ =	shalt  }
0x7a: {  	_ =	shalt  }
0x7b: {  	_ =	shalt  }
0x7c: {  	_ =	shalt  }
0x7d: {  	_ =	shalt  }
0x7e: {  	_ =	shalt  }
0x7f: {  	_ =	shalt  }
0x80: {  	_ =	shalt  }
0x81: {  	_ =	shalt  }
0x82: {  	_ =	shalt  }
0x83: {  	_ =	shalt  }
0x84: {  	_ =	shalt  }
0x85: {  	_ =	shalt  }
0x86: {  	_ =	shalt  }
0x87: {  	_ =	shalt  }
.Lfunc_end0:
.L_simem_size_0:
called_computation_lowered:
.L_overlay_start_0:
0x88: {  	s0 =	sld [smem:$0x3FD9]  }
0x89: {  	s1 =	sld [smem:$0x3FFE];
	_ =	sdelay $0x3  }
0x8a: {  	s0 =	sadd.s32 s1, s0  }
0x8b: {  	[smem:$0x3FC5] =	sst s0  }
0x8c: {  	_ = 	snop  }
0x8d: {  	s0 =	sld [smem:$0x3FC7]  }
0x8e: {  	s16 =	sld [smem:$0x3FD0];
	(tm) =	ssettm $0x1  }
0x8f: {  	s2 =	sld [smem:$0x3FFB];
	_ =	sdelay $0x3  }
0x90: {  	_ =	strace s2  }
0x91: {  	s2 =	sld [smem:$0x3FFC];
	_ =	sdelay $0x3  }
0x92: {  	_ =	strace s2  }
0x93: {  	s2 =	sld [smem:$0x3FFD];
	_ =	sdelay $0x3  }
0x94: {  	_ =	strace s2  }
0x95: {  	_ =	strace $0x8FFFFFFF  }
0x96: {  	s17 =	sld [smem:$0x3FDB];
	_ =	sdelay $0x1  }
0x97: {  	s3 =	simm.s32 $_scs_section_size  }
0x98: {  	s4 =	simm.s32 $_size__tile_overlayer_lowered;
	s5 =	simm.s32 $_tile_overlayer_lowered  }
0x99: {  	s20 =	simm.s32 $0x1BFF;
	s19 =	sshll.u32 s5, $0x1;
	s2 =	sadd.s32 s3, s17  }
0x9a: {  	s6 =	simm.s32 $0x0;
	s18 =	sshll.u32 s4, $0x1;
	s4 =	sadd.s32 s19, s2  }
0x9b: {  	[timem:s6], [sflag:s20] =	dma.local [hbm:s4], s18  }
0x9c: {  	_ =	swait.ge [sflag:s20], s18  }
0x9d: {  	s3 =	ssub.s32 $0x0, s18;
	[sflag:s20] =	ssyncset.done $0x0  }
0x9e: {  	[sflag:s20] =	ssyncadd.s32 s3;
	_ =	sdelay $0x1  }
0x9f: {  	s21 =	simm.s32 $0x1B8B  }
0xa0: {  	_ =	swait.ge [sflag:s21], $0x1  }
0xa1: {  	[sflag:s21] =	ssyncset.done $0x0  }
0xa2: {  	s23 =	simm.s32 $0x1B8E;
	s22 =	sld [smem:$0x3FFE];
	[sflag:s21] =	ssyncadd.s32 $0xFFFFFFFF  }
0xa3: {  	s24 =	simm.s32 $execute0_lowered;
	[smem:$0x3FD2] =	sst s23  }
0xa4: {  	s4 =	sshll.u32 s24, $0x1;
	_ =	strace $0x80000046;
	[dreg:$0x1] =	wrdreg $0xFFFFFFFF  }
0xa5: {  	s25 =	simm.s32 $_size_execute0_lowered;
	s2 =	sadd.s32 s2, s4;
	[dreg:$0x0] =	wrdreg $0x0  }
0xa6: {  	s4 =	sshll.u32 s25, $0x1;
	[dreg:$0x2] =	wrdreg s2  }
0xa7: {  	[dreg:$0x3] =	wrdreg s4  }
0xa8: {  	[dreg:$0x4] =	wrdreg $0xC0  }
0xa9: {  	_ =	task [dreg:s6], $0x5FFFF  }
0xaa: {  	[dreg:$0x1] =	wrdreg $0xFFFFFFFF  }
0xab: {  	[dreg:$0x0] =	wrdreg $0x60  }
0xac: {  	[dreg:$0x2] =	wrdreg s22  }
0xad: {  	[dreg:$0x3] =	wrdreg s0  }
0xae: {  	[dreg:$0x4] =	wrdreg s16  }
0xaf: {  	[dreg:$0x5] =	wrdreg $0x11CD00  }
0xb0: {  	[dreg:$0x6] =	wrdreg $0x124D00  }
0xb1: {  	[dreg:$0x7] =	wrdreg $0x125100  }
0xb2: {  	[dreg:$0x8] =	wrdreg $0x9  }
0xb3: {  	_ =	task.clear_ibuf [dreg:s6], $0x9FFFF;
	_ =	strace $0x90000046  }
0xb4: {  	s26 =	simm.s32 $0x9;
	_ =	strace $0x80000048  }
0xb5: {  	_ =	swait.ge [sflag:s26], $0x1  }
0xb6: {  	[sflag:s26] =	ssyncadd.s32 $0xFFFFFFFF  }
0xb7: {  	_ =	strace $0x90000048  }
0xb8: {  	_ =	sfence  }
0xb9: {  	s28 =	sld [smem:$0x0];
	_ =	sdelay $0x1  }
0xba: {  	s29 =	srdreg.scid  }
0xbb: {  	s30 =	sshll.u32 s29, $0xD;
	s31 =	sshrl.u32 s29, $0x2  }
0xbc: {  	s1 =	sand.u32 $0x1, s29;
	s2 =	sand.u32 $0x4000, s30;
	s0 =	sadd.s32 s31, s28  }
0xbd: {  	s1 =	sor.u32 s2, s1;
	s0 =	sshll.u32 s0, $0x11  }
0xbe: {  	s0 =	sor.u32 s0, s1  }
0xbf: {  	s0 =	sadd.s32 $0x8F2B, s0  }
0xc0: {  	[sflag:s0] =	ssyncadd.remote.s32 $0x1  }
0xc1: {  	_ =	sfence.sel $0xFFFF  }
0xc2: {  	[dreg:$0x0] =	wrdreg $0xFFFFFFFF;
	(pc) =	sbr.abs _section_cstart, $3  }
0xc3: {  	[dreg:$0x1] =	wrdreg $0xFFFFFFFF  }
0xc4: {  	_ =	task.clear_ibuf [dreg:s6], $0x2FFFF;
	_ =	strace $0x9FFFFFFF  }
0xc5: {  	(tm) =	ssettm $0x7FFFFFFF  }
tec
execute0_lowered:
.L_overlay_start_1:
0x0: {  	(tag) =	ssettag $0x1  }
0x1: {  	s4 =	rddreg [dreg:$0x0]  }
0x2: {  	s5 =	rddreg [dreg:$0x1]  }
0x3: {  	s2 =	rddreg [dreg:$0x2]  }
0x4: {  	s10 =	rddreg [dreg:$0x3]  }
0x5: {  	s6 =	rddreg [dreg:$0x4]  }
0x6: {  	s7 =	rddreg [dreg:$0x5];
	s1 =	stileid.u32  }
0x7: {  	s0 =	rddreg [dreg:$0x6];
	s3 =	simm.s32 $0x0;
	s8 =	sshll.u32 s1, $0xC  }
0x8: {  	[smem:$0x7FF] =	sst s3;
	s9 =	sshll.u32 s1, $0xB;
	s11 =	sadd.s32 s8, s4  }
0x9: {  	_ =	strace $0x80000047;
	s4 =	sadd.s32 s9, s4;
	s11 =	sadd.s32 $0x600, s11  }
0xa: {  	[tilespmem:s3], [sflag:$0x1] =	stream.linear.gather [hbm4b:s11+s3], $0x8000, $0x38;
	[tilespmem:$0x12910] =	vst v63  }
0xb: {  	s12 =	sshll.u32 s1, $0x7;
	s22 =	sadd.s32 $0x10600, s4;
	s4 =	simm.s32 $0x8000  }
0xc: {  	[tilespmem:s4], [sflag:$0x2] =	stream.linear.gather [hbm4b:s22+s3], $0x4000, $0x38;
	[tilespmem:$0x12910] =	vst v63  }
0xd: {  	s23 =	sadd.s32 s5, s12;
	s5 =	simm.s32 $0xC000  }
0xe: {  	v0 =	vimm.f32 $0.0e+00;
	[tilespmem:s5], [sflag:$0x3] =	stream.linear.gather [hbm4b:s23+s3], $0x400, $0x38;
	[tilespmem:$0x12910] =	vst v63  }
0xf: {  	[tilespmem:$0x11480] =	vst v0  }
0x10: {  	[tilespmem:$0x11490] =	vst v0  }
0x11: {  	[tilespmem:$0x114A0] =	vst v0  }
0x12: {  	[tilespmem:$0x114B0] =	vst v0  }
0x13: {  	[tilespmem:$0x114C0] =	vst v0  }
0x14: {  	[tilespmem:$0x114D0] =	vst v0  }
0x15: {  	[tilespmem:$0x114E0] =	vst v0  }
0x16: {  	[tilespmem:$0x114F0] =	vst v0  }
0x17: {  	[tilespmem:$0x11500] =	vst v0  }
0x18: {  	[tilespmem:$0x11510] =	vst v0  }
0x19: {  	[tilespmem:$0x11520] =	vst v0  }
0x1a: {  	[tilespmem:$0x11530] =	vst v0  }
0x1b: {  	[tilespmem:$0x11540] =	vst v0  }
0x1c: {  	[tilespmem:$0x11550] =	vst v0  }
0x1d: {  	[tilespmem:$0x11560] =	vst v0  }
0x1e: {  	[tilespmem:$0x11570] =	vst v0  }
0x1f: {  	[tilespmem:$0x11580] =	vst v0  }
0x20: {  	[tilespmem:$0x11590] =	vst v0  }
0x21: {  	[tilespmem:$0x115A0] =	vst v0  }
0x22: {  	[tilespmem:$0x115B0] =	vst v0  }
0x23: {  	[tilespmem:$0x115C0] =	vst v0  }
0x24: {  	[tilespmem:$0x115D0] =	vst v0  }
0x25: {  	[tilespmem:$0x115E0] =	vst v0  }
0x26: {  	[tilespmem:$0x115F0] =	vst v0  }
0x27: {  	[tilespmem:$0x11600] =	vst v0  }
0x28: {  	[tilespmem:$0x11610] =	vst v0  }
0x29: {  	[tilespmem:$0x11620] =	vst v0  }
0x2a: {  	[tilespmem:$0x11630] =	vst v0  }
0x2b: {  	[tilespmem:$0x11640] =	vst v0  }
0x2c: {  	[tilespmem:$0x11650] =	vst v0  }
0x2d: {  	[tilespmem:$0x11660] =	vst v0  }
0x2e: {  	[tilespmem:$0x11670] =	vst v0  }
0x2f: {  	[tilespmem:$0x11680] =	vst v0  }
0x30: {  	[tilespmem:$0x11690] =	vst v0  }
0x31: {  	[tilespmem:$0x116A0] =	vst v0  }
0x32: {  	[tilespmem:$0x116B0] =	vst v0  }
0x33: {  	[tilespmem:$0x116C0] =	vst v0  }
0x34: {  	[tilespmem:$0x116D0] =	vst v0  }
0x35: {  	[tilespmem:$0x116E0] =	vst v0  }
0x36: {  	[tilespmem:$0x116F0] =	vst v0  }
0x37: {  	[tilespmem:$0x11700] =	vst v0  }
0x38: {  	[tilespmem:$0x11710] =	vst v0  }
0x39: {  	[tilespmem:$0x11720] =	vst v0  }
0x3a: {  	[tilespmem:$0x11730] =	vst v0  }
0x3b: {  	[tilespmem:$0x11740] =	vst v0  }
0x3c: {  	[tilespmem:$0x11750] =	vst v0  }
0x3d: {  	[tilespmem:$0x11760] =	vst v0  }
0x3e: {  	[tilespmem:$0x11770] =	vst v0  }
0x3f: {  	[tilespmem:$0x11780] =	vst v0  }
0x40: {  	[tilespmem:$0x11790] =	vst v0  }
0x41: {  	[tilespmem:$0x117A0] =	vst v0  }
0x42: {  	[tilespmem:$0x117B0] =	vst v0  }
0x43: {  	[tilespmem:$0x117C0] =	vst v0  }
0x44: {  	[tilespmem:$0x117D0] =	vst v0  }
0x45: {  	[tilespmem:$0x117E0] =	vst v0  }
0x46: {  	[tilespmem:$0x117F0] =	vst v0  }
0x47: {  	[tilespmem:$0x11800] =	vst v0  }
0x48: {  	[tilespmem:$0x11810] =	vst v0  }
0x49: {  	[tilespmem:$0x11820] =	vst v0  }
0x4a: {  	[tilespmem:$0x11830] =	vst v0  }
0x4b: {  	[tilespmem:$0x11840] =	vst v0  }
0x4c: {  	[tilespmem:$0x11850] =	vst v0  }
0x4d: {  	[tilespmem:$0x11860] =	vst v0  }
0x4e: {  	[tilespmem:$0x11870] =	vst v0  }
0x4f: {  	[tilespmem:$0x11880] =	vst v0  }
0x50: {  	[tilespmem:$0x11890] =	vst v0  }
0x51: {  	[tilespmem:$0x118A0] =	vst v0  }
0x52: {  	[tilespmem:$0x118B0] =	vst v0  }
0x53: {  	[tilespmem:$0x118C0] =	vst v0  }
0x54: {  	[tilespmem:$0x118D0] =	vst v0  }
0x55: {  	[tilespmem:$0x118E0] =	vst v0  }
0x56: {  	[tilespmem:$0x118F0] =	vst v0  }
0x57: {  	[tilespmem:$0x11900] =	vst v0  }
0x58: {  	[tilespmem:$0x11910] =	vst v0  }
0x59: {  	[tilespmem:$0x11920] =	vst v0  }
0x5a: {  	[tilespmem:$0x11930] =	vst v0  }
0x5b: {  	[tilespmem:$0x11940] =	vst v0  }
0x5c: {  	[tilespmem:$0x11950] =	vst v0  }
0x5d: {  	[tilespmem:$0x11960] =	vst v0  }
0x5e: {  	[tilespmem:$0x11970] =	vst v0  }
0x5f: {  	[tilespmem:$0x11980] =	vst v0  }
0x60: {  	[tilespmem:$0x11990] =	vst v0  }
0x61: {  	[tilespmem:$0x119A0] =	vst v0  }
0x62: {  	[tilespmem:$0x119B0] =	vst v0  }
0x63: {  	[tilespmem:$0x119C0] =	vst v0  }
0x64: {  	[tilespmem:$0x119D0] =	vst v0  }
0x65: {  	[tilespmem:$0x119E0] =	vst v0  }
0x66: {  	[tilespmem:$0x119F0] =	vst v0  }
0x67: {  	[tilespmem:$0x11A00] =	vst v0  }
0x68: {  	[tilespmem:$0x11A10] =	vst v0  }
0x69: {  	[tilespmem:$0x11A20] =	vst v0  }
0x6a: {  	[tilespmem:$0x11A30] =	vst v0  }
0x6b: {  	[tilespmem:$0x11A40] =	vst v0  }
0x6c: {  	[tilespmem:$0x11A50] =	vst v0  }
0x6d: {  	[tilespmem:$0x11A60] =	vst v0  }
0x6e: {  	[tilespmem:$0x11A70] =	vst v0  }
0x6f: {  	[tilespmem:$0x11A80] =	vst v0  }
0x70: {  	[tilespmem:$0x11A90] =	vst v0  }
0x71: {  	[tilespmem:$0x11AA0] =	vst v0  }
0x72: {  	[tilespmem:$0x11AB0] =	vst v0  }
0x73: {  	[tilespmem:$0x11AC0] =	vst v0  }
0x74: {  	[tilespmem:$0x11AD0] =	vst v0  }
0x75: {  	[tilespmem:$0x11AE0] =	vst v0  }
0x76: {  	[tilespmem:$0x11AF0] =	vst v0  }
0x77: {  	[tilespmem:$0x11B00] =	vst v0  }
0x78: {  	[tilespmem:$0x11B10] =	vst v0  }
0x79: {  	[tilespmem:$0x11B20] =	vst v0  }
0x7a: {  	[tilespmem:$0x11B30] =	vst v0  }
0x7b: {  	[tilespmem:$0x11B40] =	vst v0  }
0x7c: {  	[tilespmem:$0x11B50] =	vst v0  }
0x7d: {  	[tilespmem:$0x11B60] =	vst v0  }
0x7e: {  	[tilespmem:$0x11B70] =	vst v0  }
0x7f: {  	[tilespmem:$0x11B80] =	vst v0  }
0x80: {  	[tilespmem:$0x11B90] =	vst v0  }
0x81: {  	[tilespmem:$0x11BA0] =	vst v0  }
0x82: {  	[tilespmem:$0x11BB0] =	vst v0  }
0x83: {  	[tilespmem:$0x11BC0] =	vst v0  }
0x84: {  	[tilespmem:$0x11BD0] =	vst v0  }
0x85: {  	[tilespmem:$0x11BE0] =	vst v0  }
0x86: {  	[tilespmem:$0x11BF0] =	vst v0  }
0x87: {  	[tilespmem:$0x11C00] =	vst v0  }
0x88: {  	[tilespmem:$0x11C10] =	vst v0  }
0x89: {  	[tilespmem:$0x11C20] =	vst v0  }
0x8a: {  	[tilespmem:$0x11C30] =	vst v0  }
0x8b: {  	[tilespmem:$0x11C40] =	vst v0  }
0x8c: {  	[tilespmem:$0x11C50] =	vst v0  }
0x8d: {  	[tilespmem:$0x11C60] =	vst v0  }
0x8e: {  	[tilespmem:$0x11C70] =	vst v0  }
0x8f: {  	[tilespmem:$0x11C80] =	vst v0  }
0x90: {  	[tilespmem:$0x11C90] =	vst v0  }
0x91: {  	[tilespmem:$0x11CA0] =	vst v0  }
0x92: {  	v1 =	vimm.f32 $1.000000000e+00;
	[tilespmem:$0x11CB0] =	vst v0  }
0x93: {  	[tilespmem:$0x11400] =	vst v1  }
0x94: {  	[tilespmem:$0x11410] =	vst v1  }
0x95: {  	[tilespmem:$0x11420] =	vst v1  }
0x96: {  	[tilespmem:$0x11430] =	vst v1  }
0x97: {  	[tilespmem:$0x11440] =	vst v1  }
0x98: {  	[tilespmem:$0x11450] =	vst v1  }
0x99: {  	[tilespmem:$0x11460] =	vst v1  }
0x9a: {  	s24 =	simm.s32 $0x11480;
	s11 =	sadd.s32 s9, s10;
	s9 =	simm.s32 $0x5;
	[tilespmem:$0x11470] =	vst v1  }
0x9b: {  	[spmem:s11] =	stream.linear.scatter [tilespmem:s24], [sflag:$0x5], $0x800, $0x38;
	[tilespmem:$0x12910] =	vst v63  }
0x9c: {  	_ =	swait.ge [sflag:s9], $0x800  }
0x9d: {  	s25 =	sshll.u32 s1, $0x6;
	[sflag:s9] =	ssyncset.done $0x0  }
0x9e: {  	s13 =	simm.s32 $0x11C80;
	s12 =	sadd.s32 s25, s6;
	[sflag:s9] =	ssyncadd.s32 $0xFFFFF800  }
0x9f: {  	[spmem:s12] =	stream.linear.scatter [tilespmem:s13], [sflag:$0x5], $0x40, $0x38;
	[tilespmem:$0x12910] =	vst v63  }
0xa0: {  	_ =	swait.ge [sflag:s9], $0x40  }
0xa1: {  	[sflag:s9] =	ssyncset.done $0x0  }
0xa2: {  	s26 =	simm.s32 $0x1;
	[sflag:s9] =	ssyncadd.s32 $0xFFFFFFC0  }
0xa3: {  	_ =	swait.ge [sflag:s26], $0x8000  }
0xa4: {  	[sflag:s26] =	ssyncset.done $0x0  }
0xa5: {  	s28 =	simm.s32 $0x3;
	[sflag:s26] =	ssyncadd.s32 $0xFFFF8000  }
0xa6: {  	_ =	swait.ge [sflag:s28], $0x400  }
0xa7: {  	[sflag:s28] =	ssyncset.done $0x0  }
0xa8: {  	[sflag:s28] =	ssyncadd.s32 $0xFFFFFC00  }
0xa9: {  	s29 =	simm.s32 $0x80;
	[bflag:$0x0] =	sbarrier.arrive $0xFFFF  }
0xaa: {  	[spmem:s10] =	stream.indirect.scatter.add.f32 [tilespmem:s3], [sflag:$0x4], $0x20, s5, s29, $0xb8;
	[tilespmem:$0x12910] =	vst v63  }
0xab: {  	s30 =	simm.s32 $0x11400  }
0xac: {  	[spmem:s6] =	stream.indirect.scatter.add.f32 [tilespmem:s30], [sflag:$0x4], $0x1, s5, s29, $0xb8;
	[tilespmem:$0x12910] =	vst v63  }
0xad: {  	s14 =	simm.s32 $0xC080;
	s15 =	simm.s32 $0x1000  }
0xae: {  	[spmem:s10] =	stream.indirect.scatter.add.f32 [tilespmem:s15], [sflag:$0x4], $0x20, s14, s29, $0xb8;
	[tilespmem:$0x12910] =	vst v63  }
0xaf: {  	_ = 	snop  }
0xb0: {  	[spmem:s6] =	stream.indirect.scatter.add.f32 [tilespmem:s30], [sflag:$0x4], $0x1, s14, s29, $0xb8;
	[tilespmem:$0x12910] =	vst v63  }
0xb1: {  	s31 =	simm.s32 $0xC100;
	s16 =	simm.s32 $0x2000  }
0xb2: {  	[spmem:s10] =	stream.indirect.scatter.add.f32 [tilespmem:s16], [sflag:$0x4], $0x20, s31, s29, $0xb8;
	[tilespmem:$0x12910] =	vst v63  }
0xb3: {  	_ = 	snop  }
0xb4: {  	[spmem:s6] =	stream.indirect.scatter.add.f32 [tilespmem:s30], [sflag:$0x4], $0x1, s31, s29, $0xb8;
	[tilespmem:$0x12910] =	vst v63  }
0xb5: {  	s17 =	simm.s32 $0xC180;
	s18 =	simm.s32 $0x3000  }
0xb6: {  	[spmem:s10] =	stream.indirect.scatter.add.f32 [tilespmem:s18], [sflag:$0x4], $0x20, s17, s29, $0xb8;
	[tilespmem:$0x12910] =	vst v63  }
0xb7: {  	_ = 	snop  }
0xb8: {  	[spmem:s6] =	stream.indirect.scatter.add.f32 [tilespmem:s30], [sflag:$0x4], $0x1, s17, s29, $0xb8;
	[tilespmem:$0x12910] =	vst v63  }
0xb9: {  	s19 =	simm.s32 $0xC200;
	s20 =	simm.s32 $0x4000  }
0xba: {  	[spmem:s10] =	stream.indirect.scatter.add.f32 [tilespmem:s20], [sflag:$0x4], $0x20, s19, s29, $0xb8;
	[tilespmem:$0x12910] =	vst v63  }
0xbb: {  	_ = 	snop  }
0xbc: {  	[spmem:s6] =	stream.indirect.scatter.add.f32 [tilespmem:s30], [sflag:$0x4], $0x1, s19, s29, $0xb8;
	[tilespmem:$0x12910] =	vst v63  }
0xbd: {  	s21 =	simm.s32 $0xC280;
	s22 =	simm.s32 $0x5000  }
0xbe: {  	[spmem:s10] =	stream.indirect.scatter.add.f32 [tilespmem:s22], [sflag:$0x4], $0x20, s21, s29, $0xb8;
	[tilespmem:$0x12910] =	vst v63  }
0xbf: {  	_ = 	snop  }
0xc0: {  	[spmem:s6] =	stream.indirect.scatter.add.f32 [tilespmem:s30], [sflag:$0x4], $0x1, s21, s29, $0xb8;
	[tilespmem:$0x12910] =	vst v63  }
0xc1: {  	s23 =	simm.s32 $0xC300;
	s24 =	simm.s32 $0x6000  }
0xc2: {  	[spmem:s10] =	stream.indirect.scatter.add.f32 [tilespmem:s24], [sflag:$0x4], $0x20, s23, s29, $0xb8;
	[tilespmem:$0x12910] =	vst v63  }
0xc3: {  	_ = 	snop  }
0xc4: {  	[spmem:s6] =	stream.indirect.scatter.add.f32 [tilespmem:s30], [sflag:$0x4], $0x1, s23, s29, $0xb8;
	[tilespmem:$0x12910] =	vst v63  }
0xc5: {  	s25 =	simm.s32 $0xC380;
	s26 =	simm.s32 $0x7000  }
0xc6: {  	[spmem:s10] =	stream.indirect.scatter.add.f32 [tilespmem:s26], [sflag:$0x4], $0x20, s25, s29, $0xb8;
	[tilespmem:$0x12910] =	vst v63  }
0xc7: {  	s28 =	simm.s32 $0x4  }
0xc8: {  	[spmem:s6] =	stream.indirect.scatter.add.f32 [tilespmem:s30], [sflag:$0x4], $0x1, s25, s29, $0xb8;
	[tilespmem:$0x12910] =	vst v63  }
0xc9: {  	_ =	swait.ge [sflag:s28], $0x1000  }
0xca: {  	[sflag:s28] =	ssyncset.done $0x0  }
0xcb: {  	[sflag:s28] =	ssyncadd.s32 $0xFFFFF000  }
0xcc: {  	_ =	swait.ge [sflag:s28], $0x80  }
0xcd: {  	[sflag:s28] =	ssyncset.done $0x0  }
0xce: {  	[sflag:s28] =	ssyncadd.s32 $0xFFFFFF80  }
0xcf: {  	_ =	swait.ge [sflag:s28], $0x1000  }
0xd0: {  	[sflag:s28] =	ssyncset.done $0x0  }
0xd1: {  	[sflag:s28] =	ssyncadd.s32 $0xFFFFF000  }
0xd2: {  	_ =	swait.ge [sflag:s28], $0x80  }
0xd3: {  	[sflag:s28] =	ssyncset.done $0x0  }
0xd4: {  	[sflag:s28] =	ssyncadd.s32 $0xFFFFFF80  }
0xd5: {  	_ =	swait.ge [sflag:s28], $0x1000  }
0xd6: {  	[sflag:s28] =	ssyncset.done $0x0  }
0xd7: {  	[sflag:s28] =	ssyncadd.s32 $0xFFFFF000  }
0xd8: {  	_ =	swait.ge [sflag:s28], $0x80  }
0xd9: {  	[sflag:s28] =	ssyncset.done $0x0  }
0xda: {  	[sflag:s28] =	ssyncadd.s32 $0xFFFFFF80  }
0xdb: {  	_ =	swait.ge [sflag:s28], $0x1000  }
0xdc: {  	[sflag:s28] =	ssyncset.done $0x0  }
0xdd: {  	[sflag:s28] =	ssyncadd.s32 $0xFFFFF000  }
0xde: {  	_ =	swait.ge [sflag:s28], $0x80  }
0xdf: {  	[sflag:s28] =	ssyncset.done $0x0  }
0xe0: {  	[sflag:s28] =	ssyncadd.s32 $0xFFFFFF80  }
0xe1: {  	_ =	swait.ge [sflag:s28], $0x1000  }
0xe2: {  	[sflag:s28] =	ssyncset.done $0x0  }
0xe3: {  	[sflag:s28] =	ssyncadd.s32 $0xFFFFF000  }
0xe4: {  	_ =	swait.ge [sflag:s28], $0x80  }
0xe5: {  	[sflag:s28] =	ssyncset.done $0x0  }
0xe6: {  	[sflag:s28] =	ssyncadd.s32 $0xFFFFFF80  }
0xe7: {  	_ =	swait.ge [sflag:s28], $0x1000  }
0xe8: {  	[sflag:s28] =	ssyncset.done $0x0  }
0xe9: {  	[sflag:s28] =	ssyncadd.s32 $0xFFFFF000  }
0xea: {  	_ =	swait.ge [sflag:s28], $0x80  }
0xeb: {  	[sflag:s28] =	ssyncset.done $0x0  }
0xec: {  	[sflag:s28] =	ssyncadd.s32 $0xFFFFFF80  }
0xed: {  	_ =	swait.ge [sflag:s28], $0x1000  }
0xee: {  	[sflag:s28] =	ssyncset.done $0x0  }
0xef: {  	[sflag:s28] =	ssyncadd.s32 $0xFFFFF000  }
0xf0: {  	_ =	swait.ge [sflag:s28], $0x80  }
0xf1: {  	[sflag:s28] =	ssyncset.done $0x0  }
0xf2: {  	[sflag:s28] =	ssyncadd.s32 $0xFFFFFF80  }
0xf3: {  	_ =	swait.ge [sflag:s28], $0x1000  }
0xf4: {  	[sflag:s28] =	ssyncset.done $0x0  }
0xf5: {  	[sflag:s28] =	ssyncadd.s32 $0xFFFFF000  }
0xf6: {  	_ =	swait.ge [sflag:s28], $0x80  }
0xf7: {  	v1 =	vlaneseq.u32;
	[sflag:s28] =	ssyncset.done $0x0  }
0xf8: {  	v2 =	vmul.u32 $0x20, v1;
	[sflag:s28] =	ssyncadd.s32 $0xFFFFFF80  }
0xf9: {  	s29 =	simm.s32 $0xC400;
	[bflag:$0x0] =	sbarrier.arrive $0xFFFF  }
0xfa: {  	v3 =	vor.u32 $0x1, v2;
	[tilespmem:s29], [sflag:$0x5] =	stream.linear.gather [spmem:s11], $0x800, $0x38;
	[tilespmem:$0x12910] =	vst v63  }
0xfb: {  	_ =	swait.ge [sflag:s9], $0x800  }
0xfc: {  	[sflag:s9] =	ssyncset.done $0x0  }
0xfd: {  	[sflag:s9] =	ssyncadd.s32 $0xFFFFF800  }
0xfe: {  	v4 =	vld.idx.msk [tilespmem:v2+s29+$0x0], $0xffff  }
0xff: {  	v5 =	vld.idx.msk [tilespmem:v3+s29+$0x0], $0xffff;
	v3 =	vmul.u32 $0x10, v1;
	_ =	sdelay $0x1  }
0x100: {  	v6 =	vor.u32 $0x2, v2  }
0x101: {  	v7 =	vor.u32 $0x3, v2;
	_ =	sdelay $0x1  }
0x102: {  	s30 =	simm.s32 $0xCC00;
	v4 =	vpack.i.f32.bf16 v5, v4  }
0x103: {  	[tilespmem:v3+s30+$0x0] =	vst.idx.msk $0xffff, v4  }
0x104: {  	v4 =	vld.idx.msk [tilespmem:v6+s29+$0x0], $0xffff  }
0x105: {  	v5 =	vld.idx.msk [tilespmem:v7+s29+$0x0], $0xffff  }
0x106: {  	v6 =	vor.u32 $0x1, v3  }
0x107: {  	v7 =	vor.u32 $0x4, v2  }
0x108: {  	v8 =	vor.u32 $0x5, v2;
	_ =	sdelay $0x1  }
0x109: {  	v4 =	vpack.i.f32.bf16 v5, v4  }
0x10a: {  	[tilespmem:v6+s30+$0x0] =	vst.idx.msk $0xffff, v4  }
0x10b: {  	v4 =	vld.idx.msk [tilespmem:v7+s29+$0x0], $0xffff  }
0x10c: {  	v5 =	vld.idx.msk [tilespmem:v8+s29+$0x0], $0xffff  }
0x10d: {  	v6 =	vor.u32 $0x2, v3  }
0x10e: {  	v7 =	vor.u32 $0x6, v2  }
0x10f: {  	v56 =	vor.u32 $0x7, v2;
	_ =	sdelay $0x1  }
0x110: {  	v4 =	vpack.i.f32.bf16 v5, v4  }
0x111: {  	[tilespmem:v6+s30+$0x0] =	vst.idx.msk $0xffff, v4  }
0x112: {  	v4 =	vld.idx.msk [tilespmem:v7+s29+$0x0], $0xffff  }
0x113: {  	v5 =	vld.idx.msk [tilespmem:v56+s29+$0x0], $0xffff  }
0x114: {  	v6 =	vor.u32 $0x3, v3  }
0x115: {  	v7 =	vor.u32 $0x8, v2  }
0x116: {  	v57 =	vor.u32 $0x9, v2;
	_ =	sdelay $0x1  }
0x117: {  	v4 =	vpack.i.f32.bf16 v5, v4  }
0x118: {  	[tilespmem:v6+s30+$0x0] =	vst.idx.msk $0xffff, v4  }
0x119: {  	v4 =	vld.idx.msk [tilespmem:v7+s29+$0x0], $0xffff  }
0x11a: {  	v5 =	vld.idx.msk [tilespmem:v57+s29+$0x0], $0xffff  }
0x11b: {  	v6 =	vor.u32 $0x4, v3  }
0x11c: {  	v7 =	vor.u32 $0xA, v2  }
0x11d: {  	v58 =	vor.u32 $0xB, v2;
	_ =	sdelay $0x1  }
0x11e: {  	v4 =	vpack.i.f32.bf16 v5, v4  }
0x11f: {  	[tilespmem:v6+s30+$0x0] =	vst.idx.msk $0xffff, v4  }
0x120: {  	v4 =	vld.idx.msk [tilespmem:v7+s29+$0x0], $0xffff  }
0x121: {  	v5 =	vld.idx.msk [tilespmem:v58+s29+$0x0], $0xffff  }
0x122: {  	v6 =	vor.u32 $0x5, v3  }
0x123: {  	v7 =	vor.u32 $0xC, v2  }
0x124: {  	v59 =	vor.u32 $0xD, v2;
	_ =	sdelay $0x1  }
0x125: {  	v4 =	vpack.i.f32.bf16 v5, v4  }
0x126: {  	[tilespmem:v6+s30+$0x0] =	vst.idx.msk $0xffff, v4  }
0x127: {  	v4 =	vld.idx.msk [tilespmem:v7+s29+$0x0], $0xffff  }
0x128: {  	v5 =	vld.idx.msk [tilespmem:v59+s29+$0x0], $0xffff  }
0x129: {  	v6 =	vor.u32 $0x6, v3  }
0x12a: {  	v7 =	vor.u32 $0xE, v2  }
0x12b: {  	v60 =	vor.u32 $0xF, v2;
	_ =	sdelay $0x1  }
0x12c: {  	v4 =	vpack.i.f32.bf16 v5, v4  }
0x12d: {  	[tilespmem:v6+s30+$0x0] =	vst.idx.msk $0xffff, v4  }
0x12e: {  	v4 =	vld.idx.msk [tilespmem:v7+s29+$0x0], $0xffff  }
0x12f: {  	v5 =	vld.idx.msk [tilespmem:v60+s29+$0x0], $0xffff  }
0x130: {  	v6 =	vor.u32 $0x7, v3  }
0x131: {  	v7 =	vor.u32 $0x10, v2  }
0x132: {  	v61 =	vor.u32 $0x11, v2;
	_ =	sdelay $0x1  }
0x133: {  	v4 =	vpack.i.f32.bf16 v5, v4  }
0x134: {  	[tilespmem:v6+s30+$0x0] =	vst.idx.msk $0xffff, v4  }
0x135: {  	v4 =	vld.idx.msk [tilespmem:v7+s29+$0x0], $0xffff  }
0x136: {  	v5 =	vld.idx.msk [tilespmem:v61+s29+$0x0], $0xffff  }
0x137: {  	v6 =	vor.u32 $0x8, v3  }
0x138: {  	v7 =	vor.u32 $0x12, v2  }
0x139: {  	v62 =	vor.u32 $0x13, v2;
	_ =	sdelay $0x1  }
0x13a: {  	v4 =	vpack.i.f32.bf16 v5, v4  }
0x13b: {  	[tilespmem:v6+s30+$0x0] =	vst.idx.msk $0xffff, v4  }
0x13c: {  	v4 =	vld.idx.msk [tilespmem:v7+s29+$0x0], $0xffff  }
0x13d: {  	v5 =	vld.idx.msk [tilespmem:v62+s29+$0x0], $0xffff  }
0x13e: {  	v6 =	vor.u32 $0x9, v3  }
0x13f: {  	v7 =	vor.u32 $0x14, v2  }
0x140: {  	v63 =	vor.u32 $0x15, v2;
	_ =	sdelay $0x1  }
0x141: {  	v4 =	vpack.i.f32.bf16 v5, v4  }
0x142: {  	[tilespmem:v6+s30+$0x0] =	vst.idx.msk $0xffff, v4  }
0x143: {  	v4 =	vld.idx.msk [tilespmem:v7+s29+$0x0], $0xffff  }
0x144: {  	v5 =	vld.idx.msk [tilespmem:v63+s29+$0x0], $0xffff  }
0x145: {  	v6 =	vor.u32 $0xA, v3  }
0x146: {  	v7 =	vor.u32 $0x16, v2  }
0x147: {  	v12 =	vor.u32 $0x17, v2;
	_ =	sdelay $0x1  }
0x148: {  	v4 =	vpack.i.f32.bf16 v5, v4  }
0x149: {  	[tilespmem:v6+s30+$0x0] =	vst.idx.msk $0xffff, v4  }
0x14a: {  	v4 =	vld.idx.msk [tilespmem:v7+s29+$0x0], $0xffff  }
0x14b: {  	v5 =	vld.idx.msk [tilespmem:v12+s29+$0x0], $0xffff  }
0x14c: {  	v6 =	vor.u32 $0xB, v3  }
0x14d: {  	v7 =	vor.u32 $0x18, v2  }
0x14e: {  	v13 =	vor.u32 $0x19, v2;
	_ =	sdelay $0x1  }
0x14f: {  	v4 =	vpack.i.f32.bf16 v5, v4  }
0x150: {  	[tilespmem:v6+s30+$0x0] =	vst.idx.msk $0xffff, v4  }
0x151: {  	v4 =	vld.idx.msk [tilespmem:v7+s29+$0x0], $0xffff  }
0x152: {  	v5 =	vld.idx.msk [tilespmem:v13+s29+$0x0], $0xffff  }
0x153: {  	v6 =	vor.u32 $0xC, v3  }
0x154: {  	v7 =	vor.u32 $0x1A, v2  }
0x155: {  	v14 =	vor.u32 $0x1B, v2;
	_ =	sdelay $0x1  }
0x156: {  	v4 =	vpack.i.f32.bf16 v5, v4  }
0x157: {  	[tilespmem:v6+s30+$0x0] =	vst.idx.msk $0xffff, v4  }
0x158: {  	v4 =	vld.idx.msk [tilespmem:v7+s29+$0x0], $0xffff  }
0x159: {  	v5 =	vld.idx.msk [tilespmem:v14+s29+$0x0], $0xffff  }
0x15a: {  	v6 =	vor.u32 $0xD, v3  }
0x15b: {  	v7 =	vor.u32 $0x1C, v2  }
0x15c: {  	v15 =	vor.u32 $0x1D, v2;
	_ =	sdelay $0x1  }
0x15d: {  	v4 =	vpack.i.f32.bf16 v5, v4  }
0x15e: {  	[tilespmem:v6+s30+$0x0] =	vst.idx.msk $0xffff, v4  }
0x15f: {  	v4 =	vld.idx.msk [tilespmem:v7+s29+$0x0], $0xffff  }
0x160: {  	v5 =	vld.idx.msk [tilespmem:v15+s29+$0x0], $0xffff  }
0x161: {  	v6 =	vor.u32 $0xE, v3  }
0x162: {  	v7 =	vor.u32 $0x1E, v2  }
0x163: {  	v16 =	vor.u32 $0x1F, v2;
	_ =	sdelay $0x1  }
0x164: {  	v4 =	vpack.i.f32.bf16 v5, v4  }
0x165: {  	[tilespmem:v6+s30+$0x0] =	vst.idx.msk $0xffff, v4  }
0x166: {  	v4 =	vld.idx.msk [tilespmem:v7+s29+$0x0], $0xffff  }
0x167: {  	v5 =	vld.idx.msk [tilespmem:v16+s29+$0x0], $0xffff  }
0x168: {  	v6 =	vor.u32 $0xF, v3  }
0x169: {  	v7 =	vor.u32 $0x200, v2  }
0x16a: {  	v17 =	vor.u32 $0x201, v2;
	_ =	sdelay $0x1  }
0x16b: {  	v4 =	vpack.i.f32.bf16 v5, v4  }
0x16c: {  	[tilespmem:v6+s30+$0x0] =	vst.idx.msk $0xffff, v4  }
0x16d: {  	v4 =	vld.idx.msk [tilespmem:v7+s29+$0x0], $0xffff  }
0x16e: {  	v5 =	vld.idx.msk [tilespmem:v17+s29+$0x0], $0xffff  }
0x16f: {  	v6 =	vor.u32 $0x100, v3  }
0x170: {  	v7 =	vor.u32 $0x202, v2  }
0x171: {  	v18 =	vor.u32 $0x203, v2;
	_ =	sdelay $0x1  }
0x172: {  	v4 =	vpack.i.f32.bf16 v5, v4  }
0x173: {  	[tilespmem:v6+s30+$0x0] =	vst.idx.msk $0xffff, v4  }
0x174: {  	v4 =	vld.idx.msk [tilespmem:v7+s29+$0x0], $0xffff  }
0x175: {  	v5 =	vld.idx.msk [tilespmem:v18+s29+$0x0], $0xffff  }
0x176: {  	v6 =	vor.u32 $0x101, v3  }
0x177: {  	v7 =	vor.u32 $0x204, v2  }
0x178: {  	v19 =	vor.u32 $0x205, v2;
	_ =	sdelay $0x1  }
0x179: {  	v4 =	vpack.i.f32.bf16 v5, v4  }
0x17a: {  	[tilespmem:v6+s30+$0x0] =	vst.idx.msk $0xffff, v4  }
0x17b: {  	v4 =	vld.idx.msk [tilespmem:v7+s29+$0x0], $0xffff  }
0x17c: {  	v5 =	vld.idx.msk [tilespmem:v19+s29+$0x0], $0xffff  }
0x17d: {  	v6 =	vor.u32 $0x102, v3  }
0x17e: {  	v7 =	vor.u32 $0x206, v2  }
0x17f: {  	v20 =	vor.u32 $0x207, v2;
	_ =	sdelay $0x1  }
0x180: {  	v4 =	vpack.i.f32.bf16 v5, v4  }
0x181: {  	[tilespmem:v6+s30+$0x0] =	vst.idx.msk $0xffff, v4  }
0x182: {  	v4 =	vld.idx.msk [tilespmem:v7+s29+$0x0], $0xffff  }
0x183: {  	v5 =	vld.idx.msk [tilespmem:v20+s29+$0x0], $0xffff  }
0x184: {  	v6 =	vor.u32 $0x103, v3  }
0x185: {  	v7 =	vor.u32 $0x208, v2  }
0x186: {  	v21 =	vor.u32 $0x209, v2;
	_ =	sdelay $0x1  }
0x187: {  	v4 =	vpack.i.f32.bf16 v5, v4  }
0x188: {  	[tilespmem:v6+s30+$0x0] =	vst.idx.msk $0xffff, v4  }
0x189: {  	v4 =	vld.idx.msk [tilespmem:v7+s29+$0x0], $0xffff  }
0x18a: {  	v5 =	vld.idx.msk [tilespmem:v21+s29+$0x0], $0xffff  }
0x18b: {  	v6 =	vor.u32 $0x104, v3  }
0x18c: {  	v7 =	vor.u32 $0x20A, v2  }
0x18d: {  	v22 =	vor.u32 $0x20B, v2;
	_ =	sdelay $0x1  }
0x18e: {  	v4 =	vpack.i.f32.bf16 v5, v4  }
0x18f: {  	[tilespmem:v6+s30+$0x0] =	vst.idx.msk $0xffff, v4  }
0x190: {  	v4 =	vld.idx.msk [tilespmem:v7+s29+$0x0], $0xffff  }
0x191: {  	v5 =	vld.idx.msk [tilespmem:v22+s29+$0x0], $0xffff  }
0x192: {  	v6 =	vor.u32 $0x105, v3  }
0x193: {  	v7 =	vor.u32 $0x20C, v2  }
0x194: {  	v23 =	vor.u32 $0x20D, v2;
	_ =	sdelay $0x1  }
0x195: {  	v4 =	vpack.i.f32.bf16 v5, v4  }
0x196: {  	[tilespmem:v6+s30+$0x0] =	vst.idx.msk $0xffff, v4  }
0x197: {  	v4 =	vld.idx.msk [tilespmem:v7+s29+$0x0], $0xffff  }
0x198: {  	v5 =	vld.idx.msk [tilespmem:v23+s29+$0x0], $0xffff  }
0x199: {  	v6 =	vor.u32 $0x106, v3  }
0x19a: {  	v7 =	vor.u32 $0x20E, v2  }
0x19b: {  	v24 =	vor.u32 $0x20F, v2;
	_ =	sdelay $0x1  }
0x19c: {  	v4 =	vpack.i.f32.bf16 v5, v4  }
0x19d: {  	[tilespmem:v6+s30+$0x0] =	vst.idx.msk $0xffff, v4  }
0x19e: {  	v4 =	vld.idx.msk [tilespmem:v7+s29+$0x0], $0xffff  }
0x19f: {  	v5 =	vld.idx.msk [tilespmem:v24+s29+$0x0], $0xffff  }
0x1a0: {  	v6 =	vor.u32 $0x107, v3  }
0x1a1: {  	v7 =	vor.u32 $0x210, v2  }
0x1a2: {  	v25 =	vor.u32 $0x211, v2;
	_ =	sdelay $0x1  }
0x1a3: {  	v4 =	vpack.i.f32.bf16 v5, v4  }
0x1a4: {  	[tilespmem:v6+s30+$0x0] =	vst.idx.msk $0xffff, v4  }
0x1a5: {  	v4 =	vld.idx.msk [tilespmem:v7+s29+$0x0], $0xffff  }
0x1a6: {  	v5 =	vld.idx.msk [tilespmem:v25+s29+$0x0], $0xffff  }
0x1a7: {  	v6 =	vor.u32 $0x108, v3  }
0x1a8: {  	v7 =	vor.u32 $0x212, v2  }
0x1a9: {  	v26 =	vor.u32 $0x213, v2;
	_ =	sdelay $0x1  }
0x1aa: {  	v4 =	vpack.i.f32.bf16 v5, v4  }
0x1ab: {  	[tilespmem:v6+s30+$0x0] =	vst.idx.msk $0xffff, v4  }
0x1ac: {  	v4 =	vld.idx.msk [tilespmem:v7+s29+$0x0], $0xffff  }
0x1ad: {  	v5 =	vld.idx.msk [tilespmem:v26+s29+$0x0], $0xffff  }
0x1ae: {  	v6 =	vor.u32 $0x109, v3  }
0x1af: {  	v7 =	vor.u32 $0x214, v2  }
0x1b0: {  	v27 =	vor.u32 $0x215, v2;
	_ =	sdelay $0x1  }
0x1b1: {  	v4 =	vpack.i.f32.bf16 v5, v4  }
0x1b2: {  	[tilespmem:v6+s30+$0x0] =	vst.idx.msk $0xffff, v4  }
0x1b3: {  	v4 =	vld.idx.msk [tilespmem:v7+s29+$0x0], $0xffff  }
0x1b4: {  	v5 =	vld.idx.msk [tilespmem:v27+s29+$0x0], $0xffff  }
0x1b5: {  	v6 =	vor.u32 $0x10A, v3  }
0x1b6: {  	v7 =	vor.u32 $0x216, v2  }
0x1b7: {  	v28 =	vor.u32 $0x217, v2;
	_ =	sdelay $0x1  }
0x1b8: {  	v4 =	vpack.i.f32.bf16 v5, v4  }
0x1b9: {  	[tilespmem:v6+s30+$0x0] =	vst.idx.msk $0xffff, v4  }
0x1ba: {  	v4 =	vld.idx.msk [tilespmem:v7+s29+$0x0], $0xffff  }
0x1bb: {  	v5 =	vld.idx.msk [tilespmem:v28+s29+$0x0], $0xffff  }
0x1bc: {  	v6 =	vor.u32 $0x10B, v3  }
0x1bd: {  	v7 =	vor.u32 $0x218, v2  }
0x1be: {  	v29 =	vor.u32 $0x219, v2;
	_ =	sdelay $0x1  }
0x1bf: {  	v4 =	vpack.i.f32.bf16 v5, v4  }
0x1c0: {  	[tilespmem:v6+s30+$0x0] =	vst.idx.msk $0xffff, v4  }
0x1c1: {  	v4 =	vld.idx.msk [tilespmem:v7+s29+$0x0], $0xffff  }
0x1c2: {  	v5 =	vld.idx.msk [tilespmem:v29+s29+$0x0], $0xffff  }
0x1c3: {  	v6 =	vor.u32 $0x10C, v3  }
0x1c4: {  	v7 =	vor.u32 $0x21A, v2  }
0x1c5: {  	v30 =	vor.u32 $0x21B, v2;
	_ =	sdelay $0x1  }
0x1c6: {  	v4 =	vpack.i.f32.bf16 v5, v4  }
0x1c7: {  	[tilespmem:v6+s30+$0x0] =	vst.idx.msk $0xffff, v4  }
0x1c8: {  	v4 =	vld.idx.msk [tilespmem:v7+s29+$0x0], $0xffff  }
0x1c9: {  	v5 =	vld.idx.msk [tilespmem:v30+s29+$0x0], $0xffff  }
0x1ca: {  	v6 =	vor.u32 $0x10D, v3  }
0x1cb: {  	v7 =	vor.u32 $0x21C, v2  }
0x1cc: {  	v31 =	vor.u32 $0x21D, v2;
	_ =	sdelay $0x1  }
0x1cd: {  	v4 =	vpack.i.f32.bf16 v5, v4  }
0x1ce: {  	[tilespmem:v6+s30+$0x0] =	vst.idx.msk $0xffff, v4  }
0x1cf: {  	v4 =	vld.idx.msk [tilespmem:v7+s29+$0x0], $0xffff  }
0x1d0: {  	v5 =	vld.idx.msk [tilespmem:v31+s29+$0x0], $0xffff  }
0x1d1: {  	v6 =	vor.u32 $0x10E, v3  }
0x1d2: {  	v7 =	vor.u32 $0x21E, v2  }
0x1d3: {  	v32 =	vor.u32 $0x21F, v2;
	_ =	sdelay $0x1  }
0x1d4: {  	v4 =	vpack.i.f32.bf16 v5, v4  }
0x1d5: {  	[tilespmem:v6+s30+$0x0] =	vst.idx.msk $0xffff, v4  }
0x1d6: {  	v4 =	vld.idx.msk [tilespmem:v7+s29+$0x0], $0xffff  }
0x1d7: {  	v5 =	vld.idx.msk [tilespmem:v32+s29+$0x0], $0xffff  }
0x1d8: {  	v6 =	vor.u32 $0x10F, v3  }
0x1d9: {  	v7 =	vor.u32 $0x400, v2  }
0x1da: {  	v33 =	vor.u32 $0x401, v2;
	_ =	sdelay $0x1  }
0x1db: {  	v4 =	vpack.i.f32.bf16 v5, v4  }
0x1dc: {  	[tilespmem:v6+s30+$0x0] =	vst.idx.msk $0xffff, v4  }
0x1dd: {  	v4 =	vld.idx.msk [tilespmem:v7+s29+$0x0], $0xffff  }
0x1de: {  	v5 =	vld.idx.msk [tilespmem:v33+s29+$0x0], $0xffff  }
0x1df: {  	v6 =	vor.u32 $0x200, v3  }
0x1e0: {  	v7 =	vor.u32 $0x402, v2  }
0x1e1: {  	v34 =	vor.u32 $0x403, v2;
	_ =	sdelay $0x1  }
0x1e2: {  	v4 =	vpack.i.f32.bf16 v5, v4  }
0x1e3: {  	[tilespmem:v6+s30+$0x0] =	vst.idx.msk $0xffff, v4  }
0x1e4: {  	v4 =	vld.idx.msk [tilespmem:v7+s29+$0x0], $0xffff  }
0x1e5: {  	v5 =	vld.idx.msk [tilespmem:v34+s29+$0x0], $0xffff  }
0x1e6: {  	v6 =	vor.u32 $0x201, v3  }
0x1e7: {  	v7 =	vor.u32 $0x404, v2  }
0x1e8: {  	v35 =	vor.u32 $0x405, v2;
	_ =	sdelay $0x1  }
0x1e9: {  	v4 =	vpack.i.f32.bf16 v5, v4  }
0x1ea: {  	[tilespmem:v6+s30+$0x0] =	vst.idx.msk $0xffff, v4  }
0x1eb: {  	v4 =	vld.idx.msk [tilespmem:v7+s29+$0x0], $0xffff  }
0x1ec: {  	v5 =	vld.idx.msk [tilespmem:v35+s29+$0x0], $0xffff  }
0x1ed: {  	v6 =	vor.u32 $0x202, v3  }
0x1ee: {  	v7 =	vor.u32 $0x406, v2  }
0x1ef: {  	v36 =	vor.u32 $0x407, v2;
	_ =	sdelay $0x1  }
0x1f0: {  	v4 =	vpack.i.f32.bf16 v5, v4  }
0x1f1: {  	[tilespmem:v6+s30+$0x0] =	vst.idx.msk $0xffff, v4  }
0x1f2: {  	v4 =	vld.idx.msk [tilespmem:v7+s29+$0x0], $0xffff  }
0x1f3: {  	v5 =	vld.idx.msk [tilespmem:v36+s29+$0x0], $0xffff  }
0x1f4: {  	v6 =	vor.u32 $0x203, v3  }
0x1f5: {  	v7 =	vor.u32 $0x408, v2  }
0x1f6: {  	v37 =	vor.u32 $0x409, v2;
	_ =	sdelay $0x1  }
0x1f7: {  	v4 =	vpack.i.f32.bf16 v5, v4  }
0x1f8: {  	[tilespmem:v6+s30+$0x0] =	vst.idx.msk $0xffff, v4  }
0x1f9: {  	v4 =	vld.idx.msk [tilespmem:v7+s29+$0x0], $0xffff  }
0x1fa: {  	v5 =	vld.idx.msk [tilespmem:v37+s29+$0x0], $0xffff  }
0x1fb: {  	v6 =	vor.u32 $0x204, v3  }
0x1fc: {  	v7 =	vor.u32 $0x40A, v2  }
0x1fd: {  	v38 =	vor.u32 $0x40B, v2;
	_ =	sdelay $0x1  }
0x1fe: {  	v4 =	vpack.i.f32.bf16 v5, v4  }
0x1ff: {  	[tilespmem:v6+s30+$0x0] =	vst.idx.msk $0xffff, v4  }
0x200: {  	v4 =	vld.idx.msk [tilespmem:v7+s29+$0x0], $0xffff  }
0x201: {  	v5 =	vld.idx.msk [tilespmem:v38+s29+$0x0], $0xffff  }
0x202: {  	v6 =	vor.u32 $0x205, v3  }
0x203: {  	v7 =	vor.u32 $0x40C, v2  }
0x204: {  	v39 =	vor.u32 $0x40D, v2;
	_ =	sdelay $0x1  }
0x205: {  	v4 =	vpack.i.f32.bf16 v5, v4  }
0x206: {  	[tilespmem:v6+s30+$0x0] =	vst.idx.msk $0xffff, v4  }
0x207: {  	v4 =	vld.idx.msk [tilespmem:v7+s29+$0x0], $0xffff  }
0x208: {  	v5 =	vld.idx.msk [tilespmem:v39+s29+$0x0], $0xffff  }
0x209: {  	v6 =	vor.u32 $0x206, v3  }
0x20a: {  	v7 =	vor.u32 $0x40E, v2  }
0x20b: {  	v40 =	vor.u32 $0x40F, v2;
	_ =	sdelay $0x1  }
0x20c: {  	v4 =	vpack.i.f32.bf16 v5, v4  }
0x20d: {  	[tilespmem:v6+s30+$0x0] =	vst.idx.msk $0xffff, v4  }
0x20e: {  	v4 =	vld.idx.msk [tilespmem:v7+s29+$0x0], $0xffff  }
0x20f: {  	v5 =	vld.idx.msk [tilespmem:v40+s29+$0x0], $0xffff  }
0x210: {  	v6 =	vor.u32 $0x207, v3  }
0x211: {  	v7 =	vor.u32 $0x410, v2  }
0x212: {  	v41 =	vor.u32 $0x411, v2;
	_ =	sdelay $0x1  }
0x213: {  	v4 =	vpack.i.f32.bf16 v5, v4  }
0x214: {  	[tilespmem:v6+s30+$0x0] =	vst.idx.msk $0xffff, v4  }
0x215: {  	v4 =	vld.idx.msk [tilespmem:v7+s29+$0x0], $0xffff  }
0x216: {  	v5 =	vld.idx.msk [tilespmem:v41+s29+$0x0], $0xffff  }
0x217: {  	v6 =	vor.u32 $0x208, v3  }
0x218: {  	v7 =	vor.u32 $0x412, v2  }
0x219: {  	v42 =	vor.u32 $0x413, v2;
	_ =	sdelay $0x1  }
0x21a: {  	v4 =	vpack.i.f32.bf16 v5, v4  }
0x21b: {  	[tilespmem:v6+s30+$0x0] =	vst.idx.msk $0xffff, v4  }
0x21c: {  	v4 =	vld.idx.msk [tilespmem:v7+s29+$0x0], $0xffff  }
0x21d: {  	v5 =	vld.idx.msk [tilespmem:v42+s29+$0x0], $0xffff  }
0x21e: {  	v6 =	vor.u32 $0x209, v3  }
0x21f: {  	v7 =	vor.u32 $0x414, v2  }
0x220: {  	v43 =	vor.u32 $0x415, v2;
	_ =	sdelay $0x1  }
0x221: {  	v4 =	vpack.i.f32.bf16 v5, v4  }
0x222: {  	[tilespmem:v6+s30+$0x0] =	vst.idx.msk $0xffff, v4  }
0x223: {  	v4 =	vld.idx.msk [tilespmem:v7+s29+$0x0], $0xffff  }
0x224: {  	v5 =	vld.idx.msk [tilespmem:v43+s29+$0x0], $0xffff  }
0x225: {  	v6 =	vor.u32 $0x20A, v3  }
0x226: {  	v7 =	vor.u32 $0x416, v2  }
0x227: {  	v44 =	vor.u32 $0x417, v2;
	_ =	sdelay $0x1  }
0x228: {  	v4 =	vpack.i.f32.bf16 v5, v4  }
0x229: {  	[tilespmem:v6+s30+$0x0] =	vst.idx.msk $0xffff, v4  }
0x22a: {  	v4 =	vld.idx.msk [tilespmem:v7+s29+$0x0], $0xffff  }
0x22b: {  	v5 =	vld.idx.msk [tilespmem:v44+s29+$0x0], $0xffff  }
0x22c: {  	v6 =	vor.u32 $0x20B, v3  }
0x22d: {  	v7 =	vor.u32 $0x418, v2  }
0x22e: {  	v45 =	vor.u32 $0x419, v2;
	_ =	sdelay $0x1  }
0x22f: {  	v4 =	vpack.i.f32.bf16 v5, v4  }
0x230: {  	[tilespmem:v6+s30+$0x0] =	vst.idx.msk $0xffff, v4  }
0x231: {  	v4 =	vld.idx.msk [tilespmem:v7+s29+$0x0], $0xffff  }
0x232: {  	v5 =	vld.idx.msk [tilespmem:v45+s29+$0x0], $0xffff  }
0x233: {  	v6 =	vor.u32 $0x20C, v3  }
0x234: {  	v7 =	vor.u32 $0x41A, v2  }
0x235: {  	v46 =	vor.u32 $0x41B, v2;
	_ =	sdelay $0x1  }
0x236: {  	v4 =	vpack.i.f32.bf16 v5, v4  }
0x237: {  	[tilespmem:v6+s30+$0x0] =	vst.idx.msk $0xffff, v4  }
0x238: {  	v4 =	vld.idx.msk [tilespmem:v7+s29+$0x0], $0xffff  }
0x239: {  	v5 =	vld.idx.msk [tilespmem:v46+s29+$0x0], $0xffff  }
0x23a: {  	v6 =	vor.u32 $0x20D, v3  }
0x23b: {  	v7 =	vor.u32 $0x41C, v2  }
0x23c: {  	v47 =	vor.u32 $0x41D, v2;
	_ =	sdelay $0x1  }
0x23d: {  	v4 =	vpack.i.f32.bf16 v5, v4  }
0x23e: {  	[tilespmem:v6+s30+$0x0] =	vst.idx.msk $0xffff, v4  }
0x23f: {  	v4 =	vld.idx.msk [tilespmem:v7+s29+$0x0], $0xffff  }
0x240: {  	v5 =	vld.idx.msk [tilespmem:v47+s29+$0x0], $0xffff  }
0x241: {  	v6 =	vor.u32 $0x20E, v3  }
0x242: {  	v7 =	vor.u32 $0x41E, v2  }
0x243: {  	v48 =	vor.u32 $0x41F, v2;
	_ =	sdelay $0x1  }
0x244: {  	v4 =	vpack.i.f32.bf16 v5, v4  }
0x245: {  	[tilespmem:v6+s30+$0x0] =	vst.idx.msk $0xffff, v4  }
0x246: {  	v4 =	vld.idx.msk [tilespmem:v7+s29+$0x0], $0xffff  }
0x247: {  	v5 =	vld.idx.msk [tilespmem:v48+s29+$0x0], $0xffff  }
0x248: {  	v6 =	vor.u32 $0x20F, v3  }
0x249: {  	v7 =	vor.u32 $0x600, v2  }
0x24a: {  	v49 =	vor.u32 $0x601, v2;
	_ =	sdelay $0x1  }
0x24b: {  	v4 =	vpack.i.f32.bf16 v5, v4  }
0x24c: {  	[tilespmem:v6+s30+$0x0] =	vst.idx.msk $0xffff, v4  }
0x24d: {  	v4 =	vld.idx.msk [tilespmem:v7+s29+$0x0], $0xffff  }
0x24e: {  	v5 =	vld.idx.msk [tilespmem:v49+s29+$0x0], $0xffff  }
0x24f: {  	v6 =	vor.u32 $0x300, v3  }
0x250: {  	v7 =	vor.u32 $0x602, v2  }
0x251: {  	v50 =	vor.u32 $0x603, v2;
	_ =	sdelay $0x1  }
0x252: {  	v4 =	vpack.i.f32.bf16 v5, v4  }
0x253: {  	[tilespmem:v6+s30+$0x0] =	vst.idx.msk $0xffff, v4  }
0x254: {  	v4 =	vld.idx.msk [tilespmem:v7+s29+$0x0], $0xffff  }
0x255: {  	v5 =	vld.idx.msk [tilespmem:v50+s29+$0x0], $0xffff  }
0x256: {  	v6 =	vor.u32 $0x301, v3  }
0x257: {  	v7 =	vor.u32 $0x604, v2  }
0x258: {  	v51 =	vor.u32 $0x605, v2;
	_ =	sdelay $0x1  }
0x259: {  	v4 =	vpack.i.f32.bf16 v5, v4  }
0x25a: {  	[tilespmem:v6+s30+$0x0] =	vst.idx.msk $0xffff, v4  }
0x25b: {  	v4 =	vld.idx.msk [tilespmem:v7+s29+$0x0], $0xffff  }
0x25c: {  	v5 =	vld.idx.msk [tilespmem:v51+s29+$0x0], $0xffff  }
0x25d: {  	v6 =	vor.u32 $0x302, v3  }
0x25e: {  	v7 =	vor.u32 $0x606, v2  }
0x25f: {  	v52 =	vor.u32 $0x607, v2;
	_ =	sdelay $0x1  }
0x260: {  	v4 =	vpack.i.f32.bf16 v5, v4  }
0x261: {  	[tilespmem:v6+s30+$0x0] =	vst.idx.msk $0xffff, v4  }
0x262: {  	v4 =	vld.idx.msk [tilespmem:v7+s29+$0x0], $0xffff  }
0x263: {  	v5 =	vld.idx.msk [tilespmem:v52+s29+$0x0], $0xffff  }
0x264: {  	v6 =	vor.u32 $0x303, v3  }
0x265: {  	v7 =	vor.u32 $0x608, v2  }
0x266: {  	v53 =	vor.u32 $0x609, v2;
	_ =	sdelay $0x1  }
0x267: {  	v4 =	vpack.i.f32.bf16 v5, v4  }
0x268: {  	[tilespmem:v6+s30+$0x0] =	vst.idx.msk $0xffff, v4  }
0x269: {  	v4 =	vld.idx.msk [tilespmem:v7+s29+$0x0], $0xffff  }
0x26a: {  	v5 =	vld.idx.msk [tilespmem:v53+s29+$0x0], $0xffff  }
0x26b: {  	v6 =	vor.u32 $0x304, v3  }
0x26c: {  	v7 =	vor.u32 $0x60A, v2  }
0x26d: {  	v54 =	vor.u32 $0x60B, v2;
	_ =	sdelay $0x1  }
0x26e: {  	v4 =	vpack.i.f32.bf16 v5, v4  }
0x26f: {  	[tilespmem:v6+s30+$0x0] =	vst.idx.msk $0xffff, v4  }
0x270: {  	v4 =	vld.idx.msk [tilespmem:v7+s29+$0x0], $0xffff  }
0x271: {  	v5 =	vld.idx.msk [tilespmem:v54+s29+$0x0], $0xffff  }
0x272: {  	v6 =	vor.u32 $0x305, v3  }
0x273: {  	v7 =	vor.u32 $0x60C, v2  }
0x274: {  	v55 =	vor.u32 $0x60D, v2;
	_ =	sdelay $0x1  }
0x275: {  	v4 =	vpack.i.f32.bf16 v5, v4  }
0x276: {  	[tilespmem:v6+s30+$0x0] =	vst.idx.msk $0xffff, v4  }
0x277: {  	v4 =	vld.idx.msk [tilespmem:v7+s29+$0x0], $0xffff  }
0x278: {  	v5 =	vld.idx.msk [tilespmem:v55+s29+$0x0], $0xffff  }
0x279: {  	v6 =	vor.u32 $0x306, v3  }
0x27a: {  	v7 =	vor.u32 $0x60E, v2  }
0x27b: {  	v56 =	vor.u32 $0x60F, v2;
	_ =	sdelay $0x1  }
0x27c: {  	v4 =	vpack.i.f32.bf16 v5, v4  }
0x27d: {  	[tilespmem:v6+s30+$0x0] =	vst.idx.msk $0xffff, v4  }
0x27e: {  	v4 =	vld.idx.msk [tilespmem:v7+s29+$0x0], $0xffff  }
0x27f: {  	v5 =	vld.idx.msk [tilespmem:v56+s29+$0x0], $0xffff  }
0x280: {  	v6 =	vor.u32 $0x307, v3  }
0x281: {  	v7 =	vor.u32 $0x610, v2  }
0x282: {  	v57 =	vor.u32 $0x611, v2;
	_ =	sdelay $0x1  }
0x283: {  	v4 =	vpack.i.f32.bf16 v5, v4  }
0x284: {  	[tilespmem:v6+s30+$0x0] =	vst.idx.msk $0xffff, v4  }
0x285: {  	v4 =	vld.idx.msk [tilespmem:v7+s29+$0x0], $0xffff  }
0x286: {  	v5 =	vld.idx.msk [tilespmem:v57+s29+$0x0], $0xffff  }
0x287: {  	v6 =	vor.u32 $0x308, v3  }
0x288: {  	v7 =	vor.u32 $0x612, v2  }
0x289: {  	v58 =	vor.u32 $0x613, v2;
	_ =	sdelay $0x1  }
0x28a: {  	v4 =	vpack.i.f32.bf16 v5, v4  }
0x28b: {  	[tilespmem:v6+s30+$0x0] =	vst.idx.msk $0xffff, v4  }
0x28c: {  	v4 =	vld.idx.msk [tilespmem:v7+s29+$0x0], $0xffff  }
0x28d: {  	v5 =	vld.idx.msk [tilespmem:v58+s29+$0x0], $0xffff  }
0x28e: {  	v6 =	vor.u32 $0x309, v3  }
0x28f: {  	v7 =	vor.u32 $0x614, v2  }
0x290: {  	v59 =	vor.u32 $0x615, v2;
	_ =	sdelay $0x1  }
0x291: {  	v4 =	vpack.i.f32.bf16 v5, v4  }
0x292: {  	[tilespmem:v6+s30+$0x0] =	vst.idx.msk $0xffff, v4  }
0x293: {  	v4 =	vld.idx.msk [tilespmem:v7+s29+$0x0], $0xffff  }
0x294: {  	v5 =	vld.idx.msk [tilespmem:v59+s29+$0x0], $0xffff  }
0x295: {  	v6 =	vor.u32 $0x30A, v3  }
0x296: {  	v7 =	vor.u32 $0x616, v2  }
0x297: {  	v60 =	vor.u32 $0x617, v2;
	_ =	sdelay $0x1  }
0x298: {  	v4 =	vpack.i.f32.bf16 v5, v4  }
0x299: {  	[tilespmem:v6+s30+$0x0] =	vst.idx.msk $0xffff, v4  }
0x29a: {  	v4 =	vld.idx.msk [tilespmem:v7+s29+$0x0], $0xffff  }
0x29b: {  	v5 =	vld.idx.msk [tilespmem:v60+s29+$0x0], $0xffff  }
0x29c: {  	v6 =	vor.u32 $0x30B, v3  }
0x29d: {  	v7 =	vor.u32 $0x618, v2  }
0x29e: {  	v61 =	vor.u32 $0x619, v2;
	_ =	sdelay $0x1  }
0x29f: {  	v4 =	vpack.i.f32.bf16 v5, v4  }
0x2a0: {  	[tilespmem:v6+s30+$0x0] =	vst.idx.msk $0xffff, v4  }
0x2a1: {  	v4 =	vld.idx.msk [tilespmem:v7+s29+$0x0], $0xffff  }
0x2a2: {  	v5 =	vld.idx.msk [tilespmem:v61+s29+$0x0], $0xffff  }
0x2a3: {  	v6 =	vor.u32 $0x30C, v3  }
0x2a4: {  	v7 =	vor.u32 $0x61A, v2  }
0x2a5: {  	v62 =	vor.u32 $0x61B, v2;
	_ =	sdelay $0x1  }
0x2a6: {  	v4 =	vpack.i.f32.bf16 v5, v4  }
0x2a7: {  	[tilespmem:v6+s30+$0x0] =	vst.idx.msk $0xffff, v4  }
0x2a8: {  	v4 =	vld.idx.msk [tilespmem:v7+s29+$0x0], $0xffff  }
0x2a9: {  	v5 =	vld.idx.msk [tilespmem:v62+s29+$0x0], $0xffff  }
0x2aa: {  	v6 =	vor.u32 $0x30D, v3  }
0x2ab: {  	v7 =	vor.u32 $0x61C, v2  }
0x2ac: {  	v63 =	vor.u32 $0x61D, v2;
	_ =	sdelay $0x1  }
0x2ad: {  	v4 =	vpack.i.f32.bf16 v5, v4  }
0x2ae: {  	[tilespmem:v6+s30+$0x0] =	vst.idx.msk $0xffff, v4  }
0x2af: {  	v4 =	vld.idx.msk [tilespmem:v7+s29+$0x0], $0xffff  }
0x2b0: {  	v5 =	vld.idx.msk [tilespmem:v63+s29+$0x0], $0xffff  }
0x2b1: {  	v6 =	vor.u32 $0x30E, v3  }
0x2b2: {  	v7 =	vor.u32 $0x61E, v2  }
0x2b3: {  	v2 =	vor.u32 $0x61F, v2;
	_ =	sdelay $0x1  }
0x2b4: {  	v4 =	vpack.i.f32.bf16 v5, v4  }
0x2b5: {  	[tilespmem:v6+s30+$0x0] =	vst.idx.msk $0xffff, v4  }
0x2b6: {  	v4 =	vld.idx.msk [tilespmem:v7+s29+$0x0], $0xffff  }
0x2b7: {  	v2 =	vld.idx.msk [tilespmem:v2+s29+$0x0], $0xffff  }
0x2b8: {  	v3 =	vor.u32 $0x30F, v3;
	_ =	sdelay $0x3  }
0x2b9: {  	s8 =	sshrl.u32 s8, $0x2;
	v2 =	vpack.i.f32.bf16 v2, v4  }
0x2ba: {  	s8 =	sadd.s32 s8, s7;
	[tilespmem:v3+s30+$0x0] =	vst.idx.msk $0xffff, v2  }
0x2bb: {  	[spmem:s8] =	stream.linear.scatter [tilespmem:s30], [sflag:$0x5], $0x400, $0x38;
	[tilespmem:$0x12910] =	vst v63  }
0x2bc: {  	_ =	swait.ge [sflag:s9], $0x400  }
0x2bd: {  	[sflag:s9] =	ssyncset.done $0x0  }
0x2be: {  	[sflag:s9] =	ssyncadd.s32 $0xFFFFFC00  }
0x2bf: {  	s8 =	simm.s32 $0xD000;
	[bflag:$0x0] =	sbarrier.arrive $0xFFFF  }
0x2c0: {  	[tilespmem:s8], [sflag:$0x5] =	stream.linear.gather [spmem:s7], $0x4000, $0x38;
	[tilespmem:$0x12910] =	vst v63  }
0x2c1: {  	_ =	swait.ge [sflag:s9], $0x4000  }
0x2c2: {  	[sflag:s9] =	ssyncset.done $0x0  }
0x2c3: {  	s7 =	simm.s32 $0x11000;
	[sflag:s9] =	ssyncadd.s32 $0xFFFFC000  }
0x2c4: {  	[tilespmem:s7], [sflag:$0x5] =	stream.linear.gather [spmem:s6], $0x400, $0x38;
	[tilespmem:$0x12910] =	vst v63  }
0x2c5: {  	_ =	swait.ge [sflag:s9], $0x400  }
0x2c6: {  	[sflag:s9] =	ssyncset.done $0x0  }
0x2c7: {  	s31 =	simm.s32 $0x2;
	[sflag:s9] =	ssyncadd.s32 $0xFFFFFC00  }
0x2c8: {  	_ =	swait.ge [sflag:s31], $0x4000  }
0x2c9: {  	v2 =	vshrl.u32 v1, $0x3;
	[sflag:s31] =	ssyncset.done $0x0  }
0x2ca: {  	v4 =	vand.u32 $0x7, v1;
	v3 =	vmul.u32 $0x8, v2;
	v2 =	vimm.f32 $0.0e+00;
	s6 =	simm.s32 $0x0;
	[sflag:s31] =	ssyncadd.s32 $0xFFFFC000  }
.LBB2_1:
0x2cb: {  	s9 =	sshll.u32 s6, $0x4  }
0x2cc: {  	v5 =	vmov s9  }
0x2cd: {  	v5 =	vand.u32 $0x3F8, v5  }
0x2ce: {  	v5 =	vor.u32 v3, v5  }
0x2cf: {  	v5 =	vor.u32 v4, v5;
	_ =	sdelay $0x4  }
0x2d0: {  	s25 =	simm.s32 $0x3;
	v5 =	vld.idx.msk [tilespmem:v5+s5+$0x0], $0xffff  }
0x2d1: {  	v8 =	vmov s25  }
0x2d2: {  	v8 =	vand.u32 $0xF, v8  }
0x2d3: {  	v6 =	vmov s3;
	v7 =	vor.u32 s9, v1;
	v8 =	vbroadcast v8, $0x0  }
0x2d4: {  	s28 =	simm.s32 $0x1;
	v6 =	vand.u32 $0xC, v6;
	v7 =	vshll.u32 v7, $0x4  }
0x2d5: {  	v12 =	vmov s28;
	v9 =	vbroadcast v6, $0x0;
	v13 =	vor.u32 v7, v8  }
0x2d6: {  	v12 =	vand.u32 $0xD, v12  }
0x2d7: {  	v12 =	vbroadcast v12, $0x0;
	v11 =	vor.u32 v7, v9;
	v6 =	vshll.u32 v5, $0x4  }
0x2d8: {  	s26 =	simm.s32 $0x2;
	v9 =	vor.u32 v6, v9;
	v10 =	vld.idx.msk [tilespmem:v5+s7+$0x0], $0xffff  }
0x2d9: {  	v18 =	vor.u32 v6, v12;
	v5 =	vmov s26  }
0x2da: {  	v19 =	vld.idx.msk [tilespmem:v13+s4+$0x0], $0xffff;
	v5 =	vand.u32 $0xE, v5  }
0x2db: {  	v5 =	vbroadcast v5, $0x0  }
0x2dc: {  	s10 =	simm.s32 $0x7;
	v15 =	vld.idx.msk [tilespmem:v11+s4+$0x0], $0xffff;
	v8 =	vor.u32 v6, v8  }
0x2dd: {  	s29 =	simm.s32 $0x4;
	v16 =	vmov s10;
	v17 =	vld.idx.msk [tilespmem:v9+s8+$0x0], $0xffff;
	v14 =	vor.u32 v7, v5;
	v10 =	vmax.f32 v10, $1.000000000e+00  }
0x2de: {  	v11 =	vmov s29;
	v18 =	vld.idx.msk [tilespmem:v18+s8+$0x0], $0xffff;
	v5 =	vor.u32 v6, v5;
	(erf) = vrcp.f32 v10  }
0x2df: {  	s31 =	simm.s32 $0x6;
	v25 =	vunpack.i.u.bf16.f32 v19;
	v9 =	vand.u32 $0xC, v11;
	v10 =	vor.u32 v7, v12  }
0x2e0: {  	s30 =	simm.s32 $0x5;
	v26 =	vunpack.i.l.bf16.f32 v19;
	v21 =	vbroadcast v9, $0x0;
	v12 =	vmov s31  }
0x2e1: {  	v11 =	vmov s30;
	v9 =	vand.u32 $0xE, v12;
	v12 =	vand.u32 $0xF, v16;
	v16 =	vld.idx.msk [tilespmem:v8+s8+$0x0], $0xffff  }
0x2e2: {  	v13 =	vor.u32 v7, v21;
	v8 =	vand.u32 $0xD, v11;
	v9 =	vbroadcast v9, $0x0;
	v20 =	vld.idx.msk [tilespmem:v14+s4+$0x0], $0xffff  }
0x2e3: {  	v24 =	vunpack.i.u.bf16.f32 v17;
	v17 =	vunpack.i.l.bf16.f32 v17;
	v30 =	vunpack.i.l.bf16.f32 v18;
	v23 =	vld.idx.msk [tilespmem:v5+s8+$0x0], $0xffff  }
0x2e4: {  	v18 =	vunpack.i.u.bf16.f32 v18;
	v14 =	vbroadcast v12, $0x0;
	v12 =	vor.u32 v6, v21;
	v22 =	vld.idx.msk [tilespmem:v10+s4+$0x0], $0xffff  }
0x2e5: {  	v21 =	vunpack.i.u.bf16.f32 v15;
	v15 =	vunpack.i.l.bf16.f32 v15;
	v10 =	vbroadcast v8, $0x0  }
0x2e6: {  	v8 =	vor.u32 v7, v9;
	v11 =	vor.u32 v7, v14;
	v27 =	vunpack.i.u.bf16.f32 v16  }
0x2e7: {  	v16 =	vunpack.i.l.bf16.f32 v16;
	v19 =	vunpack.i.u.bf16.f32 v20;
	v20 =	vunpack.i.l.bf16.f32 v20;
	v5 =	vpop (erf)  }
0x2e8: {  	v29 =	vunpack.i.u.bf16.f32 v23;
	v23 =	vunpack.i.l.bf16.f32 v23;
	v17 =	vmul.f32 v17, v5  }
0x2e9: {  	v28 =	vunpack.i.u.bf16.f32 v22;
	v24 =	vmul.f32 v24, v5;
	v16 =	vmul.f32 v16, v5  }
0x2ea: {  	v22 =	vunpack.i.l.bf16.f32 v22;
	v30 =	vmul.f32 v30, v5;
	v27 =	vmul.f32 v27, v5  }
0x2eb: {  	v18 =	vmul.f32 v18, v5;
	v15 =	vsub.f32 v15, v17;
	v17 =	vsub.f32 v21, v24  }
0x2ec: {  	v21 =	vsub.f32 v22, v30;
	v22 =	vmul.f32 v23, v5;
	v23 =	vmul.f32 v29, v5  }
0x2ed: {  	v28 =	vsub.f32 v28, v18;
	v15 =	vmul.f32 v15, v15;
	v24 =	vmul.f32 v17, v17  }
0x2ee: {  	v18 =	vmul.f32 v21, v21;
	v20 =	vsub.f32 v20, v22;
	v17 =	vsub.f32 v19, v23  }
0x2ef: {  	v22 =	vmul.f32 v28, v28;
	v21 =	vadd.f32 v15, v0;
	v19 =	vadd.f32 v24, v0  }
0x2f0: {  	s9 =	simm.s32 $0x8;
	v15 =	vmul.f32 v20, v20;
	v20 =	vsub.f32 v26, v16;
	v16 =	vsub.f32 v25, v27  }
.LBB2_2:
0x2f1: {  	p0 =	sne.s32 s9, $0xC;
	v18 =	vadd.f32 v18, v21;
	v19 =	vadd.f32 v22, v19;
	v17 =	vmul.f32 v17, v17  }
0x2f2: {  	v21 =	vor.u32 v7, v10;
	v14 =	vor.u32 v6, v14;
	v20 =	vmul.f32 v20, v20  }
0x2f3: {  	s10 =	sadd.s32 $0x3, s9;
	v16 =	vmul.f32 v16, v16;
	v22 =	vld.idx.msk [tilespmem:v13+s4+$0x0], $0xffff;
	v13 =	vadd.f32 v15, v18;
	v15 =	vadd.f32 v17, v19  }
0x2f4: {  	v17 =	vmov s9;
	v18 =	vmov s10;
	v19 =	vld.idx.msk [tilespmem:v12+s8+$0x0], $0xffff;
	v12 =	vor.u32 v6, v9  }
0x2f5: {  	s11 =	sadd.s32 $0x2, s9;
	v23 =	vor.u32 v6, v10;
	s10 =	sadd.s32 $0x1, s9;
	v24 =	vld.idx.msk [tilespmem:v11+s4+$0x0], $0xffff;
	v20 =	vadd.f32 v20, v13;
	v15 =	vadd.f32 v16, v15  }
0x2f6: {  	v9 =	vand.u32 $0xC, v17;
	v10 =	vmov s10;
	v11 =	vmov s11;
	v16 =	vld.idx.msk [tilespmem:v8+s4+$0x0], $0xffff  }
0x2f7: {  	v8 =	vbroadcast v9, $0x0;
	v9 =	vand.u32 $0xE, v11;
	v11 =	vand.u32 $0xF, v18;
	v17 =	vld.idx.msk [tilespmem:v14+s8+$0x0], $0xffff  }
0x2f8: {  	v10 =	vand.u32 $0xD, v10;
	v9 =	vbroadcast v9, $0x0;
	v14 =	vbroadcast v11, $0x0;
	v18 =	vld.idx.msk [tilespmem:v21+s4+$0x0], $0xffff  }
0x2f9: {  	v10 =	vbroadcast v10, $0x0;
	v13 =	vor.u32 v7, v8;
	v21 =	vld.idx.msk [tilespmem:v12+s8+$0x0], $0xffff  }
0x2fa: {  	v12 =	vor.u32 v6, v8;
	v8 =	vor.u32 v7, v9;
	v11 =	vor.u32 v7, v14;
	v23 =	vld.idx.msk [tilespmem:v23+s8+$0x0], $0xffff  }
0x2fb: {  	v25 =	vunpack.i.u.bf16.f32 v22;
	v22 =	vunpack.i.l.bf16.f32 v22;
	v26 =	vunpack.i.u.bf16.f32 v19  }
0x2fc: {  	v19 =	vunpack.i.l.bf16.f32 v19;
	v27 =	vunpack.i.u.bf16.f32 v24;
	v24 =	vunpack.i.l.bf16.f32 v24  }
0x2fd: {  	v28 =	vunpack.i.u.bf16.f32 v16;
	v16 =	vunpack.i.l.bf16.f32 v16;
	v29 =	vunpack.i.u.bf16.f32 v17  }
0x2fe: {  	v17 =	vunpack.i.l.bf16.f32 v17;
	v30 =	vunpack.i.u.bf16.f32 v18;
	v18 =	vunpack.i.l.bf16.f32 v18  }
0x2ff: {  	v19 =	vmul.f32 v19, v5;
	v31 =	vunpack.i.u.bf16.f32 v21;
	v21 =	vunpack.i.l.bf16.f32 v21  }
0x300: {  	v26 =	vmul.f32 v26, v5;
	v33 =	vmul.f32 v17, v5;
	v32 =	vunpack.i.l.bf16.f32 v23  }
0x301: {  	v29 =	vmul.f32 v29, v5;
	v17 =	vunpack.i.u.bf16.f32 v23;
	v23 =	vmul.f32 v32, v5  }
0x302: {  	v19 =	vsub.f32 v22, v19;
	v22 =	vsub.f32 v25, v26;
	v17 =	vmul.f32 v17, v5  }
.Ltmp0:
0x303: {  	v21 =	vmul.f32 v21, v5;
	v18 =	vsub.f32 v18, v23;
	v23 =	vmul.f32 v31, v5;
	(pc) =	sbr.rel @p0 .LBB2_2-.Ltmp0, $4  }
0x304: {  	v19 =	vmul.f32 v19, v19;
	v22 =	vmul.f32 v22, v22;
	v25 =	vsub.f32 v30, v17  }
0x305: {  	v16 =	vsub.f32 v16, v21;
	v18 =	vmul.f32 v18, v18;
	v17 =	vsub.f32 v28, v23  }
0x306: {  	v21 =	vadd.f32 v19, v20;
	v19 =	vadd.f32 v22, v15;
	v22 =	vmul.f32 v25, v25  }
0x307: {  	s9 =	sadd.s32 $0x4, s9;
	v20 =	vsub.f32 v24, v33;
	v15 =	vmul.f32 v16, v16;
	v16 =	vsub.f32 v27, v29  }
0x308: {  	_ =	sdelay $0x2  }
0x309: {  	v14 =	vor.u32 v6, v14  }
0x30a: {  	v7 =	vor.u32 v7, v10;
	v13 =	vld.idx.msk [tilespmem:v13+s4+$0x0], $0xffff  }
0x30b: {  	v18 =	vadd.f32 v18, v21;
	v12 =	vld.idx.msk [tilespmem:v12+s8+$0x0], $0xffff;
	v9 =	vor.u32 v6, v9  }
0x30c: {  	v19 =	vadd.f32 v22, v19;
	v17 =	vmul.f32 v17, v17;
	v6 =	vor.u32 v6, v10;
	v46 =	vld.idx.msk [tilespmem:v11+s4+$0x0], $0xffff  }
0x30d: {  	v8 =	vld.idx.msk [tilespmem:v8+s4+$0x0], $0xffff;
	v47 =	vmul.f32 v20, v20  }
0x30e: {  	v16 =	vmul.f32 v16, v16;
	v15 =	vadd.f32 v15, v18;
	v17 =	vadd.f32 v17, v19;
	v14 =	vld.idx.msk [tilespmem:v14+s8+$0x0], $0xffff  }
0x30f: {  	v7 =	vld.idx.msk [tilespmem:v7+s4+$0x0], $0xffff  }
0x310: {  	v11 =	vadd.f32 v47, v15;
	v48 =	vadd.f32 v16, v17;
	v9 =	vld.idx.msk [tilespmem:v9+s8+$0x0], $0xffff  }
0x311: {  	v6 =	vld.idx.msk [tilespmem:v6+s8+$0x0], $0xffff;
	v49 =	vunpack.i.u.bf16.f32 v13;
	v50 =	vunpack.i.u.bf16.f32 v12;
	v12 =	vunpack.i.l.bf16.f32 v12  }
0x312: {  	v13 =	vunpack.i.l.bf16.f32 v13;
	v12 =	vmul.f32 v12, v5;
	v17 =	vmul.f32 v50, v5  }
0x313: {  	v51 =	vunpack.i.u.bf16.f32 v46;
	v10 =	vunpack.i.l.bf16.f32 v46;
	v52 =	vunpack.i.u.bf16.f32 v8  }
0x314: {  	v8 =	vunpack.i.l.bf16.f32 v8;
	v12 =	vsub.f32 v13, v12;
	v56 =	vsub.f32 v49, v17  }
0x315: {  	v53 =	vunpack.i.u.bf16.f32 v14;
	v54 =	vunpack.i.u.bf16.f32 v7;
	v7 =	vunpack.i.l.bf16.f32 v7  }
0x316: {  	v14 =	vunpack.i.l.bf16.f32 v14;
	v55 =	vunpack.i.u.bf16.f32 v9;
	v23 =	vunpack.i.l.bf16.f32 v6  }
0x317: {  	v6 =	vunpack.i.u.bf16.f32 v6;
	v12 =	vmul.f32 v12, v12;
	v13 =	vmul.f32 v56, v56  }
0x318: {  	v9 =	vunpack.i.l.bf16.f32 v9;
	v23 =	vmul.f32 v23, v5;
	v6 =	vmul.f32 v6, v5  }
0x319: {  	v14 =	vmul.f32 v14, v5;
	v9 =	vmul.f32 v9, v5;
	v11 =	vadd.f32 v12, v11  }
0x31a: {  	v57 =	vmul.f32 v55, v5;
	v7 =	vsub.f32 v7, v23;
	v6 =	vsub.f32 v54, v6  }
0x31b: {  	v20 =	vmul.f32 v53, v5;
	v59 =	vadd.f32 v13, v48;
	v8 =	vsub.f32 v8, v9  }
0x31c: {  	v58 =	vsub.f32 v52, v57;
	v7 =	vmul.f32 v7, v7;
	v6 =	vmul.f32 v6, v6  }
0x31d: {  	v10 =	vsub.f32 v10, v14;
	v60 =	vsub.f32 v51, v20;
	v8 =	vmul.f32 v8, v8  }
0x31e: {  	v9 =	vmul.f32 v58, v58;
	v7 =	vadd.f32 v7, v11;
	v6 =	vadd.f32 v6, v59  }
0x31f: {  	v10 =	vmul.f32 v10, v10  }
0x320: {  	v61 =	vmul.f32 v60, v60;
	v7 =	vadd.f32 v8, v7;
	v6 =	vadd.f32 v9, v6;
	_ =	sdelay $0x1  }
0x321: {  	v7 =	vadd.f32 v10, v7;
	v6 =	vadd.f32 v61, v6;
	_ =	sdelay $0x1  }
0x322: {  	v6 =	vadd.f32 v6, v7;
	_ =	sdelay $0x1  }
0x323: {  	v7 =	vshrl.u32 v6, $0x1;
	v62 =	vmul.f32 $5.000000000e-01, v6  }
0x324: {  	v7 =	vsub.s32 $0x5F3759DF, v7  }
0x325: {  	v63 =	vmul.f32 v7, v62;
	_ =	sdelay $0x1  }
0x326: {  	v9 =	vmul.f32 v7, v63;
	_ =	sdelay $0x1  }
0x327: {  	v9 =	vsub.f32 $1.500000000e+00, v9;
	_ =	sdelay $0x1  }
0x328: {  	v7 =	vmul.f32 v7, v9;
	_ =	sdelay $0x1  }
0x329: {  	v9 =	vmul.f32 v7, v62;
	_ =	sdelay $0x1  }
0x32a: {  	v9 =	vmul.f32 v9, v7;
	_ =	sdelay $0x1  }
0x32b: {  	v9 =	vsub.f32 $1.500000000e+00, v9;
	_ =	sdelay $0x1  }
0x32c: {  	v7 =	vmul.f32 v9, v7;
	_ =	sdelay $0x1  }
0x32d: {  	v8 =	vmul.f32 v7, v62;
	_ =	sdelay $0x1  }
0x32e: {  	v8 =	vmul.f32 v8, v7;
	_ =	sdelay $0x1  }
0x32f: {  	v8 =	vsub.f32 $1.500000000e+00, v8;
	_ =	sdelay $0x1  }
0x330: {  	v7 =	vmul.f32 v8, v7  }
0x331: {  	s6 =	sadd.s32 $0x1, s6  }
0x332: {  	p0 =	sne.s32 s6, $0x40;
	v7 =	vmul.f32 v7, v6  }
.Ltmp1:
0x333: {  	vm0 =	vgt.f32 v6, $0.0e+00;
	(pc) =	sbr.rel @p0 .LBB2_1-.Ltmp1, $3  }
0x334: {  	v6 =	vnsel vm0, $0x0, v7  }
0x335: {  	v5 =	vmul.f32 v6, v5;
	_ =	sdelay $0x1  }
0x336: {  	v2 =	vadd.f32 v5, v2  }
0x337: {  	s3 =	sshll.u32 s1, $0x1;
	s30 =	simm.s32 $0x0  }
0x338: {  	s4 =	simm.s32 $0x11CC0;
	s31 =	simm.s32 $0x5;
	s2 =	sadd.s32 s2, s3;
	[tilespmem:$0x11CC0] =	vst v2  }
0x339: {  	[hbm4b:s2+s30] =	stream.linear.scatter [tilespmem:s4], [sflag:$0x5], $0x10, $0x38;
	[tilespmem:$0x12910] =	vst v63  }
0x33a: {  	_ =	swait.ge [sflag:s31], $0x10  }
0x33b: {  	[sflag:s31] =	ssyncset.done $0x0  }
0x33c: {  	[sflag:s31] =	ssyncadd.s32 $0xFFFFFFF0  }
0x33d: {  	_ =	sfence.sel $0x180000  }
0x33e: {  	[bflag:$0x0] =	sbarrier.arrive $0xFFFF  }
0x33f: {  	p0 =	sne.s32 s1, $0x0;
	_ =	strace $0x90000047  }
0x340: {  	s0 =	sadd.s32 @!p0 $0x100000, s0;
	[bflag:$0x2] =	sbarrier.arrive $0xFFFF  }
0x341: {  	[sflag:s0] =	ssyncadd.tile.s32 @!p0 $0x1;
	_ =	shalt  }
.Lfunc_end2:
_tile_overlayer_lowered:
.L_overlay_start_2:
0x342: {  	(tag) =	ssettag $0x2  }
0x343: {  	s0 =	rddreg [dreg:$0x0];
	s2 =	stileid.u32  }
0x344: {  	s1 =	rddreg [dreg:$0x1];
	p0 =	sne.s32 s2, $0x0  }
0x345: {  	s3 =	rddreg [dreg:$0x2];
	[bflag:$0x3] =	sbarrier.arrive $0xFFFF;
	s2 =	simm.s32 @!p0 $0x1C05  }
0x346: {  	[timem:s3], [sflag:s2] =	dma.local @!p0 [hbm:s0], s1  }
0x347: {  	s0 =	simm.s32 @!p0 $0x5  }
0x348: {  	_ =	swait.ge @!p0 [sflag:s0], s1  }
0x349: {  	s1 =	ssub.s32 @!p0 $0x0, s1;
	[sflag:s0] =	ssyncset.done @!p0 $0x0  }
0x34a: {  	[sflag:s0] =	ssyncadd.s32 @!p0 s1  }
0x34b: {  	[bflag:$0x3] =	sbarrier.arrive $0xFFFF  }
0x34c: {  	_ =	shalt  }

</sc_bundles>
